<compile_context>
chip_gen: v7x
topology: tpu7x:2x2x1
jax: 0.10.2.dev20260603
libtpu: 0.0.44.dev20260713+nightly
codegen_flags: <defaults>
</compile_context>

<pallas_src>
import functools

import jax
import jax.numpy as jnp
from jax import lax
from jax.experimental import pallas as pl
from jax.experimental.pallas import tpu as pltpu
from jax.experimental.pallas import tpu_sc as plsc

N_NODES = 10000
N_EDGES = 320000
D = 128

NPAD = 10240
NC = 2
NS = 16
CHUNK = 80
E_PER_W = N_EDGES // (NC * NS)
NCHUNK = E_PER_W // CHUNK
ROWS_PER_TILE = NPAD // NS


def _tc_pre(x_ref, qwT_ref, qb_ref, out_ref):
    acc = jnp.dot(x_ref[...], qwT_ref[...], preferred_element_type=jnp.float32)
    out_ref[...] = jnp.maximum(acc + qb_ref[...], 0.0)


def _sc_body(nsrc_hbm, src_hbm, dst_hbm, w_hbm, acc_out, ws_out,
             srcv, dstv, wv, rows, zbuf, wszbuf, acc_sh, ws_sh):
    c = lax.axis_index("c")
    s = lax.axis_index("s")
    zero16 = jnp.zeros((16,), jnp.float32)

    def zrow(r, carry):
        for j in range(D // 16):
            zbuf[r, pl.ds(j * 16, 16)] = zero16
        return carry
    lax.fori_loop(0, CHUNK, zrow, 0)

    def zws(i, carry):
        wszbuf[pl.ds(i * 16, 16)] = zero16
        return carry
    lax.fori_loop(0, ROWS_PER_TILE // 16, zws, 0)

    base = s * ROWS_PER_TILE
    for j in range(ROWS_PER_TILE // CHUNK):
        pltpu.sync_copy(zbuf, acc_sh.at[pl.ds(base + j * CHUNK, CHUNK)])
    pltpu.sync_copy(wszbuf, ws_sh.at[pl.ds(base, ROWS_PER_TILE)])
    plsc.subcore_barrier()

    ebase = c * (N_EDGES // NC) + s * E_PER_W

    def chunk_body(i, carry):
        off = ebase + i * CHUNK
        pltpu.sync_copy(src_hbm.at[pl.ds(off, CHUNK)], srcv)
        pltpu.sync_copy(dst_hbm.at[pl.ds(off, CHUNK)], dstv)
        pltpu.sync_copy(w_hbm.at[pl.ds(off, CHUNK)], wv)
        pltpu.sync_copy(nsrc_hbm.at[srcv], rows)

        def grp_body(g, gcarry):
            wgrp = wv[pl.ds(g * 16, 16)]
            for t in range(16):
                wvec = jnp.full((16,), wgrp[t], jnp.float32)
                r = g * 16 + t
                for j in range(D // 16):
                    sl = pl.ds(j * 16, 16)
                    rows[r, sl] = rows[r, sl] * wvec
            return gcarry
        lax.fori_loop(0, CHUNK // 16, grp_body, 0)

        pltpu.sync_copy(rows, acc_sh.at[dstv], add=True)
        pltpu.sync_copy(wv, ws_sh.at[dstv], add=True)
        return carry
    lax.fori_loop(0, NCHUNK, chunk_body, 0)
    plsc.subcore_barrier()

    for j in range(ROWS_PER_TILE // CHUNK):
        sl = pl.ds(base + j * CHUNK, CHUNK)
        pltpu.sync_copy(acc_sh.at[sl], acc_out.at[c, sl])
    pltpu.sync_copy(ws_sh.at[pl.ds(base, ROWS_PER_TILE)],
                    ws_out.at[c, pl.ds(base, ROWS_PER_TILE)])


_sc_scatter = functools.partial(
    pl.kernel,
    out_type=(jax.ShapeDtypeStruct((NC, NPAD, D), jnp.float32),
              jax.ShapeDtypeStruct((NC, NPAD), jnp.float32)),
    mesh=plsc.VectorSubcoreMesh(core_axis_name="c", subcore_axis_name="s"),
    scratch_types=[
        pltpu.VMEM((CHUNK,), jnp.int32),
        pltpu.VMEM((CHUNK,), jnp.int32),
        pltpu.VMEM((CHUNK,), jnp.float32),
        pltpu.VMEM((CHUNK, D), jnp.float32),
        pltpu.VMEM((CHUNK, D), jnp.float32),
        pltpu.VMEM((ROWS_PER_TILE,), jnp.float32),
        pltpu.VMEM_SHARED((NPAD, D), jnp.float32),
        pltpu.VMEM_SHARED((NPAD,), jnp.float32),
    ],
)(_sc_body)


def _tc_post(acc_ref, ws_ref, x_ref, w1T_ref, w2T_ref, wb_ref, out_ref):
    n = acc_ref[0] + acc_ref[1]
    ws = jnp.maximum(ws_ref[0] + ws_ref[1], 1.0)
    h = n / ws
    z = jnp.dot(h, w1T_ref[...], preferred_element_type=jnp.float32)
    z = z + jnp.dot(x_ref[...], w2T_ref[...], preferred_element_type=jnp.float32)
    z = jnp.maximum(z + wb_ref[...], 0.0)
    norm = jnp.sqrt(jnp.sum(z * z, axis=1, keepdims=True))
    norm = jnp.where(norm == 0.0, 1.0, norm)
    out_ref[...] = z / norm


def kernel(x, edge_index, edge_weight, Q_w, Q_b, W_w, W_b):
    x_pad = jnp.pad(x, ((0, NPAD - N_NODES), (0, 0)))
    src = edge_index[0]
    dst = edge_index[1]
    w = edge_weight.astype(jnp.float32)

    nsrc = pl.pallas_call(
        _tc_pre,
        out_shape=jax.ShapeDtypeStruct((NPAD, D), jnp.float32),
    )(x_pad, Q_w.T, Q_b.reshape(1, D))

    acc, ws = _sc_scatter(nsrc, src, dst, w)

    out = pl.pallas_call(
        _tc_post,
        out_shape=jax.ShapeDtypeStruct((NPAD, D), jnp.float32),
    )(acc, ws.reshape(NC, NPAD, 1), x_pad,
      W_w[:, :D].T, W_w[:, D:].T, W_b.reshape(1, D))
    return out[:N_NODES]

# --- scband reference (transcript-rebuilt; emitter-appended) ---
"""Pipeline reference for scband-weighted-sageconv-1864015806488 (READ-ONLY COPY).

The authoritative reference and input builder live on the scoring server;
editing this copy changes nothing except your own understanding.
"""

import jax, jax.numpy as jnp
import numpy as np

N_NODES = 10000
N_EDGES = 320000
D_IN = 128
D_H = 128
D_OUT = 128


def _xavier_uniform(key, fan_out, fan_in, gain):
    limit = gain * np.sqrt(6.0 / (fan_in + fan_out))
    return jax.random.uniform(key, (fan_out, fan_in), dtype=jnp.float32, minval=-limit, maxval=limit)


def setup_inputs(seed: int = 0) -> dict:
    key = jax.random.key(seed)
    ks = jax.random.split(key, 6)
    gain = float(np.sqrt(2.0))  # calculate_gain('relu')
    x = jax.random.normal(ks[0], (N_NODES, D_IN), dtype=jnp.float32)
    edge_index = jax.random.randint(ks[1], (2, N_EDGES), 0, N_NODES, dtype=jnp.int32)
    edge_weight = jax.random.uniform(ks[2], (N_EDGES,), dtype=jnp.float32)
    Q_w = _xavier_uniform(ks[3], D_H, D_IN, gain)
    Q_b = jnp.zeros((D_H,), dtype=jnp.float32)
    W_w = _xavier_uniform(ks[4], D_OUT, D_IN + D_H, gain)
    W_b = jnp.zeros((D_OUT,), dtype=jnp.float32)
    return {"x": x, "edge_index": edge_index, "edge_weight": edge_weight,
            "Q_w": Q_w, "Q_b": Q_b, "W_w": W_w, "W_b": W_b}


def reference(x, edge_index, edge_weight, Q_w, Q_b, W_w, W_b):
    # Dropout is identity in eval mode. h_src = h_dst = x (homogeneous graph).
    src = edge_index[0]
    dst = edge_index[1]
    w = edge_weight.astype(jnp.float32)
    # g.srcdata['n'] = act(Q(dropout(h_src)))
    n_src = jax.nn.relu(x @ Q_w.T + Q_b)
    # update_all(u_mul_e('n','w','m'), sum('m','n')): gather src feats, scale by edge weight, scatter-add to dst
    msg = n_src[src] * w[:, None]
    n = jax.ops.segment_sum(msg, dst, num_segments=N_NODES)
    # update_all(copy_e('w','m'), sum('m','ws')): sum of incident edge weights per dst node
    ws = jax.ops.segment_sum(w, dst, num_segments=N_NODES)
    ws = jnp.maximum(ws, 1.0)[:, None]  # .unsqueeze(1).clamp(min=1)
    # z = act(W(dropout(cat([n/ws, h_dst], 1))))
    z = jax.nn.relu(jnp.concatenate([n / ws, x], axis=1) @ W_w.T + W_b)
    z_norm = jnp.linalg.norm(z, ord=2, axis=1, keepdims=True)
    z_norm = jnp.where(z_norm == 0, jnp.asarray(1.0, dtype=z_norm.dtype), z_norm)
    return z / z_norm

if __name__ == "__main__":
    import jax
    _d = setup_inputs()
    print(jax.jit(kernel)(*tuple(_d.values())))

</pallas_src>

<mosaic_0001>
#map = affine_map<(d0, d1) -> (0, 0)>
#map1 = affine_map<(d0, d1) -> (0)>
#map2 = affine_map<(d0, d1) -> (0, 0, 0)>
module attributes {stable_mosaic.version = 14 : i64} {
  func.func @_sc_body(%arg0: i32, %arg1: i32, %arg2: memref<10240x128xf32, #tpu.memory_space<hbm>>, %arg3: memref<320000xi32, #tpu.memory_space<hbm>>, %arg4: memref<320000xi32, #tpu.memory_space<hbm>>, %arg5: memref<320000xf32, #tpu.memory_space<hbm>>, %arg6: memref<2x10240x128xf32, #tpu.memory_space<hbm>>, %arg7: memref<2x10240xf32, #tpu.memory_space<hbm>>, %arg8: memref<80xi32, #tpu.memory_space<vmem>>, %arg9: memref<80xi32, #tpu.memory_space<vmem>>, %arg10: memref<80xf32, #tpu.memory_space<vmem>>, %arg11: memref<80x128xf32, #tpu.memory_space<vmem>>, %arg12: memref<80x128xf32, #tpu.memory_space<vmem>>, %arg13: memref<640xf32, #tpu.memory_space<vmem>>, %arg14: memref<10240x128xf32, #tpu.memory_space<vmem_shared>>, %arg15: memref<10240xf32, #tpu.memory_space<vmem_shared>>) attributes {dimension_semantics = [#tpu.dimension_semantics<core_parallel>, #tpu.dimension_semantics<subcore_parallel>], iteration_bounds = array<i64: 2, 16>, scalar_prefetch = 0 : i64, scratch_operands = 8 : i64, tpu.core_type = #tpu.core_type<sc_vector_subcore>, window_params = [{transform_indices = #map}, {transform_indices = #map1}, {transform_indices = #map1}, {transform_indices = #map1}, {transform_indices = #map2}, {transform_indices = #map}]} {
    %broadcast_in_dim3A = arith.constant 0.000000e+00 : f32
    %broadcast_in_dim3A_0 = vector.broadcast %broadcast_in_dim3A : f32 to vector<16xf32>
    %scan3A = arith.constant 0 : i32
    %scan3A_1 = arith.constant 0 : i32
    %scan3A_2 = arith.constant 80 : i32
    %scan3A_3 = arith.addi %scan3A_1, %scan3A_2 : i32
    %scan3A_4 = arith.constant 1 : i32
    scf.for %scan3A_56 = %scan3A_1 to %scan3A_3 step %scan3A_4  : i32 {
      %swap3A = arith.index_cast %scan3A_56 : i32 to index
      %swap3A_57 = arith.constant 0 : index
      %swap3A_58 = tpu.vector_load %arg12[%swap3A, %swap3A_57] {strides = array<i32>} : memref<80x128xf32, #tpu.memory_space<vmem>>, vector<1x16xf32>,
      %swap3A_59 = vector.shape_cast %swap3A_58 : vector<1x16xf32> to vector<16xf32>
      %swap3A_60 = vector.shape_cast %broadcast_in_dim3A_0 : vector<16xf32> to vector<1x16xf32>
      tpu.vector_store %arg12[%swap3A, %swap3A_57], %swap3A_60 {strides = array<i32>} : memref<80x128xf32, #tpu.memory_space<vmem>>, vector<1x16xf32>,
      %swap3A_61 = arith.index_cast %scan3A_56 : i32 to index
      %swap3A_62 = arith.constant 16 : index
      %swap3A_63 = tpu.vector_load %arg12[%swap3A_61, %swap3A_62] {strides = array<i32>} : memref<80x128xf32, #tpu.memory_space<vmem>>, vector<1x16xf32>,
      %swap3A_64 = vector.shape_cast %swap3A_63 : vector<1x16xf32> to vector<16xf32>
      %swap3A_65 = vector.shape_cast %broadcast_in_dim3A_0 : vector<16xf32> to vector<1x16xf32>
      tpu.vector_store %arg12[%swap3A_61, %swap3A_62], %swap3A_65 {strides = array<i32>} : memref<80x128xf32, #tpu.memory_space<vmem>>, vector<1x16xf32>,
      %swap3A_66 = arith.index_cast %scan3A_56 : i32 to index
      %swap3A_67 = arith.constant 32 : index
      %swap3A_68 = tpu.vector_load %arg12[%swap3A_66, %swap3A_67] {strides = array<i32>} : memref<80x128xf32, #tpu.memory_space<vmem>>, vector<1x16xf32>,
      %swap3A_69 = vector.shape_cast %swap3A_68 : vector<1x16xf32> to vector<16xf32>
      %swap3A_70 = vector.shape_cast %broadcast_in_dim3A_0 : vector<16xf32> to vector<1x16xf32>
      tpu.vector_store %arg12[%swap3A_66, %swap3A_67], %swap3A_70 {strides = array<i32>} : memref<80x128xf32, #tpu.memory_space<vmem>>, vector<1x16xf32>,
      %swap3A_71 = arith.index_cast %scan3A_56 : i32 to index
      %swap3A_72 = arith.constant 48 : index
      %swap3A_73 = tpu.vector_load %arg12[%swap3A_71, %swap3A_72] {strides = array<i32>} : memref<80x128xf32, #tpu.memory_space<vmem>>, vector<1x16xf32>,
      %swap3A_74 = vector.shape_cast %swap3A_73 : vector<1x16xf32> to vector<16xf32>
      %swap3A_75 = vector.shape_cast %broadcast_in_dim3A_0 : vector<16xf32> to vector<1x16xf32>
      tpu.vector_store %arg12[%swap3A_71, %swap3A_72], %swap3A_75 {strides = array<i32>} : memref<80x128xf32, #tpu.memory_space<vmem>>, vector<1x16xf32>,
      %swap3A_76 = arith.index_cast %scan3A_56 : i32 to index
      %swap3A_77 = arith.constant 64 : index
      %swap3A_78 = tpu.vector_load %arg12[%swap3A_76, %swap3A_77] {strides = array<i32>} : memref<80x128xf32, #tpu.memory_space<vmem>>, vector<1x16xf32>,
      %swap3A_79 = vector.shape_cast %swap3A_78 : vector<1x16xf32> to vector<16xf32>
      %swap3A_80 = vector.shape_cast %broadcast_in_dim3A_0 : vector<16xf32> to vector<1x16xf32>
      tpu.vector_store %arg12[%swap3A_76, %swap3A_77], %swap3A_80 {strides = array<i32>} : memref<80x128xf32, #tpu.memory_space<vmem>>, vector<1x16xf32>,
      %swap3A_81 = arith.index_cast %scan3A_56 : i32 to index
      %swap3A_82 = arith.constant 80 : index
      %swap3A_83 = tpu.vector_load %arg12[%swap3A_81, %swap3A_82] {strides = array<i32>} : memref<80x128xf32, #tpu.memory_space<vmem>>, vector<1x16xf32>,
      %swap3A_84 = vector.shape_cast %swap3A_83 : vector<1x16xf32> to vector<16xf32>
      %swap3A_85 = vector.shape_cast %broadcast_in_dim3A_0 : vector<16xf32> to vector<1x16xf32>
      tpu.vector_store %arg12[%swap3A_81, %swap3A_82], %swap3A_85 {strides = array<i32>} : memref<80x128xf32, #tpu.memory_space<vmem>>, vector<1x16xf32>,
      %swap3A_86 = arith.index_cast %scan3A_56 : i32 to index
      %swap3A_87 = arith.constant 96 : index
      %swap3A_88 = tpu.vector_load %arg12[%swap3A_86, %swap3A_87] {strides = array<i32>} : memref<80x128xf32, #tpu.memory_space<vmem>>, vector<1x16xf32>,
      %swap3A_89 = vector.shape_cast %swap3A_88 : vector<1x16xf32> to vector<16xf32>
      %swap3A_90 = vector.shape_cast %broadcast_in_dim3A_0 : vector<16xf32> to vector<1x16xf32>
      tpu.vector_store %arg12[%swap3A_86, %swap3A_87], %swap3A_90 {strides = array<i32>} : memref<80x128xf32, #tpu.memory_space<vmem>>, vector<1x16xf32>,
      %swap3A_91 = arith.index_cast %scan3A_56 : i32 to index
      %swap3A_92 = arith.constant 112 : index
      %swap3A_93 = tpu.vector_load %arg12[%swap3A_91, %swap3A_92] {strides = array<i32>} : memref<80x128xf32, #tpu.memory_space<vmem>>, vector<1x16xf32>,
      %swap3A_94 = vector.shape_cast %swap3A_93 : vector<1x16xf32> to vector<16xf32>
      %swap3A_95 = vector.shape_cast %broadcast_in_dim3A_0 : vector<16xf32> to vector<1x16xf32>
      tpu.vector_store %arg12[%swap3A_91, %swap3A_92], %swap3A_95 {strides = array<i32>} : memref<80x128xf32, #tpu.memory_space<vmem>>, vector<1x16xf32>,
    }
    %scan3A_5 = arith.constant 80 : i32
    %scan3A_6 = arith.constant 0 : i32
    %scan3A_7 = arith.constant 0 : i32
    %scan3A_8 = arith.constant 40 : i32
    %scan3A_9 = arith.addi %scan3A_7, %scan3A_8 : i32
    %scan3A_10 = arith.constant 1 : i32
    scf.for %scan3A_56 = %scan3A_7 to %scan3A_9 step %scan3A_10  : i32 {
      %mul3A_57 = arith.constant 16 : i32
      %mul3A_58 = arith.muli %scan3A_56, %mul3A_57 : i32
      %swap3A = arith.index_cast %mul3A_58 : i32 to index
      %swap3A_59 = tpu.vector_load %arg13[%swap3A] {strides = array<i32>} : memref<640xf32, #tpu.memory_space<vmem>>, vector<16xf32>,
      %swap3A_60 = vector.shape_cast %swap3A_59 : vector<16xf32> to vector<16xf32>
      %swap3A_61 = vector.shape_cast %broadcast_in_dim3A_0 : vector<16xf32> to vector<16xf32>
      tpu.vector_store %arg13[%swap3A], %swap3A_61 {strides = array<i32>} : memref<640xf32, #tpu.memory_space<vmem>>, vector<16xf32>,
    }
    %scan3A_11 = arith.constant 40 : i32
    %mul3A = arith.constant 640 : i32
    %mul3A_12 = arith.muli %arg1, %mul3A : i32
    %add3A = arith.constant 0 : i32
    %add3A_13 = arith.addi %mul3A_12, %add3A : i32
    "tpu.region"() ({
      %run_scoped3A = tpu.sem_alloc : memref<!tpu.dma_semaphore, #tpu.memory_space<semaphore_mem>>
      %dma_start3A = arith.constant 0 : i32
      %dma_start3A_56 = tpu.memref_slice %arg14[%add3A_13, %dma_start3A] : memref<10240x128xf32, #tpu.memory_space<vmem_shared>> -> memref<80x128xf32, #tpu.memory_space<vmem_shared>>
      %dma_start3A_57 = arith.constant 0 : i32
      %dma_start3A_58 = tpu.memref_slice %arg14[%add3A_13, %dma_start3A_57] : memref<10240x128xf32, #tpu.memory_space<vmem_shared>> -> memref<80x128xf32, #tpu.memory_space<vmem_shared>>
      tpu.enqueue_dma source(%arg12 : memref<80x128xf32, #tpu.memory_space<vmem>>) target(%dma_start3A_58 : memref<80x128xf32, #tpu.memory_space<vmem_shared>>) target_semaphore(%run_scoped3A : memref<!tpu.dma_semaphore, #tpu.memory_space<semaphore_mem>>)
      %dma_wait3A = arith.constant 0 : i32
      %dma_wait3A_59 = tpu.memref_slice %arg14[%add3A_13, %dma_wait3A] : memref<10240x128xf32, #tpu.memory_space<vmem_shared>> -> memref<80x128xf32, #tpu.memory_space<vmem_shared>>
      %dma_wait3A_60 = arith.constant 0 : i32
      %dma_wait3A_61 = tpu.memref_slice %arg14[%add3A_13, %dma_wait3A_60] : memref<10240x128xf32, #tpu.memory_space<vmem_shared>> -> memref<80x128xf32, #tpu.memory_space<vmem_shared>>
      tpu.wait_dma2 semaphore(%run_scoped3A : memref<!tpu.dma_semaphore, #tpu.memory_space<semaphore_mem>>) src(%arg12 : memref<80x128xf32, #tpu.memory_space<vmem>>) dst(%dma_wait3A_61 : memref<80x128xf32, #tpu.memory_space<vmem_shared>>)
      tpu.yield
    }) : () -> ()
    %add3A_14 = arith.constant 80 : i32
    %add3A_15 = arith.addi %mul3A_12, %add3A_14 : i32
    "tpu.region"() ({
      %run_scoped3A = tpu.sem_alloc : memref<!tpu.dma_semaphore, #tpu.memory_space<semaphore_mem>>
      %dma_start3A = arith.constant 0 : i32
      %dma_start3A_56 = tpu.memref_slice %arg14[%add3A_15, %dma_start3A] : memref<10240x128xf32, #tpu.memory_space<vmem_shared>> -> memref<80x128xf32, #tpu.memory_space<vmem_shared>>
      %dma_start3A_57 = arith.constant 0 : i32
      %dma_start3A_58 = tpu.memref_slice %arg14[%add3A_15, %dma_start3A_57] : memref<10240x128xf32, #tpu.memory_space<vmem_shared>> -> memref<80x128xf32, #tpu.memory_space<vmem_shared>>
      tpu.enqueue_dma source(%arg12 : memref<80x128xf32, #tpu.memory_space<vmem>>) target(%dma_start3A_58 : memref<80x128xf32, #tpu.memory_space<vmem_shared>>) target_semaphore(%run_scoped3A : memref<!tpu.dma_semaphore, #tpu.memory_space<semaphore_mem>>)
      %dma_wait3A = arith.constant 0 : i32
      %dma_wait3A_59 = tpu.memref_slice %arg14[%add3A_15, %dma_wait3A] : memref<10240x128xf32, #tpu.memory_space<vmem_shared>> -> memref<80x128xf32, #tpu.memory_space<vmem_shared>>
      %dma_wait3A_60 = arith.constant 0 : i32
      %dma_wait3A_61 = tpu.memref_slice %arg14[%add3A_15, %dma_wait3A_60] : memref<10240x128xf32, #tpu.memory_space<vmem_shared>> -> memref<80x128xf32, #tpu.memory_space<vmem_shared>>
      tpu.wait_dma2 semaphore(%run_scoped3A : memref<!tpu.dma_semaphore, #tpu.memory_space<semaphore_mem>>) src(%arg12 : memref<80x128xf32, #tpu.memory_space<vmem>>) dst(%dma_wait3A_61 : memref<80x128xf32, #tpu.memory_space<vmem_shared>>)
      tpu.yield
    }) : () -> ()
    %add3A_16 = arith.constant 160 : i32
    %add3A_17 = arith.addi %mul3A_12, %add3A_16 : i32
    "tpu.region"() ({
      %run_scoped3A = tpu.sem_alloc : memref<!tpu.dma_semaphore, #tpu.memory_space<semaphore_mem>>
      %dma_start3A = arith.constant 0 : i32
      %dma_start3A_56 = tpu.memref_slice %arg14[%add3A_17, %dma_start3A] : memref<10240x128xf32, #tpu.memory_space<vmem_shared>> -> memref<80x128xf32, #tpu.memory_space<vmem_shared>>
      %dma_start3A_57 = arith.constant 0 : i32
      %dma_start3A_58 = tpu.memref_slice %arg14[%add3A_17, %dma_start3A_57] : memref<10240x128xf32, #tpu.memory_space<vmem_shared>> -> memref<80x128xf32, #tpu.memory_space<vmem_shared>>
      tpu.enqueue_dma source(%arg12 : memref<80x128xf32, #tpu.memory_space<vmem>>) target(%dma_start3A_58 : memref<80x128xf32, #tpu.memory_space<vmem_shared>>) target_semaphore(%run_scoped3A : memref<!tpu.dma_semaphore, #tpu.memory_space<semaphore_mem>>)
      %dma_wait3A = arith.constant 0 : i32
      %dma_wait3A_59 = tpu.memref_slice %arg14[%add3A_17, %dma_wait3A] : memref<10240x128xf32, #tpu.memory_space<vmem_shared>> -> memref<80x128xf32, #tpu.memory_space<vmem_shared>>
      %dma_wait3A_60 = arith.constant 0 : i32
      %dma_wait3A_61 = tpu.memref_slice %arg14[%add3A_17, %dma_wait3A_60] : memref<10240x128xf32, #tpu.memory_space<vmem_shared>> -> memref<80x128xf32, #tpu.memory_space<vmem_shared>>
      tpu.wait_dma2 semaphore(%run_scoped3A : memref<!tpu.dma_semaphore, #tpu.memory_space<semaphore_mem>>) src(%arg12 : memref<80x128xf32, #tpu.memory_space<vmem>>) dst(%dma_wait3A_61 : memref<80x128xf32, #tpu.memory_space<vmem_shared>>)
      tpu.yield
    }) : () -> ()
    %add3A_18 = arith.constant 240 : i32
    %add3A_19 = arith.addi %mul3A_12, %add3A_18 : i32
    "tpu.region"() ({
      %run_scoped3A = tpu.sem_alloc : memref<!tpu.dma_semaphore, #tpu.memory_space<semaphore_mem>>
      %dma_start3A = arith.constant 0 : i32
      %dma_start3A_56 = tpu.memref_slice %arg14[%add3A_19, %dma_start3A] : memref<10240x128xf32, #tpu.memory_space<vmem_shared>> -> memref<80x128xf32, #tpu.memory_space<vmem_shared>>
      %dma_start3A_57 = arith.constant 0 : i32
      %dma_start3A_58 = tpu.memref_slice %arg14[%add3A_19, %dma_start3A_57] : memref<10240x128xf32, #tpu.memory_space<vmem_shared>> -> memref<80x128xf32, #tpu.memory_space<vmem_shared>>
      tpu.enqueue_dma source(%arg12 : memref<80x128xf32, #tpu.memory_space<vmem>>) target(%dma_start3A_58 : memref<80x128xf32, #tpu.memory_space<vmem_shared>>) target_semaphore(%run_scoped3A : memref<!tpu.dma_semaphore, #tpu.memory_space<semaphore_mem>>)
      %dma_wait3A = arith.constant 0 : i32
      %dma_wait3A_59 = tpu.memref_slice %arg14[%add3A_19, %dma_wait3A] : memref<10240x128xf32, #tpu.memory_space<vmem_shared>> -> memref<80x128xf32, #tpu.memory_space<vmem_shared>>
      %dma_wait3A_60 = arith.constant 0 : i32
      %dma_wait3A_61 = tpu.memref_slice %arg14[%add3A_19, %dma_wait3A_60] : memref<10240x128xf32, #tpu.memory_space<vmem_shared>> -> memref<80x128xf32, #tpu.memory_space<vmem_shared>>
      tpu.wait_dma2 semaphore(%run_scoped3A : memref<!tpu.dma_semaphore, #tpu.memory_space<semaphore_mem>>) src(%arg12 : memref<80x128xf32, #tpu.memory_space<vmem>>) dst(%dma_wait3A_61 : memref<80x128xf32, #tpu.memory_space<vmem_shared>>)
      tpu.yield
    }) : () -> ()
    %add3A_20 = arith.constant 320 : i32
    %add3A_21 = arith.addi %mul3A_12, %add3A_20 : i32
    "tpu.region"() ({
      %run_scoped3A = tpu.sem_alloc : memref<!tpu.dma_semaphore, #tpu.memory_space<semaphore_mem>>
      %dma_start3A = arith.constant 0 : i32
      %dma_start3A_56 = tpu.memref_slice %arg14[%add3A_21, %dma_start3A] : memref<10240x128xf32, #tpu.memory_space<vmem_shared>> -> memref<80x128xf32, #tpu.memory_space<vmem_shared>>
      %dma_start3A_57 = arith.constant 0 : i32
      %dma_start3A_58 = tpu.memref_slice %arg14[%add3A_21, %dma_start3A_57] : memref<10240x128xf32, #tpu.memory_space<vmem_shared>> -> memref<80x128xf32, #tpu.memory_space<vmem_shared>>
      tpu.enqueue_dma source(%arg12 : memref<80x128xf32, #tpu.memory_space<vmem>>) target(%dma_start3A_58 : memref<80x128xf32, #tpu.memory_space<vmem_shared>>) target_semaphore(%run_scoped3A : memref<!tpu.dma_semaphore, #tpu.memory_space<semaphore_mem>>)
      %dma_wait3A = arith.constant 0 : i32
      %dma_wait3A_59 = tpu.memref_slice %arg14[%add3A_21, %dma_wait3A] : memref<10240x128xf32, #tpu.memory_space<vmem_shared>> -> memref<80x128xf32, #tpu.memory_space<vmem_shared>>
      %dma_wait3A_60 = arith.constant 0 : i32
      %dma_wait3A_61 = tpu.memref_slice %arg14[%add3A_21, %dma_wait3A_60] : memref<10240x128xf32, #tpu.memory_space<vmem_shared>> -> memref<80x128xf32, #tpu.memory_space<vmem_shared>>
      tpu.wait_dma2 semaphore(%run_scoped3A : memref<!tpu.dma_semaphore, #tpu.memory_space<semaphore_mem>>) src(%arg12 : memref<80x128xf32, #tpu.memory_space<vmem>>) dst(%dma_wait3A_61 : memref<80x128xf32, #tpu.memory_space<vmem_shared>>)
      tpu.yield
    }) : () -> ()
    %add3A_22 = arith.constant 400 : i32
    %add3A_23 = arith.addi %mul3A_12, %add3A_22 : i32
    "tpu.region"() ({
      %run_scoped3A = tpu.sem_alloc : memref<!tpu.dma_semaphore, #tpu.memory_space<semaphore_mem>>
      %dma_start3A = arith.constant 0 : i32
      %dma_start3A_56 = tpu.memref_slice %arg14[%add3A_23, %dma_start3A] : memref<10240x128xf32, #tpu.memory_space<vmem_shared>> -> memref<80x128xf32, #tpu.memory_space<vmem_shared>>
      %dma_start3A_57 = arith.constant 0 : i32
      %dma_start3A_58 = tpu.memref_slice %arg14[%add3A_23, %dma_start3A_57] : memref<10240x128xf32, #tpu.memory_space<vmem_shared>> -> memref<80x128xf32, #tpu.memory_space<vmem_shared>>
      tpu.enqueue_dma source(%arg12 : memref<80x128xf32, #tpu.memory_space<vmem>>) target(%dma_start3A_58 : memref<80x128xf32, #tpu.memory_space<vmem_shared>>) target_semaphore(%run_scoped3A : memref<!tpu.dma_semaphore, #tpu.memory_space<semaphore_mem>>)
      %dma_wait3A = arith.constant 0 : i32
      %dma_wait3A_59 = tpu.memref_slice %arg14[%add3A_23, %dma_wait3A] : memref<10240x128xf32, #tpu.memory_space<vmem_shared>> -> memref<80x128xf32, #tpu.memory_space<vmem_shared>>
      %dma_wait3A_60 = arith.constant 0 : i32
      %dma_wait3A_61 = tpu.memref_slice %arg14[%add3A_23, %dma_wait3A_60] : memref<10240x128xf32, #tpu.memory_space<vmem_shared>> -> memref<80x128xf32, #tpu.memory_space<vmem_shared>>
      tpu.wait_dma2 semaphore(%run_scoped3A : memref<!tpu.dma_semaphore, #tpu.memory_space<semaphore_mem>>) src(%arg12 : memref<80x128xf32, #tpu.memory_space<vmem>>) dst(%dma_wait3A_61 : memref<80x128xf32, #tpu.memory_space<vmem_shared>>)
      tpu.yield
    }) : () -> ()
    %add3A_24 = arith.constant 480 : i32
    %add3A_25 = arith.addi %mul3A_12, %add3A_24 : i32
    "tpu.region"() ({
      %run_scoped3A = tpu.sem_alloc : memref<!tpu.dma_semaphore, #tpu.memory_space<semaphore_mem>>
      %dma_start3A = arith.constant 0 : i32
      %dma_start3A_56 = tpu.memref_slice %arg14[%add3A_25, %dma_start3A] : memref<10240x128xf32, #tpu.memory_space<vmem_shared>> -> memref<80x128xf32, #tpu.memory_space<vmem_shared>>
      %dma_start3A_57 = arith.constant 0 : i32
      %dma_start3A_58 = tpu.memref_slice %arg14[%add3A_25, %dma_start3A_57] : memref<10240x128xf32, #tpu.memory_space<vmem_shared>> -> memref<80x128xf32, #tpu.memory_space<vmem_shared>>
      tpu.enqueue_dma source(%arg12 : memref<80x128xf32, #tpu.memory_space<vmem>>) target(%dma_start3A_58 : memref<80x128xf32, #tpu.memory_space<vmem_shared>>) target_semaphore(%run_scoped3A : memref<!tpu.dma_semaphore, #tpu.memory_space<semaphore_mem>>)
      %dma_wait3A = arith.constant 0 : i32
      %dma_wait3A_59 = tpu.memref_slice %arg14[%add3A_25, %dma_wait3A] : memref<10240x128xf32, #tpu.memory_space<vmem_shared>> -> memref<80x128xf32, #tpu.memory_space<vmem_shared>>
      %dma_wait3A_60 = arith.constant 0 : i32
      %dma_wait3A_61 = tpu.memref_slice %arg14[%add3A_25, %dma_wait3A_60] : memref<10240x128xf32, #tpu.memory_space<vmem_shared>> -> memref<80x128xf32, #tpu.memory_space<vmem_shared>>
      tpu.wait_dma2 semaphore(%run_scoped3A : memref<!tpu.dma_semaphore, #tpu.memory_space<semaphore_mem>>) src(%arg12 : memref<80x128xf32, #tpu.memory_space<vmem>>) dst(%dma_wait3A_61 : memref<80x128xf32, #tpu.memory_space<vmem_shared>>)
      tpu.yield
    }) : () -> ()
    %add3A_26 = arith.constant 560 : i32
    %add3A_27 = arith.addi %mul3A_12, %add3A_26 : i32
    "tpu.region"() ({
      %run_scoped3A = tpu.sem_alloc : memref<!tpu.dma_semaphore, #tpu.memory_space<semaphore_mem>>
      %dma_start3A = arith.constant 0 : i32
      %dma_start3A_56 = tpu.memref_slice %arg14[%add3A_27, %dma_start3A] : memref<10240x128xf32, #tpu.memory_space<vmem_shared>> -> memref<80x128xf32, #tpu.memory_space<vmem_shared>>
      %dma_start3A_57 = arith.constant 0 : i32
      %dma_start3A_58 = tpu.memref_slice %arg14[%add3A_27, %dma_start3A_57] : memref<10240x128xf32, #tpu.memory_space<vmem_shared>> -> memref<80x128xf32, #tpu.memory_space<vmem_shared>>
      tpu.enqueue_dma source(%arg12 : memref<80x128xf32, #tpu.memory_space<vmem>>) target(%dma_start3A_58 : memref<80x128xf32, #tpu.memory_space<vmem_shared>>) target_semaphore(%run_scoped3A : memref<!tpu.dma_semaphore, #tpu.memory_space<semaphore_mem>>)
      %dma_wait3A = arith.constant 0 : i32
      %dma_wait3A_59 = tpu.memref_slice %arg14[%add3A_27, %dma_wait3A] : memref<10240x128xf32, #tpu.memory_space<vmem_shared>> -> memref<80x128xf32, #tpu.memory_space<vmem_shared>>
      %dma_wait3A_60 = arith.constant 0 : i32
      %dma_wait3A_61 = tpu.memref_slice %arg14[%add3A_27, %dma_wait3A_60] : memref<10240x128xf32, #tpu.memory_space<vmem_shared>> -> memref<80x128xf32, #tpu.memory_space<vmem_shared>>
      tpu.wait_dma2 semaphore(%run_scoped3A : memref<!tpu.dma_semaphore, #tpu.memory_space<semaphore_mem>>) src(%arg12 : memref<80x128xf32, #tpu.memory_space<vmem>>) dst(%dma_wait3A_61 : memref<80x128xf32, #tpu.memory_space<vmem_shared>>)
      tpu.yield
    }) : () -> ()
    "tpu.region"() ({
      %run_scoped3A = tpu.sem_alloc : memref<!tpu.dma_semaphore, #tpu.memory_space<semaphore_mem>>
      %dma_start3A = tpu.memref_slice %arg15[%mul3A_12] : memref<10240xf32, #tpu.memory_space<vmem_shared>> -> memref<640xf32, #tpu.memory_space<vmem_shared>>
      %dma_start3A_56 = tpu.memref_slice %arg15[%mul3A_12] : memref<10240xf32, #tpu.memory_space<vmem_shared>> -> memref<640xf32, #tpu.memory_space<vmem_shared>>
      tpu.enqueue_dma source(%arg13 : memref<640xf32, #tpu.memory_space<vmem>>) target(%dma_start3A_56 : memref<640xf32, #tpu.memory_space<vmem_shared>>) target_semaphore(%run_scoped3A : memref<!tpu.dma_semaphore, #tpu.memory_space<semaphore_mem>>)
      %dma_wait3A = tpu.memref_slice %arg15[%mul3A_12] : memref<10240xf32, #tpu.memory_space<vmem_shared>> -> memref<640xf32, #tpu.memory_space<vmem_shared>>
      %dma_wait3A_57 = tpu.memref_slice %arg15[%mul3A_12] : memref<10240xf32, #tpu.memory_space<vmem_shared>> -> memref<640xf32, #tpu.memory_space<vmem_shared>>
      tpu.wait_dma2 semaphore(%run_scoped3A : memref<!tpu.dma_semaphore, #tpu.memory_space<semaphore_mem>>) src(%arg13 : memref<640xf32, #tpu.memory_space<vmem>>) dst(%dma_wait3A_57 : memref<640xf32, #tpu.memory_space<vmem_shared>>)
      tpu.yield
    }) : () -> ()
    %barrier3A = arith.constant 0 : index
    tpu.barrier barrier_id(%barrier3A)
    %mul3A_28 = arith.constant 160000 : i32
    %mul3A_29 = arith.muli %arg0, %mul3A_28 : i32
    %mul3A_30 = arith.constant 10000 : i32
    %mul3A_31 = arith.muli %arg1, %mul3A_30 : i32
    %add3A_32 = arith.addi %mul3A_29, %mul3A_31 : i32
    %scan3A_33 = arith.constant 0 : i32
    %scan3A_34 = arith.constant 0 : i32
    %scan3A_35 = arith.constant 125 : i32
    %scan3A_36 = arith.addi %scan3A_34, %scan3A_35 : i32
    %scan3A_37 = arith.constant 1 : i32
    scf.for %scan3A_56 = %scan3A_34 to %scan3A_36 step %scan3A_37  : i32 {
      %mul3A_57 = arith.constant 80 : i32
      %mul3A_58 = arith.muli %scan3A_56, %mul3A_57 : i32
      %add3A_59 = arith.addi %add3A_32, %mul3A_58 : i32
      "tpu.region"() ({
        %run_scoped3A = tpu.sem_alloc : memref<!tpu.dma_semaphore, #tpu.memory_space<semaphore_mem>>
        %dma_start3A = tpu.memref_slice %arg3[%add3A_59] : memref<320000xi32, #tpu.memory_space<hbm>> -> memref<80xi32, #tpu.memory_space<hbm>>
        %dma_start3A_66 = tpu.memref_slice %arg3[%add3A_59] : memref<320000xi32, #tpu.memory_space<hbm>> -> memref<80xi32, #tpu.memory_space<hbm>>
        tpu.enqueue_dma source(%dma_start3A_66 : memref<80xi32, #tpu.memory_space<hbm>>) target(%arg8 : memref<80xi32, #tpu.memory_space<vmem>>) target_semaphore(%run_scoped3A : memref<!tpu.dma_semaphore, #tpu.memory_space<semaphore_mem>>)
        %dma_wait3A = tpu.memref_slice %arg3[%add3A_59] : memref<320000xi32, #tpu.memory_space<hbm>> -> memref<80xi32, #tpu.memory_space<hbm>>
        %dma_wait3A_67 = tpu.memref_slice %arg3[%add3A_59] : memref<320000xi32, #tpu.memory_space<hbm>> -> memref<80xi32, #tpu.memory_space<hbm>>
        tpu.wait_dma2 semaphore(%run_scoped3A : memref<!tpu.dma_semaphore, #tpu.memory_space<semaphore_mem>>) src(%dma_wait3A_67 : memref<80xi32, #tpu.memory_space<hbm>>) dst(%arg8 : memref<80xi32, #tpu.memory_space<vmem>>)
        tpu.yield
      }) : () -> ()
      "tpu.region"() ({
        %run_scoped3A = tpu.sem_alloc : memref<!tpu.dma_semaphore, #tpu.memory_space<semaphore_mem>>
        %dma_start3A = tpu.memref_slice %arg4[%add3A_59] : memref<320000xi32, #tpu.memory_space<hbm>> -> memref<80xi32, #tpu.memory_space<hbm>>
        %dma_start3A_66 = tpu.memref_slice %arg4[%add3A_59] : memref<320000xi32, #tpu.memory_space<hbm>> -> memref<80xi32, #tpu.memory_space<hbm>>
        tpu.enqueue_dma source(%dma_start3A_66 : memref<80xi32, #tpu.memory_space<hbm>>) target(%arg9 : memref<80xi32, #tpu.memory_space<vmem>>) target_semaphore(%run_scoped3A : memref<!tpu.dma_semaphore, #tpu.memory_space<semaphore_mem>>)
        %dma_wait3A = tpu.memref_slice %arg4[%add3A_59] : memref<320000xi32, #tpu.memory_space<hbm>> -> memref<80xi32, #tpu.memory_space<hbm>>
        %dma_wait3A_67 = tpu.memref_slice %arg4[%add3A_59] : memref<320000xi32, #tpu.memory_space<hbm>> -> memref<80xi32, #tpu.memory_space<hbm>>
        tpu.wait_dma2 semaphore(%run_scoped3A : memref<!tpu.dma_semaphore, #tpu.memory_space<semaphore_mem>>) src(%dma_wait3A_67 : memref<80xi32, #tpu.memory_space<hbm>>) dst(%arg9 : memref<80xi32, #tpu.memory_space<vmem>>)
        tpu.yield
      }) : () -> ()
      "tpu.region"() ({
        %run_scoped3A = tpu.sem_alloc : memref<!tpu.dma_semaphore, #tpu.memory_space<semaphore_mem>>
        %dma_start3A = tpu.memref_slice %arg5[%add3A_59] : memref<320000xf32, #tpu.memory_space<hbm>> -> memref<80xf32, #tpu.memory_space<hbm>>
        %dma_start3A_66 = tpu.memref_slice %arg5[%add3A_59] : memref<320000xf32, #tpu.memory_space<hbm>> -> memref<80xf32, #tpu.memory_space<hbm>>
        tpu.enqueue_dma source(%dma_start3A_66 : memref<80xf32, #tpu.memory_space<hbm>>) target(%arg10 : memref<80xf32, #tpu.memory_space<vmem>>) target_semaphore(%run_scoped3A : memref<!tpu.dma_semaphore, #tpu.memory_space<semaphore_mem>>)
        %dma_wait3A = tpu.memref_slice %arg5[%add3A_59] : memref<320000xf32, #tpu.memory_space<hbm>> -> memref<80xf32, #tpu.memory_space<hbm>>
        %dma_wait3A_67 = tpu.memref_slice %arg5[%add3A_59] : memref<320000xf32, #tpu.memory_space<hbm>> -> memref<80xf32, #tpu.memory_space<hbm>>
        tpu.wait_dma2 semaphore(%run_scoped3A : memref<!tpu.dma_semaphore, #tpu.memory_space<semaphore_mem>>) src(%dma_wait3A_67 : memref<80xf32, #tpu.memory_space<hbm>>) dst(%arg10 : memref<80xf32, #tpu.memory_space<vmem>>)
        tpu.yield
      }) : () -> ()
      "tpu.region"() ({
        %run_scoped3A = tpu.sem_alloc : memref<!tpu.dma_semaphore, #tpu.memory_space<semaphore_mem>>
        %dma_start3A = arith.constant 0 : i32
        %dma_start3A_66 = arith.constant 0 : i32
        %dma_start3A_67 = tpu.memref_slice %arg2[%dma_start3A, %dma_start3A_66] : memref<10240x128xf32, #tpu.memory_space<hbm>> -> memref<10240x128xf32, #tpu.memory_space<hbm>>
        tpu.enqueue_indirect_dma source(%dma_start3A_67 : memref<10240x128xf32, #tpu.memory_space<hbm>>) target(%arg11 : memref<80x128xf32, #tpu.memory_space<vmem>>) offsets(%arg8 : memref<80xi32, #tpu.memory_space<vmem>>) semaphore(%run_scoped3A : memref<!tpu.dma_semaphore, #tpu.memory_space<semaphore_mem>>)
        %dma_wait3A = arith.constant 0 : i32
        %dma_wait3A_68 = arith.constant 0 : i32
        %dma_wait3A_69 = tpu.memref_slice %arg2[%dma_wait3A, %dma_wait3A_68] : memref<10240x128xf32, #tpu.memory_space<hbm>> -> memref<10240x128xf32, #tpu.memory_space<hbm>>
        tpu.wait_indirect_dma semaphore(%run_scoped3A : memref<!tpu.dma_semaphore, #tpu.memory_space<semaphore_mem>>) src(%dma_wait3A_69 : memref<10240x128xf32, #tpu.memory_space<hbm>>) dst(%arg11 : memref<80x128xf32, #tpu.memory_space<vmem>>)
        tpu.yield
      }) : () -> ()
      %scan3A_60 = arith.constant 0 : i32
      %scan3A_61 = arith.constant 0 : i32
      %scan3A_62 = arith.constant 5 : i32
      %scan3A_63 = arith.addi %scan3A_61, %scan3A_62 : i32
      %scan3A_64 = arith.constant 1 : i32
      scf.for %scan3A_66 = %scan3A_61 to %scan3A_63 step %scan3A_64  : i32 {
        %mul3A_67 = arith.constant 16 : i32
        %mul3A_68 = arith.muli %scan3A_66, %mul3A_67 : i32
        %get3A = arith.index_cast %mul3A_68 : i32 to index
        %get3A_69 = tpu.vector_load %arg10[%get3A] {strides = array<i32>} : memref<80xf32, #tpu.memory_space<vmem>>, vector<16xf32>,
        %get3A_70 = vector.shape_cast %get3A_69 : vector<16xf32> to vector<16xf32>
        %slice3A = vector.extract_strided_slice %get3A_70 {offsets = [0], sizes = [1], strides = [1]} : vector<16xf32> to vector<1xf32>
        %squeeze3A = vector.extract %slice3A[0] : f32 from vector<1xf32>
        %broadcast_in_dim3A_71 = vector.broadcast %squeeze3A : f32 to vector<16xf32>
        %mul3A_72 = arith.constant 16 : i32
        %mul3A_73 = arith.muli %scan3A_66, %mul3A_72 : i32
        %add3A_74 = arith.constant 0 : i32
        %add3A_75 = arith.addi %mul3A_73, %add3A_74 : i32
        %get3A_76 = arith.index_cast %add3A_75 : i32 to index
        %get3A_77 = arith.constant 0 : index
        %get3A_78 = tpu.vector_load %arg11[%get3A_76, %get3A_77] {strides = array<i32>} : memref<80x128xf32, #tpu.memory_space<vmem>>, vector<1x16xf32>,
        %get3A_79 = vector.shape_cast %get3A_78 : vector<1x16xf32> to vector<16xf32>
        %mul3A_80 = arith.mulf %get3A_79, %broadcast_in_dim3A_71 : vector<16xf32>
        %swap3A = arith.index_cast %add3A_75 : i32 to index
        %swap3A_81 = arith.constant 0 : index
        %swap3A_82 = tpu.vector_load %arg11[%swap3A, %swap3A_81] {strides = array<i32>} : memref<80x128xf32, #tpu.memory_space<vmem>>, vector<1x16xf32>,
        %swap3A_83 = vector.shape_cast %swap3A_82 : vector<1x16xf32> to vector<16xf32>
        %swap3A_84 = vector.shape_cast %mul3A_80 : vector<16xf32> to vector<1x16xf32>
        tpu.vector_store %arg11[%swap3A, %swap3A_81], %swap3A_84 {strides = array<i32>} : memref<80x128xf32, #tpu.memory_space<vmem>>, vector<1x16xf32>,
        %get3A_85 = arith.index_cast %add3A_75 : i32 to index
        %get3A_86 = arith.constant 16 : index
        %get3A_87 = tpu.vector_load %arg11[%get3A_85, %get3A_86] {strides = array<i32>} : memref<80x128xf32, #tpu.memory_space<vmem>>, vector<1x16xf32>,
        %get3A_88 = vector.shape_cast %get3A_87 : vector<1x16xf32> to vector<16xf32>
        %mul3A_89 = arith.mulf %get3A_88, %broadcast_in_dim3A_71 : vector<16xf32>
        %swap3A_90 = arith.index_cast %add3A_75 : i32 to index
        %swap3A_91 = arith.constant 16 : index
        %swap3A_92 = tpu.vector_load %arg11[%swap3A_90, %swap3A_91] {strides = array<i32>} : memref<80x128xf32, #tpu.memory_space<vmem>>, vector<1x16xf32>,
        %swap3A_93 = vector.shape_cast %swap3A_92 : vector<1x16xf32> to vector<16xf32>
        %swap3A_94 = vector.shape_cast %mul3A_89 : vector<16xf32> to vector<1x16xf32>
        tpu.vector_store %arg11[%swap3A_90, %swap3A_91], %swap3A_94 {strides = array<i32>} : memref<80x128xf32, #tpu.memory_space<vmem>>, vector<1x16xf32>,
        %get3A_95 = arith.index_cast %add3A_75 : i32 to index
        %get3A_96 = arith.constant 32 : index
        %get3A_97 = tpu.vector_load %arg11[%get3A_95, %get3A_96] {strides = array<i32>} : memref<80x128xf32, #tpu.memory_space<vmem>>, vector<1x16xf32>,
        %get3A_98 = vector.shape_cast %get3A_97 : vector<1x16xf32> to vector<16xf32>
        %mul3A_99 = arith.mulf %get3A_98, %broadcast_in_dim3A_71 : vector<16xf32>
        %swap3A_100 = arith.index_cast %add3A_75 : i32 to index
        %swap3A_101 = arith.constant 32 : index
        %swap3A_102 = tpu.vector_load %arg11[%swap3A_100, %swap3A_101] {strides = array<i32>} : memref<80x128xf32, #tpu.memory_space<vmem>>, vector<1x16xf32>,
        %swap3A_103 = vector.shape_cast %swap3A_102 : vector<1x16xf32> to vector<16xf32>
        %swap3A_104 = vector.shape_cast %mul3A_99 : vector<16xf32> to vector<1x16xf32>
        tpu.vector_store %arg11[%swap3A_100, %swap3A_101], %swap3A_104 {strides = array<i32>} : memref<80x128xf32, #tpu.memory_space<vmem>>, vector<1x16xf32>,
        %get3A_105 = arith.index_cast %add3A_75 : i32 to index
        %get3A_106 = arith.constant 48 : index
        %get3A_107 = tpu.vector_load %arg11[%get3A_105, %get3A_106] {strides = array<i32>} : memref<80x128xf32, #tpu.memory_space<vmem>>, vector<1x16xf32>,
        %get3A_108 = vector.shape_cast %get3A_107 : vector<1x16xf32> to vector<16xf32>
        %mul3A_109 = arith.mulf %get3A_108, %broadcast_in_dim3A_71 : vector<16xf32>
        %swap3A_110 = arith.index_cast %add3A_75 : i32 to index
        %swap3A_111 = arith.constant 48 : index
        %swap3A_112 = tpu.vector_load %arg11[%swap3A_110, %swap3A_111] {strides = array<i32>} : memref<80x128xf32, #tpu.memory_space<vmem>>, vector<1x16xf32>,
        %swap3A_113 = vector.shape_cast %swap3A_112 : vector<1x16xf32> to vector<16xf32>
        %swap3A_114 = vector.shape_cast %mul3A_109 : vector<16xf32> to vector<1x16xf32>
        tpu.vector_store %arg11[%swap3A_110, %swap3A_111], %swap3A_114 {strides = array<i32>} : memref<80x128xf32, #tpu.memory_space<vmem>>, vector<1x16xf32>,
        %get3A_115 = arith.index_cast %add3A_75 : i32 to index
        %get3A_116 = arith.constant 64 : index
        %get3A_117 = tpu.vector_load %arg11[%get3A_115, %get3A_116] {strides = array<i32>} : memref<80x128xf32, #tpu.memory_space<vmem>>, vector<1x16xf32>,
        %get3A_118 = vector.shape_cast %get3A_117 : vector<1x16xf32> to vector<16xf32>
        %mul3A_119 = arith.mulf %get3A_118, %broadcast_in_dim3A_71 : vector<16xf32>
        %swap3A_120 = arith.index_cast %add3A_75 : i32 to index
        %swap3A_121 = arith.constant 64 : index
        %swap3A_122 = tpu.vector_load %arg11[%swap3A_120, %swap3A_121] {strides = array<i32>} : memref<80x128xf32, #tpu.memory_space<vmem>>, vector<1x16xf32>,
        %swap3A_123 = vector.shape_cast %swap3A_122 : vector<1x16xf32> to vector<16xf32>
        %swap3A_124 = vector.shape_cast %mul3A_119 : vector<16xf32> to vector<1x16xf32>
        tpu.vector_store %arg11[%swap3A_120, %swap3A_121], %swap3A_124 {strides = array<i32>} : memref<80x128xf32, #tpu.memory_space<vmem>>, vector<1x16xf32>,
        %get3A_125 = arith.index_cast %add3A_75 : i32 to index
        %get3A_126 = arith.constant 80 : index
        %get3A_127 = tpu.vector_load %arg11[%get3A_125, %get3A_126] {strides = array<i32>} : memref<80x128xf32, #tpu.memory_space<vmem>>, vector<1x16xf32>,
        %get3A_128 = vector.shape_cast %get3A_127 : vector<1x16xf32> to vector<16xf32>
        %mul3A_129 = arith.mulf %get3A_128, %broadcast_in_dim3A_71 : vector<16xf32>
        %swap3A_130 = arith.index_cast %add3A_75 : i32 to index
        %swap3A_131 = arith.constant 80 : index
        %swap3A_132 = tpu.vector_load %arg11[%swap3A_130, %swap3A_131] {strides = array<i32>} : memref<80x128xf32, #tpu.memory_space<vmem>>, vector<1x16xf32>,
        %swap3A_133 = vector.shape_cast %swap3A_132 : vector<1x16xf32> to vector<16xf32>
        %swap3A_134 = vector.shape_cast %mul3A_129 : vector<16xf32> to vector<1x16xf32>
        tpu.vector_store %arg11[%swap3A_130, %swap3A_131], %swap3A_134 {strides = array<i32>} : memref<80x128xf32, #tpu.memory_space<vmem>>, vector<1x16xf32>,
        %get3A_135 = arith.index_cast %add3A_75 : i32 to index
        %get3A_136 = arith.constant 96 : index
        %get3A_137 = tpu.vector_load %arg11[%get3A_135, %get3A_136] {strides = array<i32>} : memref<80x128xf32, #tpu.memory_space<vmem>>, vector<1x16xf32>,
        %get3A_138 = vector.shape_cast %get3A_137 : vector<1x16xf32> to vector<16xf32>
        %mul3A_139 = arith.mulf %get3A_138, %broadcast_in_dim3A_71 : vector<16xf32>
        %swap3A_140 = arith.index_cast %add3A_75 : i32 to index
        %swap3A_141 = arith.constant 96 : index
        %swap3A_142 = tpu.vector_load %arg11[%swap3A_140, %swap3A_141] {strides = array<i32>} : memref<80x128xf32, #tpu.memory_space<vmem>>, vector<1x16xf32>,
        %swap3A_143 = vector.shape_cast %swap3A_142 : vector<1x16xf32> to vector<16xf32>
        %swap3A_144 = vector.shape_cast %mul3A_139 : vector<16xf32> to vector<1x16xf32>
        tpu.vector_store %arg11[%swap3A_140, %swap3A_141], %swap3A_144 {strides = array<i32>} : memref<80x128xf32, #tpu.memory_space<vmem>>, vector<1x16xf32>,
        %get3A_145 = arith.index_cast %add3A_75 : i32 to index
        %get3A_146 = arith.constant 112 : index
        %get3A_147 = tpu.vector_load %arg11[%get3A_145, %get3A_146] {strides = array<i32>} : memref<80x128xf32, #tpu.memory_space<vmem>>, vector<1x16xf32>,
        %get3A_148 = vector.shape_cast %get3A_147 : vector<1x16xf32> to vector<16xf32>
        %mul3A_149 = arith.mulf %get3A_148, %broadcast_in_dim3A_71 : vector<16xf32>
        %swap3A_150 = arith.index_cast %add3A_75 : i32 to index
        %swap3A_151 = arith.constant 112 : index
        %swap3A_152 = tpu.vector_load %arg11[%swap3A_150, %swap3A_151] {strides = array<i32>} : memref<80x128xf32, #tpu.memory_space<vmem>>, vector<1x16xf32>,
        %swap3A_153 = vector.shape_cast %swap3A_152 : vector<1x16xf32> to vector<16xf32>
        %swap3A_154 = vector.shape_cast %mul3A_149 : vector<16xf32> to vector<1x16xf32>
        tpu.vector_store %arg11[%swap3A_150, %swap3A_151], %swap3A_154 {strides = array<i32>} : memref<80x128xf32, #tpu.memory_space<vmem>>, vector<1x16xf32>,
        %slice3A_155 = vector.extract_strided_slice %get3A_70 {offsets = [1], sizes = [1], strides = [1]} : vector<16xf32> to vector<1xf32>
        %squeeze3A_156 = vector.extract %slice3A_155[0] : f32 from vector<1xf32>
        %broadcast_in_dim3A_157 = vector.broadcast %squeeze3A_156 : f32 to vector<16xf32>
        %mul3A_158 = arith.constant 16 : i32
        %mul3A_159 = arith.muli %scan3A_66, %mul3A_158 : i32
        %add3A_160 = arith.constant 1 : i32
        %add3A_161 = arith.addi %mul3A_159, %add3A_160 : i32
        %get3A_162 = arith.index_cast %add3A_161 : i32 to index
        %get3A_163 = arith.constant 0 : index
        %get3A_164 = tpu.vector_load %arg11[%get3A_162, %get3A_163] {strides = array<i32>} : memref<80x128xf32, #tpu.memory_space<vmem>>, vector<1x16xf32>,
        %get3A_165 = vector.shape_cast %get3A_164 : vector<1x16xf32> to vector<16xf32>
        %mul3A_166 = arith.mulf %get3A_165, %broadcast_in_dim3A_157 : vector<16xf32>
        %swap3A_167 = arith.index_cast %add3A_161 : i32 to index
        %swap3A_168 = arith.constant 0 : index
        %swap3A_169 = tpu.vector_load %arg11[%swap3A_167, %swap3A_168] {strides = array<i32>} : memref<80x128xf32, #tpu.memory_space<vmem>>, vector<1x16xf32>,
        %swap3A_170 = vector.shape_cast %swap3A_169 : vector<1x16xf32> to vector<16xf32>
        %swap3A_171 = vector.shape_cast %mul3A_166 : vector<16xf32> to vector<1x16xf32>
        tpu.vector_store %arg11[%swap3A_167, %swap3A_168], %swap3A_171 {strides = array<i32>} : memref<80x128xf32, #tpu.memory_space<vmem>>, vector<1x16xf32>,
        %get3A_172 = arith.index_cast %add3A_161 : i32 to index
        %get3A_173 = arith.constant 16 : index
        %get3A_174 = tpu.vector_load %arg11[%get3A_172, %get3A_173] {strides = array<i32>} : memref<80x128xf32, #tpu.memory_space<vmem>>, vector<1x16xf32>,
        %get3A_175 = vector.shape_cast %get3A_174 : vector<1x16xf32> to vector<16xf32>
        %mul3A_176 = arith.mulf %get3A_175, %broadcast_in_dim3A_157 : vector<16xf32>
        %swap3A_177 = arith.index_cast %add3A_161 : i32 to index
        %swap3A_178 = arith.constant 16 : index
        %swap3A_179 = tpu.vector_load %arg11[%swap3A_177, %swap3A_178] {strides = array<i32>} : memref<80x128xf32, #tpu.memory_space<vmem>>, vector<1x16xf32>,
        %swap3A_180 = vector.shape_cast %swap3A_179 : vector<1x16xf32> to vector<16xf32>
        %swap3A_181 = vector.shape_cast %mul3A_176 : vector<16xf32> to vector<1x16xf32>
        tpu.vector_store %arg11[%swap3A_177, %swap3A_178], %swap3A_181 {strides = array<i32>} : memref<80x128xf32, #tpu.memory_space<vmem>>, vector<1x16xf32>,
        %get3A_182 = arith.index_cast %add3A_161 : i32 to index
        %get3A_183 = arith.constant 32 : index
        %get3A_184 = tpu.vector_load %arg11[%get3A_182, %get3A_183] {strides = array<i32>} : memref<80x128xf32, #tpu.memory_space<vmem>>, vector<1x16xf32>,
        %get3A_185 = vector.shape_cast %get3A_184 : vector<1x16xf32> to vector<16xf32>
        %mul3A_186 = arith.mulf %get3A_185, %broadcast_in_dim3A_157 : vector<16xf32>
        %swap3A_187 = arith.index_cast %add3A_161 : i32 to index
        %swap3A_188 = arith.constant 32 : index
        %swap3A_189 = tpu.vector_load %arg11[%swap3A_187, %swap3A_188] {strides = array<i32>} : memref<80x128xf32, #tpu.memory_space<vmem>>, vector<1x16xf32>,
        %swap3A_190 = vector.shape_cast %swap3A_189 : vector<1x16xf32> to vector<16xf32>
        %swap3A_191 = vector.shape_cast %mul3A_186 : vector<16xf32> to vector<1x16xf32>
        tpu.vector_store %arg11[%swap3A_187, %swap3A_188], %swap3A_191 {strides = array<i32>} : memref<80x128xf32, #tpu.memory_space<vmem>>, vector<1x16xf32>,
        %get3A_192 = arith.index_cast %add3A_161 : i32 to index
        %get3A_193 = arith.constant 48 : index
        %get3A_194 = tpu.vector_load %arg11[%get3A_192, %get3A_193] {strides = array<i32>} : memref<80x128xf32, #tpu.memory_space<vmem>>, vector<1x16xf32>,
        %get3A_195 = vector.shape_cast %get3A_194 : vector<1x16xf32> to vector<16xf32>
        %mul3A_196 = arith.mulf %get3A_195, %broadcast_in_dim3A_157 : vector<16xf32>
        %swap3A_197 = arith.index_cast %add3A_161 : i32 to index
        %swap3A_198 = arith.constant 48 : index
        %swap3A_199 = tpu.vector_load %arg11[%swap3A_197, %swap3A_198] {strides = array<i32>} : memref<80x128xf32, #tpu.memory_space<vmem>>, vector<1x16xf32>,
        %swap3A_200 = vector.shape_cast %swap3A_199 : vector<1x16xf32> to vector<16xf32>
        %swap3A_201 = vector.shape_cast %mul3A_196 : vector<16xf32> to vector<1x16xf32>
        tpu.vector_store %arg11[%swap3A_197, %swap3A_198], %swap3A_201 {strides = array<i32>} : memref<80x128xf32, #tpu.memory_space<vmem>>, vector<1x16xf32>,
        %get3A_202 = arith.index_cast %add3A_161 : i32 to index
        %get3A_203 = arith.constant 64 : index
        %get3A_204 = tpu.vector_load %arg11[%get3A_202, %get3A_203] {strides = array<i32>} : memref<80x128xf32, #tpu.memory_space<vmem>>, vector<1x16xf32>,
        %get3A_205 = vector.shape_cast %get3A_204 : vector<1x16xf32> to vector<16xf32>
        %mul3A_206 = arith.mulf %get3A_205, %broadcast_in_dim3A_157 : vector<16xf32>
        %swap3A_207 = arith.index_cast %add3A_161 : i32 to index
        %swap3A_208 = arith.constant 64 : index
        %swap3A_209 = tpu.vector_load %arg11[%swap3A_207, %swap3A_208] {strides = array<i32>} : memref<80x128xf32, #tpu.memory_space<vmem>>, vector<1x16xf32>,
        %swap3A_210 = vector.shape_cast %swap3A_209 : vector<1x16xf32> to vector<16xf32>
        %swap3A_211 = vector.shape_cast %mul3A_206 : vector<16xf32> to vector<1x16xf32>
        tpu.vector_store %arg11[%swap3A_207, %swap3A_208], %swap3A_211 {strides = array<i32>} : memref<80x128xf32, #tpu.memory_space<vmem>>, vector<1x16xf32>,
        %get3A_212 = arith.index_cast %add3A_161 : i32 to index
        %get3A_213 = arith.constant 80 : index
        %get3A_214 = tpu.vector_load %arg11[%get3A_212, %get3A_213] {strides = array<i32>} : memref<80x128xf32, #tpu.memory_space<vmem>>, vector<1x16xf32>,
        %get3A_215 = vector.shape_cast %get3A_214 : vector<1x16xf32> to vector<16xf32>
        %mul3A_216 = arith.mulf %get3A_215, %broadcast_in_dim3A_157 : vector<16xf32>
        %swap3A_217 = arith.index_cast %add3A_161 : i32 to index
        %swap3A_218 = arith.constant 80 : index
        %swap3A_219 = tpu.vector_load %arg11[%swap3A_217, %swap3A_218] {strides = array<i32>} : memref<80x128xf32, #tpu.memory_space<vmem>>, vector<1x16xf32>,
        %swap3A_220 = vector.shape_cast %swap3A_219 : vector<1x16xf32> to vector<16xf32>
        %swap3A_221 = vector.shape_cast %mul3A_216 : vector<16xf32> to vector<1x16xf32>
        tpu.vector_store %arg11[%swap3A_217, %swap3A_218], %swap3A_221 {strides = array<i32>} : memref<80x128xf32, #tpu.memory_space<vmem>>, vector<1x16xf32>,
        %get3A_222 = arith.index_cast %add3A_161 : i32 to index
        %get3A_223 = arith.constant 96 : index
        %get3A_224 = tpu.vector_load %arg11[%get3A_222, %get3A_223] {strides = array<i32>} : memref<80x128xf32, #tpu.memory_space<vmem>>, vector<1x16xf32>,
        %get3A_225 = vector.shape_cast %get3A_224 : vector<1x16xf32> to vector<16xf32>
        %mul3A_226 = arith.mulf %get3A_225, %broadcast_in_dim3A_157 : vector<16xf32>
        %swap3A_227 = arith.index_cast %add3A_161 : i32 to index
        %swap3A_228 = arith.constant 96 : index
        %swap3A_229 = tpu.vector_load %arg11[%swap3A_227, %swap3A_228] {strides = array<i32>} : memref<80x128xf32, #tpu.memory_space<vmem>>, vector<1x16xf32>,
        %swap3A_230 = vector.shape_cast %swap3A_229 : vector<1x16xf32> to vector<16xf32>
        %swap3A_231 = vector.shape_cast %mul3A_226 : vector<16xf32> to vector<1x16xf32>
        tpu.vector_store %arg11[%swap3A_227, %swap3A_228], %swap3A_231 {strides = array<i32>} : memref<80x128xf32, #tpu.memory_space<vmem>>, vector<1x16xf32>,
        %get3A_232 = arith.index_cast %add3A_161 : i32 to index
        %get3A_233 = arith.constant 112 : index
        %get3A_234 = tpu.vector_load %arg11[%get3A_232, %get3A_233] {strides = array<i32>} : memref<80x128xf32, #tpu.memory_space<vmem>>, vector<1x16xf32>,
        %get3A_235 = vector.shape_cast %get3A_234 : vector<1x16xf32> to vector<16xf32>
        %mul3A_236 = arith.mulf %get3A_235, %broadcast_in_dim3A_157 : vector<16xf32>
        %swap3A_237 = arith.index_cast %add3A_161 : i32 to index
        %swap3A_238 = arith.constant 112 : index
        %swap3A_239 = tpu.vector_load %arg11[%swap3A_237, %swap3A_238] {strides = array<i32>} : memref<80x128xf32, #tpu.memory_space<vmem>>, vector<1x16xf32>,
        %swap3A_240 = vector.shape_cast %swap3A_239 : vector<1x16xf32> to vector<16xf32>
        %swap3A_241 = vector.shape_cast %mul3A_236 : vector<16xf32> to vector<1x16xf32>
        tpu.vector_store %arg11[%swap3A_237, %swap3A_238], %swap3A_241 {strides = array<i32>} : memref<80x128xf32, #tpu.memory_space<vmem>>, vector<1x16xf32>,
        %slice3A_242 = vector.extract_strided_slice %get3A_70 {offsets = [2], sizes = [1], strides = [1]} : vector<16xf32> to vector<1xf32>
        %squeeze3A_243 = vector.extract %slice3A_242[0] : f32 from vector<1xf32>
        %broadcast_in_dim3A_244 = vector.broadcast %squeeze3A_243 : f32 to vector<16xf32>
        %mul3A_245 = arith.constant 16 : i32
        %mul3A_246 = arith.muli %scan3A_66, %mul3A_245 : i32
        %add3A_247 = arith.constant 2 : i32
        %add3A_248 = arith.addi %mul3A_246, %add3A_247 : i32
        %get3A_249 = arith.index_cast %add3A_248 : i32 to index
        %get3A_250 = arith.constant 0 : index
        %get3A_251 = tpu.vector_load %arg11[%get3A_249, %get3A_250] {strides = array<i32>} : memref<80x128xf32, #tpu.memory_space<vmem>>, vector<1x16xf32>,
        %get3A_252 = vector.shape_cast %get3A_251 : vector<1x16xf32> to vector<16xf32>
        %mul3A_253 = arith.mulf %get3A_252, %broadcast_in_dim3A_244 : vector<16xf32>
        %swap3A_254 = arith.index_cast %add3A_248 : i32 to index
        %swap3A_255 = arith.constant 0 : index
        %swap3A_256 = tpu.vector_load %arg11[%swap3A_254, %swap3A_255] {strides = array<i32>} : memref<80x128xf32, #tpu.memory_space<vmem>>, vector<1x16xf32>,
        %swap3A_257 = vector.shape_cast %swap3A_256 : vector<1x16xf32> to vector<16xf32>
        %swap3A_258 = vector.shape_cast %mul3A_253 : vector<16xf32> to vector<1x16xf32>
        tpu.vector_store %arg11[%swap3A_254, %swap3A_255], %swap3A_258 {strides = array<i32>} : memref<80x128xf32, #tpu.memory_space<vmem>>, vector<1x16xf32>,
        %get3A_259 = arith.index_cast %add3A_248 : i32 to index
        %get3A_260 = arith.constant 16 : index
        %get3A_261 = tpu.vector_load %arg11[%get3A_259, %get3A_260] {strides = array<i32>} : memref<80x128xf32, #tpu.memory_space<vmem>>, vector<1x16xf32>,
        %get3A_262 = vector.shape_cast %get3A_261 : vector<1x16xf32> to vector<16xf32>
        %mul3A_263 = arith.mulf %get3A_262, %broadcast_in_dim3A_244 : vector<16xf32>
        %swap3A_264 = arith.index_cast %add3A_248 : i32 to index
        %swap3A_265 = arith.constant 16 : index
        %swap3A_266 = tpu.vector_load %arg11[%swap3A_264, %swap3A_265] {strides = array<i32>} : memref<80x128xf32, #tpu.memory_space<vmem>>, vector<1x16xf32>,
        %swap3A_267 = vector.shape_cast %swap3A_266 : vector<1x16xf32> to vector<16xf32>
        %swap3A_268 = vector.shape_cast %mul3A_263 : vector<16xf32> to vector<1x16xf32>
        tpu.vector_store %arg11[%swap3A_264, %swap3A_265], %swap3A_268 {strides = array<i32>} : memref<80x128xf32, #tpu.memory_space<vmem>>, vector<1x16xf32>,
        %get3A_269 = arith.index_cast %add3A_248 : i32 to index
        %get3A_270 = arith.constant 32 : index
        %get3A_271 = tpu.vector_load %arg11[%get3A_269, %get3A_270] {strides = array<i32>} : memref<80x128xf32, #tpu.memory_space<vmem>>, vector<1x16xf32>,
        %get3A_272 = vector.shape_cast %get3A_271 : vector<1x16xf32> to vector<16xf32>
        %mul3A_273 = arith.mulf %get3A_272, %broadcast_in_dim3A_244 : vector<16xf32>
        %swap3A_274 = arith.index_cast %add3A_248 : i32 to index
        %swap3A_275 = arith.constant 32 : index
        %swap3A_276 = tpu.vector_load %arg11[%swap3A_274, %swap3A_275] {strides = array<i32>} : memref<80x128xf32, #tpu.memory_space<vmem>>, vector<1x16xf32>,
        %swap3A_277 = vector.shape_cast %swap3A_276 : vector<1x16xf32> to vector<16xf32>
        %swap3A_278 = vector.shape_cast %mul3A_273 : vector<16xf32> to vector<1x16xf32>
        tpu.vector_store %arg11[%swap3A_274, %swap3A_275], %swap3A_278 {strides = array<i32>} : memref<80x128xf32, #tpu.memory_space<vmem>>, vector<1x16xf32>,
        %get3A_279 = arith.index_cast %add3A_248 : i32 to index
        %get3A_280 = arith.constant 48 : index
        %get3A_281 = tpu.vector_load %arg11[%get3A_279, %get3A_280] {strides = array<i32>} : memref<80x128xf32, #tpu.memory_space<vmem>>, vector<1x16xf32>,
        %get3A_282 = vector.shape_cast %get3A_281 : vector<1x16xf32> to vector<16xf32>
        %mul3A_283 = arith.mulf %get3A_282, %broadcast_in_dim3A_244 : vector<16xf32>
        %swap3A_284 = arith.index_cast %add3A_248 : i32 to index
        %swap3A_285 = arith.constant 48 : index
        %swap3A_286 = tpu.vector_load %arg11[%swap3A_284, %swap3A_285] {strides = array<i32>} : memref<80x128xf32, #tpu.memory_space<vmem>>, vector<1x16xf32>,
        %swap3A_287 = vector.shape_cast %swap3A_286 : vector<1x16xf32> to vector<16xf32>
        %swap3A_288 = vector.shape_cast %mul3A_283 : vector<16xf32> to vector<1x16xf32>
        tpu.vector_store %arg11[%swap3A_284, %swap3A_285], %swap3A_288 {strides = array<i32>} : memref<80x128xf32, #tpu.memory_space<vmem>>, vector<1x16xf32>,
        %get3A_289 = arith.index_cast %add3A_248 : i32 to index
        %get3A_290 = arith.constant 64 : index
        %get3A_291 = tpu.vector_load %arg11[%get3A_289, %get3A_290] {strides = array<i32>} : memref<80x128xf32, #tpu.memory_space<vmem>>, vector<1x16xf32>,
        %get3A_292 = vector.shape_cast %get3A_291 : vector<1x16xf32> to vector<16xf32>
        %mul3A_293 = arith.mulf %get3A_292, %broadcast_in_dim3A_244 : vector<16xf32>
        %swap3A_294 = arith.index_cast %add3A_248 : i32 to index
        %swap3A_295 = arith.constant 64 : index
        %swap3A_296 = tpu.vector_load %arg11[%swap3A_294, %swap3A_295] {strides = array<i32>} : memref<80x128xf32, #tpu.memory_space<vmem>>, vector<1x16xf32>,
        %swap3A_297 = vector.shape_cast %swap3A_296 : vector<1x16xf32> to vector<16xf32>
        %swap3A_298 = vector.shape_cast %mul3A_293 : vector<16xf32> to vector<1x16xf32>
        tpu.vector_store %arg11[%swap3A_294, %swap3A_295], %swap3A_298 {strides = array<i32>} : memref<80x128xf32, #tpu.memory_space<vmem>>, vector<1x16xf32>,
        %get3A_299 = arith.index_cast %add3A_248 : i32 to index
        %get3A_300 = arith.constant 80 : index
        %get3A_301 = tpu.vector_load %arg11[%get3A_299, %get3A_300] {strides = array<i32>} : memref<80x128xf32, #tpu.memory_space<vmem>>, vector<1x16xf32>,
        %get3A_302 = vector.shape_cast %get3A_301 : vector<1x16xf32> to vector<16xf32>
        %mul3A_303 = arith.mulf %get3A_302, %broadcast_in_dim3A_244 : vector<16xf32>
        %swap3A_304 = arith.index_cast %add3A_248 : i32 to index
        %swap3A_305 = arith.constant 80 : index
        %swap3A_306 = tpu.vector_load %arg11[%swap3A_304, %swap3A_305] {strides = array<i32>} : memref<80x128xf32, #tpu.memory_space<vmem>>, vector<1x16xf32>,
        %swap3A_307 = vector.shape_cast %swap3A_306 : vector<1x16xf32> to vector<16xf32>
        %swap3A_308 = vector.shape_cast %mul3A_303 : vector<16xf32> to vector<1x16xf32>
        tpu.vector_store %arg11[%swap3A_304, %swap3A_305], %swap3A_308 {strides = array<i32>} : memref<80x128xf32, #tpu.memory_space<vmem>>, vector<1x16xf32>,
        %get3A_309 = arith.index_cast %add3A_248 : i32 to index
        %get3A_310 = arith.constant 96 : index
        %get3A_311 = tpu.vector_load %arg11[%get3A_309, %get3A_310] {strides = array<i32>} : memref<80x128xf32, #tpu.memory_space<vmem>>, vector<1x16xf32>,
        %get3A_312 = vector.shape_cast %get3A_311 : vector<1x16xf32> to vector<16xf32>
        %mul3A_313 = arith.mulf %get3A_312, %broadcast_in_dim3A_244 : vector<16xf32>
        %swap3A_314 = arith.index_cast %add3A_248 : i32 to index
        %swap3A_315 = arith.constant 96 : index
        %swap3A_316 = tpu.vector_load %arg11[%swap3A_314, %swap3A_315] {strides = array<i32>} : memref<80x128xf32, #tpu.memory_space<vmem>>, vector<1x16xf32>,
        %swap3A_317 = vector.shape_cast %swap3A_316 : vector<1x16xf32> to vector<16xf32>
        %swap3A_318 = vector.shape_cast %mul3A_313 : vector<16xf32> to vector<1x16xf32>
        tpu.vector_store %arg11[%swap3A_314, %swap3A_315], %swap3A_318 {strides = array<i32>} : memref<80x128xf32, #tpu.memory_space<vmem>>, vector<1x16xf32>,
        %get3A_319 = arith.index_cast %add3A_248 : i32 to index
        %get3A_320 = arith.constant 112 : index
        %get3A_321 = tpu.vector_load %arg11[%get3A_319, %get3A_320] {strides = array<i32>} : memref<80x128xf32, #tpu.memory_space<vmem>>, vector<1x16xf32>,
        %get3A_322 = vector.shape_cast %get3A_321 : vector<1x16xf32> to vector<16xf32>
        %mul3A_323 = arith.mulf %get3A_322, %broadcast_in_dim3A_244 : vector<16xf32>
        %swap3A_324 = arith.index_cast %add3A_248 : i32 to index
        %swap3A_325 = arith.constant 112 : index
        %swap3A_326 = tpu.vector_load %arg11[%swap3A_324, %swap3A_325] {strides = array<i32>} : memref<80x128xf32, #tpu.memory_space<vmem>>, vector<1x16xf32>,
        %swap3A_327 = vector.shape_cast %swap3A_326 : vector<1x16xf32> to vector<16xf32>
        %swap3A_328 = vector.shape_cast %mul3A_323 : vector<16xf32> to vector<1x16xf32>
        tpu.vector_store %arg11[%swap3A_324, %swap3A_325], %swap3A_328 {strides = array<i32>} : memref<80x128xf32, #tpu.memory_space<vmem>>, vector<1x16xf32>,
        %slice3A_329 = vector.extract_strided_slice %get3A_70 {offsets = [3], sizes = [1], strides = [1]} : vector<16xf32> to vector<1xf32>
        %squeeze3A_330 = vector.extract %slice3A_329[0] : f32 from vector<1xf32>
        %broadcast_in_dim3A_331 = vector.broadcast %squeeze3A_330 : f32 to vector<16xf32>
        %mul3A_332 = arith.constant 16 : i32
        %mul3A_333 = arith.muli %scan3A_66, %mul3A_332 : i32
        %add3A_334 = arith.constant 3 : i32
        %add3A_335 = arith.addi %mul3A_333, %add3A_334 : i32
        %get3A_336 = arith.index_cast %add3A_335 : i32 to index
        %get3A_337 = arith.constant 0 : index
        %get3A_338 = tpu.vector_load %arg11[%get3A_336, %get3A_337] {strides = array<i32>} : memref<80x128xf32, #tpu.memory_space<vmem>>, vector<1x16xf32>,
        %get3A_339 = vector.shape_cast %get3A_338 : vector<1x16xf32> to vector<16xf32>
        %mul3A_340 = arith.mulf %get3A_339, %broadcast_in_dim3A_331 : vector<16xf32>
        %swap3A_341 = arith.index_cast %add3A_335 : i32 to index
        %swap3A_342 = arith.constant 0 : index
        %swap3A_343 = tpu.vector_load %arg11[%swap3A_341, %swap3A_342] {strides = array<i32>} : memref<80x128xf32, #tpu.memory_space<vmem>>, vector<1x16xf32>,
        %swap3A_344 = vector.shape_cast %swap3A_343 : vector<1x16xf32> to vector<16xf32>
        %swap3A_345 = vector.shape_cast %mul3A_340 : vector<16xf32> to vector<1x16xf32>
        tpu.vector_store %arg11[%swap3A_341, %swap3A_342], %swap3A_345 {strides = array<i32>} : memref<80x128xf32, #tpu.memory_space<vmem>>, vector<1x16xf32>,
        %get3A_346 = arith.index_cast %add3A_335 : i32 to index
        %get3A_347 = arith.constant 16 : index
        %get3A_348 = tpu.vector_load %arg11[%get3A_346, %get3A_347] {strides = array<i32>} : memref<80x128xf32, #tpu.memory_space<vmem>>, vector<1x16xf32>,
        %get3A_349 = vector.shape_cast %get3A_348 : vector<1x16xf32> to vector<16xf32>
        %mul3A_350 = arith.mulf %get3A_349, %broadcast_in_dim3A_331 : vector<16xf32>
        %swap3A_351 = arith.index_cast %add3A_335 : i32 to index
        %swap3A_352 = arith.constant 16 : index
        %swap3A_353 = tpu.vector_load %arg11[%swap3A_351, %swap3A_352] {strides = array<i32>} : memref<80x128xf32, #tpu.memory_space<vmem>>, vector<1x16xf32>,
        %swap3A_354 = vector.shape_cast %swap3A_353 : vector<1x16xf32> to vector<16xf32>
        %swap3A_355 = vector.shape_cast %mul3A_350 : vector<16xf32> to vector<1x16xf32>
        tpu.vector_store %arg11[%swap3A_351, %swap3A_352], %swap3A_355 {strides = array<i32>} : memref<80x128xf32, #tpu.memory_space<vmem>>, vector<1x16xf32>,
        %get3A_356 = arith.index_cast %add3A_335 : i32 to index
        %get3A_357 = arith.constant 32 : index
        %get3A_358 = tpu.vector_load %arg11[%get3A_356, %get3A_357] {strides = array<i32>} : memref<80x128xf32, #tpu.memory_space<vmem>>, vector<1x16xf32>,
        %get3A_359 = vector.shape_cast %get3A_358 : vector<1x16xf32> to vector<16xf32>
        %mul3A_360 = arith.mulf %get3A_359, %broadcast_in_dim3A_331 : vector<16xf32>
        %swap3A_361 = arith.index_cast %add3A_335 : i32 to index
        %swap3A_362 = arith.constant 32 : index
        %swap3A_363 = tpu.vector_load %arg11[%swap3A_361, %swap3A_362] {strides = array<i32>} : memref<80x128xf32, #tpu.memory_space<vmem>>, vector<1x16xf32>,
        %swap3A_364 = vector.shape_cast %swap3A_363 : vector<1x16xf32> to vector<16xf32>
        %swap3A_365 = vector.shape_cast %mul3A_360 : vector<16xf32> to vector<1x16xf32>
        tpu.vector_store %arg11[%swap3A_361, %swap3A_362], %swap3A_365 {strides = array<i32>} : memref<80x128xf32, #tpu.memory_space<vmem>>, vector<1x16xf32>,
        %get3A_366 = arith.index_cast %add3A_335 : i32 to index
        %get3A_367 = arith.constant 48 : index
        %get3A_368 = tpu.vector_load %arg11[%get3A_366, %get3A_367] {strides = array<i32>} : memref<80x128xf32, #tpu.memory_space<vmem>>, vector<1x16xf32>,
        %get3A_369 = vector.shape_cast %get3A_368 : vector<1x16xf32> to vector<16xf32>
        %mul3A_370 = arith.mulf %get3A_369, %broadcast_in_dim3A_331 : vector<16xf32>
        %swap3A_371 = arith.index_cast %add3A_335 : i32 to index
        %swap3A_372 = arith.constant 48 : index
        %swap3A_373 = tpu.vector_load %arg11[%swap3A_371, %swap3A_372] {strides = array<i32>} : memref<80x128xf32, #tpu.memory_space<vmem>>, vector<1x16xf32>,
        %swap3A_374 = vector.shape_cast %swap3A_373 : vector<1x16xf32> to vector<16xf32>
        %swap3A_375 = vector.shape_cast %mul3A_370 : vector<16xf32> to vector<1x16xf32>
        tpu.vector_store %arg11[%swap3A_371, %swap3A_372], %swap3A_375 {strides = array<i32>} : memref<80x128xf32, #tpu.memory_space<vmem>>, vector<1x16xf32>,
        %get3A_376 = arith.index_cast %add3A_335 : i32 to index
        %get3A_377 = arith.constant 64 : index
        %get3A_378 = tpu.vector_load %arg11[%get3A_376, %get3A_377] {strides = array<i32>} : memref<80x128xf32, #tpu.memory_space<vmem>>, vector<1x16xf32>,
        %get3A_379 = vector.shape_cast %get3A_378 : vector<1x16xf32> to vector<16xf32>
        %mul3A_380 = arith.mulf %get3A_379, %broadcast_in_dim3A_331 : vector<16xf32>
        %swap3A_381 = arith.index_cast %add3A_335 : i32 to index
        %swap3A_382 = arith.constant 64 : index
        %swap3A_383 = tpu.vector_load %arg11[%swap3A_381, %swap3A_382] {strides = array<i32>} : memref<80x128xf32, #tpu.memory_space<vmem>>, vector<1x16xf32>,
        %swap3A_384 = vector.shape_cast %swap3A_383 : vector<1x16xf32> to vector<16xf32>
        %swap3A_385 = vector.shape_cast %mul3A_380 : vector<16xf32> to vector<1x16xf32>
        tpu.vector_store %arg11[%swap3A_381, %swap3A_382], %swap3A_385 {strides = array<i32>} : memref<80x128xf32, #tpu.memory_space<vmem>>, vector<1x16xf32>,
        %get3A_386 = arith.index_cast %add3A_335 : i32 to index
        %get3A_387 = arith.constant 80 : index
        %get3A_388 = tpu.vector_load %arg11[%get3A_386, %get3A_387] {strides = array<i32>} : memref<80x128xf32, #tpu.memory_space<vmem>>, vector<1x16xf32>,
        %get3A_389 = vector.shape_cast %get3A_388 : vector<1x16xf32> to vector<16xf32>
        %mul3A_390 = arith.mulf %get3A_389, %broadcast_in_dim3A_331 : vector<16xf32>
        %swap3A_391 = arith.index_cast %add3A_335 : i32 to index
        %swap3A_392 = arith.constant 80 : index
        %swap3A_393 = tpu.vector_load %arg11[%swap3A_391, %swap3A_392] {strides = array<i32>} : memref<80x128xf32, #tpu.memory_space<vmem>>, vector<1x16xf32>,
        %swap3A_394 = vector.shape_cast %swap3A_393 : vector<1x16xf32> to vector<16xf32>
        %swap3A_395 = vector.shape_cast %mul3A_390 : vector<16xf32> to vector<1x16xf32>
        tpu.vector_store %arg11[%swap3A_391, %swap3A_392], %swap3A_395 {strides = array<i32>} : memref<80x128xf32, #tpu.memory_space<vmem>>, vector<1x16xf32>,
        %get3A_396 = arith.index_cast %add3A_335 : i32 to index
        %get3A_397 = arith.constant 96 : index
        %get3A_398 = tpu.vector_load %arg11[%get3A_396, %get3A_397] {strides = array<i32>} : memref<80x128xf32, #tpu.memory_space<vmem>>, vector<1x16xf32>,
        %get3A_399 = vector.shape_cast %get3A_398 : vector<1x16xf32> to vector<16xf32>
        %mul3A_400 = arith.mulf %get3A_399, %broadcast_in_dim3A_331 : vector<16xf32>
        %swap3A_401 = arith.index_cast %add3A_335 : i32 to index
        %swap3A_402 = arith.constant 96 : index
        %swap3A_403 = tpu.vector_load %arg11[%swap3A_401, %swap3A_402] {strides = array<i32>} : memref<80x128xf32, #tpu.memory_space<vmem>>, vector<1x16xf32>,
        %swap3A_404 = vector.shape_cast %swap3A_403 : vector<1x16xf32> to vector<16xf32>
        %swap3A_405 = vector.shape_cast %mul3A_400 : vector<16xf32> to vector<1x16xf32>
        tpu.vector_store %arg11[%swap3A_401, %swap3A_402], %swap3A_405 {strides = array<i32>} : memref<80x128xf32, #tpu.memory_space<vmem>>, vector<1x16xf32>,
        %get3A_406 = arith.index_cast %add3A_335 : i32 to index
        %get3A_407 = arith.constant 112 : index
        %get3A_408 = tpu.vector_load %arg11[%get3A_406, %get3A_407] {strides = array<i32>} : memref<80x128xf32, #tpu.memory_space<vmem>>, vector<1x16xf32>,
        %get3A_409 = vector.shape_cast %get3A_408 : vector<1x16xf32> to vector<16xf32>
        %mul3A_410 = arith.mulf %get3A_409, %broadcast_in_dim3A_331 : vector<16xf32>
        %swap3A_411 = arith.index_cast %add3A_335 : i32 to index
        %swap3A_412 = arith.constant 112 : index
        %swap3A_413 = tpu.vector_load %arg11[%swap3A_411, %swap3A_412] {strides = array<i32>} : memref<80x128xf32, #tpu.memory_space<vmem>>, vector<1x16xf32>,
        %swap3A_414 = vector.shape_cast %swap3A_413 : vector<1x16xf32> to vector<16xf32>
        %swap3A_415 = vector.shape_cast %mul3A_410 : vector<16xf32> to vector<1x16xf32>
        tpu.vector_store %arg11[%swap3A_411, %swap3A_412], %swap3A_415 {strides = array<i32>} : memref<80x128xf32, #tpu.memory_space<vmem>>, vector<1x16xf32>,
        %slice3A_416 = vector.extract_strided_slice %get3A_70 {offsets = [4], sizes = [1], strides = [1]} : vector<16xf32> to vector<1xf32>
        %squeeze3A_417 = vector.extract %slice3A_416[0] : f32 from vector<1xf32>
        %broadcast_in_dim3A_418 = vector.broadcast %squeeze3A_417 : f32 to vector<16xf32>
        %mul3A_419 = arith.constant 16 : i32
        %mul3A_420 = arith.muli %scan3A_66, %mul3A_419 : i32
        %add3A_421 = arith.constant 4 : i32
        %add3A_422 = arith.addi %mul3A_420, %add3A_421 : i32
        %get3A_423 = arith.index_cast %add3A_422 : i32 to index
        %get3A_424 = arith.constant 0 : index
        %get3A_425 = tpu.vector_load %arg11[%get3A_423, %get3A_424] {strides = array<i32>} : memref<80x128xf32, #tpu.memory_space<vmem>>, vector<1x16xf32>,
        %get3A_426 = vector.shape_cast %get3A_425 : vector<1x16xf32> to vector<16xf32>
        %mul3A_427 = arith.mulf %get3A_426, %broadcast_in_dim3A_418 : vector<16xf32>
        %swap3A_428 = arith.index_cast %add3A_422 : i32 to index
        %swap3A_429 = arith.constant 0 : index
        %swap3A_430 = tpu.vector_load %arg11[%swap3A_428, %swap3A_429] {strides = array<i32>} : memref<80x128xf32, #tpu.memory_space<vmem>>, vector<1x16xf32>,
        %swap3A_431 = vector.shape_cast %swap3A_430 : vector<1x16xf32> to vector<16xf32>
        %swap3A_432 = vector.shape_cast %mul3A_427 : vector<16xf32> to vector<1x16xf32>
        tpu.vector_store %arg11[%swap3A_428, %swap3A_429], %swap3A_432 {strides = array<i32>} : memref<80x128xf32, #tpu.memory_space<vmem>>, vector<1x16xf32>,
        %get3A_433 = arith.index_cast %add3A_422 : i32 to index
        %get3A_434 = arith.constant 16 : index
        %get3A_435 = tpu.vector_load %arg11[%get3A_433, %get3A_434] {strides = array<i32>} : memref<80x128xf32, #tpu.memory_space<vmem>>, vector<1x16xf32>,
        %get3A_436 = vector.shape_cast %get3A_435 : vector<1x16xf32> to vector<16xf32>
        %mul3A_437 = arith.mulf %get3A_436, %broadcast_in_dim3A_418 : vector<16xf32>
        %swap3A_438 = arith.index_cast %add3A_422 : i32 to index
        %swap3A_439 = arith.constant 16 : index
        %swap3A_440 = tpu.vector_load %arg11[%swap3A_438, %swap3A_439] {strides = array<i32>} : memref<80x128xf32, #tpu.memory_space<vmem>>, vector<1x16xf32>,
        %swap3A_441 = vector.shape_cast %swap3A_440 : vector<1x16xf32> to vector<16xf32>
        %swap3A_442 = vector.shape_cast %mul3A_437 : vector<16xf32> to vector<1x16xf32>
        tpu.vector_store %arg11[%swap3A_438, %swap3A_439], %swap3A_442 {strides = array<i32>} : memref<80x128xf32, #tpu.memory_space<vmem>>, vector<1x16xf32>,
        %get3A_443 = arith.index_cast %add3A_422 : i32 to index
        %get3A_444 = arith.constant 32 : index
        %get3A_445 = tpu.vector_load %arg11[%get3A_443, %get3A_444] {strides = array<i32>} : memref<80x128xf32, #tpu.memory_space<vmem>>, vector<1x16xf32>,
        %get3A_446 = vector.shape_cast %get3A_445 : vector<1x16xf32> to vector<16xf32>
        %mul3A_447 = arith.mulf %get3A_446, %broadcast_in_dim3A_418 : vector<16xf32>
        %swap3A_448 = arith.index_cast %add3A_422 : i32 to index
        %swap3A_449 = arith.constant 32 : index
        %swap3A_450 = tpu.vector_load %arg11[%swap3A_448, %swap3A_449] {strides = array<i32>} : memref<80x128xf32, #tpu.memory_space<vmem>>, vector<1x16xf32>,
        %swap3A_451 = vector.shape_cast %swap3A_450 : vector<1x16xf32> to vector<16xf32>
        %swap3A_452 = vector.shape_cast %mul3A_447 : vector<16xf32> to vector<1x16xf32>
        tpu.vector_store %arg11[%swap3A_448, %swap3A_449], %swap3A_452 {strides = array<i32>} : memref<80x128xf32, #tpu.memory_space<vmem>>, vector<1x16xf32>,
        %get3A_453 = arith.index_cast %add3A_422 : i32 to index
        %get3A_454 = arith.constant 48 : index
        %get3A_455 = tpu.vector_load %arg11[%get3A_453, %get3A_454] {strides = array<i32>} : memref<80x128xf32, #tpu.memory_space<vmem>>, vector<1x16xf32>,
        %get3A_456 = vector.shape_cast %get3A_455 : vector<1x16xf32> to vector<16xf32>
        %mul3A_457 = arith.mulf %get3A_456, %broadcast_in_dim3A_418 : vector<16xf32>
        %swap3A_458 = arith.index_cast %add3A_422 : i32 to index
        %swap3A_459 = arith.constant 48 : index
        %swap3A_460 = tpu.vector_load %arg11[%swap3A_458, %swap3A_459] {strides = array<i32>} : memref<80x128xf32, #tpu.memory_space<vmem>>, vector<1x16xf32>,
        %swap3A_461 = vector.shape_cast %swap3A_460 : vector<1x16xf32> to vector<16xf32>
        %swap3A_462 = vector.shape_cast %mul3A_457 : vector<16xf32> to vector<1x16xf32>
        tpu.vector_store %arg11[%swap3A_458, %swap3A_459], %swap3A_462 {strides = array<i32>} : memref<80x128xf32, #tpu.memory_space<vmem>>, vector<1x16xf32>,
        %get3A_463 = arith.index_cast %add3A_422 : i32 to index
        %get3A_464 = arith.constant 64 : index
        %get3A_465 = tpu.vector_load %arg11[%get3A_463, %get3A_464] {strides = array<i32>} : memref<80x128xf32, #tpu.memory_space<vmem>>, vector<1x16xf32>,
        %get3A_466 = vector.shape_cast %get3A_465 : vector<1x16xf32> to vector<16xf32>
        %mul3A_467 = arith.mulf %get3A_466, %broadcast_in_dim3A_418 : vector<16xf32>
        %swap3A_468 = arith.index_cast %add3A_422 : i32 to index
        %swap3A_469 = arith.constant 64 : index
        %swap3A_470 = tpu.vector_load %arg11[%swap3A_468, %swap3A_469] {strides = array<i32>} : memref<80x128xf32, #tpu.memory_space<vmem>>, vector<1x16xf32>,
        %swap3A_471 = vector.shape_cast %swap3A_470 : vector<1x16xf32> to vector<16xf32>
        %swap3A_472 = vector.shape_cast %mul3A_467 : vector<16xf32> to vector<1x16xf32>
        tpu.vector_store %arg11[%swap3A_468, %swap3A_469], %swap3A_472 {strides = array<i32>} : memref<80x128xf32, #tpu.memory_space<vmem>>, vector<1x16xf32>,
        %get3A_473 = arith.index_cast %add3A_422 : i32 to index
        %get3A_474 = arith.constant 80 : index
        %get3A_475 = tpu.vector_load %arg11[%get3A_473, %get3A_474] {strides = array<i32>} : memref<80x128xf32, #tpu.memory_space<vmem>>, vector<1x16xf32>,
        %get3A_476 = vector.shape_cast %get3A_475 : vector<1x16xf32> to vector<16xf32>
        %mul3A_477 = arith.mulf %get3A_476, %broadcast_in_dim3A_418 : vector<16xf32>
        %swap3A_478 = arith.index_cast %add3A_422 : i32 to index
        %swap3A_479 = arith.constant 80 : index
        %swap3A_480 = tpu.vector_load %arg11[%swap3A_478, %swap3A_479] {strides = array<i32>} : memref<80x128xf32, #tpu.memory_space<vmem>>, vector<1x16xf32>,
        %swap3A_481 = vector.shape_cast %swap3A_480 : vector<1x16xf32> to vector<16xf32>
        %swap3A_482 = vector.shape_cast %mul3A_477 : vector<16xf32> to vector<1x16xf32>
        tpu.vector_store %arg11[%swap3A_478, %swap3A_479], %swap3A_482 {strides = array<i32>} : memref<80x128xf32, #tpu.memory_space<vmem>>, vector<1x16xf32>,
        %get3A_483 = arith.index_cast %add3A_422 : i32 to index
        %get3A_484 = arith.constant 96 : index
        %get3A_485 = tpu.vector_load %arg11[%get3A_483, %get3A_484] {strides = array<i32>} : memref<80x128xf32, #tpu.memory_space<vmem>>, vector<1x16xf32>,
        %get3A_486 = vector.shape_cast %get3A_485 : vector<1x16xf32> to vector<16xf32>
        %mul3A_487 = arith.mulf %get3A_486, %broadcast_in_dim3A_418 : vector<16xf32>
        %swap3A_488 = arith.index_cast %add3A_422 : i32 to index
        %swap3A_489 = arith.constant 96 : index
        %swap3A_490 = tpu.vector_load %arg11[%swap3A_488, %swap3A_489] {strides = array<i32>} : memref<80x128xf32, #tpu.memory_space<vmem>>, vector<1x16xf32>,
        %swap3A_491 = vector.shape_cast %swap3A_490 : vector<1x16xf32> to vector<16xf32>
        %swap3A_492 = vector.shape_cast %mul3A_487 : vector<16xf32> to vector<1x16xf32>
        tpu.vector_store %arg11[%swap3A_488, %swap3A_489], %swap3A_492 {strides = array<i32>} : memref<80x128xf32, #tpu.memory_space<vmem>>, vector<1x16xf32>,
        %get3A_493 = arith.index_cast %add3A_422 : i32 to index
        %get3A_494 = arith.constant 112 : index
        %get3A_495 = tpu.vector_load %arg11[%get3A_493, %get3A_494] {strides = array<i32>} : memref<80x128xf32, #tpu.memory_space<vmem>>, vector<1x16xf32>,
        %get3A_496 = vector.shape_cast %get3A_495 : vector<1x16xf32> to vector<16xf32>
        %mul3A_497 = arith.mulf %get3A_496, %broadcast_in_dim3A_418 : vector<16xf32>
        %swap3A_498 = arith.index_cast %add3A_422 : i32 to index
        %swap3A_499 = arith.constant 112 : index
        %swap3A_500 = tpu.vector_load %arg11[%swap3A_498, %swap3A_499] {strides = array<i32>} : memref<80x128xf32, #tpu.memory_space<vmem>>, vector<1x16xf32>,
        %swap3A_501 = vector.shape_cast %swap3A_500 : vector<1x16xf32> to vector<16xf32>
        %swap3A_502 = vector.shape_cast %mul3A_497 : vector<16xf32> to vector<1x16xf32>
        tpu.vector_store %arg11[%swap3A_498, %swap3A_499], %swap3A_502 {strides = array<i32>} : memref<80x128xf32, #tpu.memory_space<vmem>>, vector<1x16xf32>,
        %slice3A_503 = vector.extract_strided_slice %get3A_70 {offsets = [5], sizes = [1], strides = [1]} : vector<16xf32> to vector<1xf32>
        %squeeze3A_504 = vector.extract %slice3A_503[0] : f32 from vector<1xf32>
        %broadcast_in_dim3A_505 = vector.broadcast %squeeze3A_504 : f32 to vector<16xf32>
        %mul3A_506 = arith.constant 16 : i32
        %mul3A_507 = arith.muli %scan3A_66, %mul3A_506 : i32
        %add3A_508 = arith.constant 5 : i32
        %add3A_509 = arith.addi %mul3A_507, %add3A_508 : i32
        %get3A_510 = arith.index_cast %add3A_509 : i32 to index
        %get3A_511 = arith.constant 0 : index
        %get3A_512 = tpu.vector_load %arg11[%get3A_510, %get3A_511] {strides = array<i32>} : memref<80x128xf32, #tpu.memory_space<vmem>>, vector<1x16xf32>,
        %get3A_513 = vector.shape_cast %get3A_512 : vector<1x16xf32> to vector<16xf32>
        %mul3A_514 = arith.mulf %get3A_513, %broadcast_in_dim3A_505 : vector<16xf32>
        %swap3A_515 = arith.index_cast %add3A_509 : i32 to index
        %swap3A_516 = arith.constant 0 : index
        %swap3A_517 = tpu.vector_load %arg11[%swap3A_515, %swap3A_516] {strides = array<i32>} : memref<80x128xf32, #tpu.memory_space<vmem>>, vector<1x16xf32>,
        %swap3A_518 = vector.shape_cast %swap3A_517 : vector<1x16xf32> to vector<16xf32>
        %swap3A_519 = vector.shape_cast %mul3A_514 : vector<16xf32> to vector<1x16xf32>
        tpu.vector_store %arg11[%swap3A_515, %swap3A_516], %swap3A_519 {strides = array<i32>} : memref<80x128xf32, #tpu.memory_space<vmem>>, vector<1x16xf32>,
        %get3A_520 = arith.index_cast %add3A_509 : i32 to index
        %get3A_521 = arith.constant 16 : index
        %get3A_522 = tpu.vector_load %arg11[%get3A_520, %get3A_521] {strides = array<i32>} : memref<80x128xf32, #tpu.memory_space<vmem>>, vector<1x16xf32>,
        %get3A_523 = vector.shape_cast %get3A_522 : vector<1x16xf32> to vector<16xf32>
        %mul3A_524 = arith.mulf %get3A_523, %broadcast_in_dim3A_505 : vector<16xf32>
        %swap3A_525 = arith.index_cast %add3A_509 : i32 to index
        %swap3A_526 = arith.constant 16 : index
        %swap3A_527 = tpu.vector_load %arg11[%swap3A_525, %swap3A_526] {strides = array<i32>} : memref<80x128xf32, #tpu.memory_space<vmem>>, vector<1x16xf32>,
        %swap3A_528 = vector.shape_cast %swap3A_527 : vector<1x16xf32> to vector<16xf32>
        %swap3A_529 = vector.shape_cast %mul3A_524 : vector<16xf32> to vector<1x16xf32>
        tpu.vector_store %arg11[%swap3A_525, %swap3A_526], %swap3A_529 {strides = array<i32>} : memref<80x128xf32, #tpu.memory_space<vmem>>, vector<1x16xf32>,
        %get3A_530 = arith.index_cast %add3A_509 : i32 to index
        %get3A_531 = arith.constant 32 : index
        %get3A_532 = tpu.vector_load %arg11[%get3A_530, %get3A_531] {strides = array<i32>} : memref<80x128xf32, #tpu.memory_space<vmem>>, vector<1x16xf32>,
        %get3A_533 = vector.shape_cast %get3A_532 : vector<1x16xf32> to vector<16xf32>
        %mul3A_534 = arith.mulf %get3A_533, %broadcast_in_dim3A_505 : vector<16xf32>
        %swap3A_535 = arith.index_cast %add3A_509 : i32 to index
        %swap3A_536 = arith.constant 32 : index
        %swap3A_537 = tpu.vector_load %arg11[%swap3A_535, %swap3A_536] {strides = array<i32>} : memref<80x128xf32, #tpu.memory_space<vmem>>, vector<1x16xf32>,
        %swap3A_538 = vector.shape_cast %swap3A_537 : vector<1x16xf32> to vector<16xf32>
        %swap3A_539 = vector.shape_cast %mul3A_534 : vector<16xf32> to vector<1x16xf32>
        tpu.vector_store %arg11[%swap3A_535, %swap3A_536], %swap3A_539 {strides = array<i32>} : memref<80x128xf32, #tpu.memory_space<vmem>>, vector<1x16xf32>,
        %get3A_540 = arith.index_cast %add3A_509 : i32 to index
        %get3A_541 = arith.constant 48 : index
        %get3A_542 = tpu.vector_load %arg11[%get3A_540, %get3A_541] {strides = array<i32>} : memref<80x128xf32, #tpu.memory_space<vmem>>, vector<1x16xf32>,
        %get3A_543 = vector.shape_cast %get3A_542 : vector<1x16xf32> to vector<16xf32>
        %mul3A_544 = arith.mulf %get3A_543, %broadcast_in_dim3A_505 : vector<16xf32>
        %swap3A_545 = arith.index_cast %add3A_509 : i32 to index
        %swap3A_546 = arith.constant 48 : index
        %swap3A_547 = tpu.vector_load %arg11[%swap3A_545, %swap3A_546] {strides = array<i32>} : memref<80x128xf32, #tpu.memory_space<vmem>>, vector<1x16xf32>,
        %swap3A_548 = vector.shape_cast %swap3A_547 : vector<1x16xf32> to vector<16xf32>
        %swap3A_549 = vector.shape_cast %mul3A_544 : vector<16xf32> to vector<1x16xf32>
        tpu.vector_store %arg11[%swap3A_545, %swap3A_546], %swap3A_549 {strides = array<i32>} : memref<80x128xf32, #tpu.memory_space<vmem>>, vector<1x16xf32>,
        %get3A_550 = arith.index_cast %add3A_509 : i32 to index
        %get3A_551 = arith.constant 64 : index
        %get3A_552 = tpu.vector_load %arg11[%get3A_550, %get3A_551] {strides = array<i32>} : memref<80x128xf32, #tpu.memory_space<vmem>>, vector<1x16xf32>,
        %get3A_553 = vector.shape_cast %get3A_552 : vector<1x16xf32> to vector<16xf32>
        %mul3A_554 = arith.mulf %get3A_553, %broadcast_in_dim3A_505 : vector<16xf32>
        %swap3A_555 = arith.index_cast %add3A_509 : i32 to index
        %swap3A_556 = arith.constant 64 : index
        %swap3A_557 = tpu.vector_load %arg11[%swap3A_555, %swap3A_556] {strides = array<i32>} : memref<80x128xf32, #tpu.memory_space<vmem>>, vector<1x16xf32>,
        %swap3A_558 = vector.shape_cast %swap3A_557 : vector<1x16xf32> to vector<16xf32>
        %swap3A_559 = vector.shape_cast %mul3A_554 : vector<16xf32> to vector<1x16xf32>
        tpu.vector_store %arg11[%swap3A_555, %swap3A_556], %swap3A_559 {strides = array<i32>} : memref<80x128xf32, #tpu.memory_space<vmem>>, vector<1x16xf32>,
        %get3A_560 = arith.index_cast %add3A_509 : i32 to index
        %get3A_561 = arith.constant 80 : index
        %get3A_562 = tpu.vector_load %arg11[%get3A_560, %get3A_561] {strides = array<i32>} : memref<80x128xf32, #tpu.memory_space<vmem>>, vector<1x16xf32>,
        %get3A_563 = vector.shape_cast %get3A_562 : vector<1x16xf32> to vector<16xf32>
        %mul3A_564 = arith.mulf %get3A_563, %broadcast_in_dim3A_505 : vector<16xf32>
        %swap3A_565 = arith.index_cast %add3A_509 : i32 to index
        %swap3A_566 = arith.constant 80 : index
        %swap3A_567 = tpu.vector_load %arg11[%swap3A_565, %swap3A_566] {strides = array<i32>} : memref<80x128xf32, #tpu.memory_space<vmem>>, vector<1x16xf32>,
        %swap3A_568 = vector.shape_cast %swap3A_567 : vector<1x16xf32> to vector<16xf32>
        %swap3A_569 = vector.shape_cast %mul3A_564 : vector<16xf32> to vector<1x16xf32>
        tpu.vector_store %arg11[%swap3A_565, %swap3A_566], %swap3A_569 {strides = array<i32>} : memref<80x128xf32, #tpu.memory_space<vmem>>, vector<1x16xf32>,
        %get3A_570 = arith.index_cast %add3A_509 : i32 to index
        %get3A_571 = arith.constant 96 : index
        %get3A_572 = tpu.vector_load %arg11[%get3A_570, %get3A_571] {strides = array<i32>} : memref<80x128xf32, #tpu.memory_space<vmem>>, vector<1x16xf32>,
        %get3A_573 = vector.shape_cast %get3A_572 : vector<1x16xf32> to vector<16xf32>
        %mul3A_574 = arith.mulf %get3A_573, %broadcast_in_dim3A_505 : vector<16xf32>
        %swap3A_575 = arith.index_cast %add3A_509 : i32 to index
        %swap3A_576 = arith.constant 96 : index
        %swap3A_577 = tpu.vector_load %arg11[%swap3A_575, %swap3A_576] {strides = array<i32>} : memref<80x128xf32, #tpu.memory_space<vmem>>, vector<1x16xf32>,
        %swap3A_578 = vector.shape_cast %swap3A_577 : vector<1x16xf32> to vector<16xf32>
        %swap3A_579 = vector.shape_cast %mul3A_574 : vector<16xf32> to vector<1x16xf32>
        tpu.vector_store %arg11[%swap3A_575, %swap3A_576], %swap3A_579 {strides = array<i32>} : memref<80x128xf32, #tpu.memory_space<vmem>>, vector<1x16xf32>,
        %get3A_580 = arith.index_cast %add3A_509 : i32 to index
        %get3A_581 = arith.constant 112 : index
        %get3A_582 = tpu.vector_load %arg11[%get3A_580, %get3A_581] {strides = array<i32>} : memref<80x128xf32, #tpu.memory_space<vmem>>, vector<1x16xf32>,
        %get3A_583 = vector.shape_cast %get3A_582 : vector<1x16xf32> to vector<16xf32>
        %mul3A_584 = arith.mulf %get3A_583, %broadcast_in_dim3A_505 : vector<16xf32>
        %swap3A_585 = arith.index_cast %add3A_509 : i32 to index
        %swap3A_586 = arith.constant 112 : index
        %swap3A_587 = tpu.vector_load %arg11[%swap3A_585, %swap3A_586] {strides = array<i32>} : memref<80x128xf32, #tpu.memory_space<vmem>>, vector<1x16xf32>,
        %swap3A_588 = vector.shape_cast %swap3A_587 : vector<1x16xf32> to vector<16xf32>
        %swap3A_589 = vector.shape_cast %mul3A_584 : vector<16xf32> to vector<1x16xf32>
        tpu.vector_store %arg11[%swap3A_585, %swap3A_586], %swap3A_589 {strides = array<i32>} : memref<80x128xf32, #tpu.memory_space<vmem>>, vector<1x16xf32>,
        %slice3A_590 = vector.extract_strided_slice %get3A_70 {offsets = [6], sizes = [1], strides = [1]} : vector<16xf32> to vector<1xf32>
        %squeeze3A_591 = vector.extract %slice3A_590[0] : f32 from vector<1xf32>
        %broadcast_in_dim3A_592 = vector.broadcast %squeeze3A_591 : f32 to vector<16xf32>
        %mul3A_593 = arith.constant 16 : i32
        %mul3A_594 = arith.muli %scan3A_66, %mul3A_593 : i32
        %add3A_595 = arith.constant 6 : i32
        %add3A_596 = arith.addi %mul3A_594, %add3A_595 : i32
        %get3A_597 = arith.index_cast %add3A_596 : i32 to index
        %get3A_598 = arith.constant 0 : index
        %get3A_599 = tpu.vector_load %arg11[%get3A_597, %get3A_598] {strides = array<i32>} : memref<80x128xf32, #tpu.memory_space<vmem>>, vector<1x16xf32>,
        %get3A_600 = vector.shape_cast %get3A_599 : vector<1x16xf32> to vector<16xf32>
        %mul3A_601 = arith.mulf %get3A_600, %broadcast_in_dim3A_592 : vector<16xf32>
        %swap3A_602 = arith.index_cast %add3A_596 : i32 to index
        %swap3A_603 = arith.constant 0 : index
        %swap3A_604 = tpu.vector_load %arg11[%swap3A_602, %swap3A_603] {strides = array<i32>} : memref<80x128xf32, #tpu.memory_space<vmem>>, vector<1x16xf32>,
        %swap3A_605 = vector.shape_cast %swap3A_604 : vector<1x16xf32> to vector<16xf32>
        %swap3A_606 = vector.shape_cast %mul3A_601 : vector<16xf32> to vector<1x16xf32>
        tpu.vector_store %arg11[%swap3A_602, %swap3A_603], %swap3A_606 {strides = array<i32>} : memref<80x128xf32, #tpu.memory_space<vmem>>, vector<1x16xf32>,
        %get3A_607 = arith.index_cast %add3A_596 : i32 to index
        %get3A_608 = arith.constant 16 : index
        %get3A_609 = tpu.vector_load %arg11[%get3A_607, %get3A_608] {strides = array<i32>} : memref<80x128xf32, #tpu.memory_space<vmem>>, vector<1x16xf32>,
        %get3A_610 = vector.shape_cast %get3A_609 : vector<1x16xf32> to vector<16xf32>
        %mul3A_611 = arith.mulf %get3A_610, %broadcast_in_dim3A_592 : vector<16xf32>
        %swap3A_612 = arith.index_cast %add3A_596 : i32 to index
        %swap3A_613 = arith.constant 16 : index
        %swap3A_614 = tpu.vector_load %arg11[%swap3A_612, %swap3A_613] {strides = array<i32>} : memref<80x128xf32, #tpu.memory_space<vmem>>, vector<1x16xf32>,
        %swap3A_615 = vector.shape_cast %swap3A_614 : vector<1x16xf32> to vector<16xf32>
        %swap3A_616 = vector.shape_cast %mul3A_611 : vector<16xf32> to vector<1x16xf32>
        tpu.vector_store %arg11[%swap3A_612, %swap3A_613], %swap3A_616 {strides = array<i32>} : memref<80x128xf32, #tpu.memory_space<vmem>>, vector<1x16xf32>,
        %get3A_617 = arith.index_cast %add3A_596 : i32 to index
        %get3A_618 = arith.constant 32 : index
        %get3A_619 = tpu.vector_load %arg11[%get3A_617, %get3A_618] {strides = array<i32>} : memref<80x128xf32, #tpu.memory_space<vmem>>, vector<1x16xf32>,
        %get3A_620 = vector.shape_cast %get3A_619 : vector<1x16xf32> to vector<16xf32>
        %mul3A_621 = arith.mulf %get3A_620, %broadcast_in_dim3A_592 : vector<16xf32>
        %swap3A_622 = arith.index_cast %add3A_596 : i32 to index
        %swap3A_623 = arith.constant 32 : index
        %swap3A_624 = tpu.vector_load %arg11[%swap3A_622, %swap3A_623] {strides = array<i32>} : memref<80x128xf32, #tpu.memory_space<vmem>>, vector<1x16xf32>,
        %swap3A_625 = vector.shape_cast %swap3A_624 : vector<1x16xf32> to vector<16xf32>
        %swap3A_626 = vector.shape_cast %mul3A_621 : vector<16xf32> to vector<1x16xf32>
        tpu.vector_store %arg11[%swap3A_622, %swap3A_623], %swap3A_626 {strides = array<i32>} : memref<80x128xf32, #tpu.memory_space<vmem>>, vector<1x16xf32>,
        %get3A_627 = arith.index_cast %add3A_596 : i32 to index
        %get3A_628 = arith.constant 48 : index
        %get3A_629 = tpu.vector_load %arg11[%get3A_627, %get3A_628] {strides = array<i32>} : memref<80x128xf32, #tpu.memory_space<vmem>>, vector<1x16xf32>,
        %get3A_630 = vector.shape_cast %get3A_629 : vector<1x16xf32> to vector<16xf32>
        %mul3A_631 = arith.mulf %get3A_630, %broadcast_in_dim3A_592 : vector<16xf32>
        %swap3A_632 = arith.index_cast %add3A_596 : i32 to index
        %swap3A_633 = arith.constant 48 : index
        %swap3A_634 = tpu.vector_load %arg11[%swap3A_632, %swap3A_633] {strides = array<i32>} : memref<80x128xf32, #tpu.memory_space<vmem>>, vector<1x16xf32>,
        %swap3A_635 = vector.shape_cast %swap3A_634 : vector<1x16xf32> to vector<16xf32>
        %swap3A_636 = vector.shape_cast %mul3A_631 : vector<16xf32> to vector<1x16xf32>
        tpu.vector_store %arg11[%swap3A_632, %swap3A_633], %swap3A_636 {strides = array<i32>} : memref<80x128xf32, #tpu.memory_space<vmem>>, vector<1x16xf32>,
        %get3A_637 = arith.index_cast %add3A_596 : i32 to index
        %get3A_638 = arith.constant 64 : index
        %get3A_639 = tpu.vector_load %arg11[%get3A_637, %get3A_638] {strides = array<i32>} : memref<80x128xf32, #tpu.memory_space<vmem>>, vector<1x16xf32>,
        %get3A_640 = vector.shape_cast %get3A_639 : vector<1x16xf32> to vector<16xf32>
        %mul3A_641 = arith.mulf %get3A_640, %broadcast_in_dim3A_592 : vector<16xf32>
        %swap3A_642 = arith.index_cast %add3A_596 : i32 to index
        %swap3A_643 = arith.constant 64 : index
        %swap3A_644 = tpu.vector_load %arg11[%swap3A_642, %swap3A_643] {strides = array<i32>} : memref<80x128xf32, #tpu.memory_space<vmem>>, vector<1x16xf32>,
        %swap3A_645 = vector.shape_cast %swap3A_644 : vector<1x16xf32> to vector<16xf32>
        %swap3A_646 = vector.shape_cast %mul3A_641 : vector<16xf32> to vector<1x16xf32>
        tpu.vector_store %arg11[%swap3A_642, %swap3A_643], %swap3A_646 {strides = array<i32>} : memref<80x128xf32, #tpu.memory_space<vmem>>, vector<1x16xf32>,
        %get3A_647 = arith.index_cast %add3A_596 : i32 to index
        %get3A_648 = arith.constant 80 : index
        %get3A_649 = tpu.vector_load %arg11[%get3A_647, %get3A_648] {strides = array<i32>} : memref<80x128xf32, #tpu.memory_space<vmem>>, vector<1x16xf32>,
        %get3A_650 = vector.shape_cast %get3A_649 : vector<1x16xf32> to vector<16xf32>
        %mul3A_651 = arith.mulf %get3A_650, %broadcast_in_dim3A_592 : vector<16xf32>
        %swap3A_652 = arith.index_cast %add3A_596 : i32 to index
        %swap3A_653 = arith.constant 80 : index
        %swap3A_654 = tpu.vector_load %arg11[%swap3A_652, %swap3A_653] {strides = array<i32>} : memref<80x128xf32, #tpu.memory_space<vmem>>, vector<1x16xf32>,
        %swap3A_655 = vector.shape_cast %swap3A_654 : vector<1x16xf32> to vector<16xf32>
        %swap3A_656 = vector.shape_cast %mul3A_651 : vector<16xf32> to vector<1x16xf32>
        tpu.vector_store %arg11[%swap3A_652, %swap3A_653], %swap3A_656 {strides = array<i32>} : memref<80x128xf32, #tpu.memory_space<vmem>>, vector<1x16xf32>,
        %get3A_657 = arith.index_cast %add3A_596 : i32 to index
        %get3A_658 = arith.constant 96 : index
        %get3A_659 = tpu.vector_load %arg11[%get3A_657, %get3A_658] {strides = array<i32>} : memref<80x128xf32, #tpu.memory_space<vmem>>, vector<1x16xf32>,
        %get3A_660 = vector.shape_cast %get3A_659 : vector<1x16xf32> to vector<16xf32>
        %mul3A_661 = arith.mulf %get3A_660, %broadcast_in_dim3A_592 : vector<16xf32>
        %swap3A_662 = arith.index_cast %add3A_596 : i32 to index
        %swap3A_663 = arith.constant 96 : index
        %swap3A_664 = tpu.vector_load %arg11[%swap3A_662, %swap3A_663] {strides = array<i32>} : memref<80x128xf32, #tpu.memory_space<vmem>>, vector<1x16xf32>,
        %swap3A_665 = vector.shape_cast %swap3A_664 : vector<1x16xf32> to vector<16xf32>
        %swap3A_666 = vector.shape_cast %mul3A_661 : vector<16xf32> to vector<1x16xf32>
        tpu.vector_store %arg11[%swap3A_662, %swap3A_663], %swap3A_666 {strides = array<i32>} : memref<80x128xf32, #tpu.memory_space<vmem>>, vector<1x16xf32>,
        %get3A_667 = arith.index_cast %add3A_596 : i32 to index
        %get3A_668 = arith.constant 112 : index
        %get3A_669 = tpu.vector_load %arg11[%get3A_667, %get3A_668] {strides = array<i32>} : memref<80x128xf32, #tpu.memory_space<vmem>>, vector<1x16xf32>,
        %get3A_670 = vector.shape_cast %get3A_669 : vector<1x16xf32> to vector<16xf32>
        %mul3A_671 = arith.mulf %get3A_670, %broadcast_in_dim3A_592 : vector<16xf32>
        %swap3A_672 = arith.index_cast %add3A_596 : i32 to index
        %swap3A_673 = arith.constant 112 : index
        %swap3A_674 = tpu.vector_load %arg11[%swap3A_672, %swap3A_673] {strides = array<i32>} : memref<80x128xf32, #tpu.memory_space<vmem>>, vector<1x16xf32>,
        %swap3A_675 = vector.shape_cast %swap3A_674 : vector<1x16xf32> to vector<16xf32>
        %swap3A_676 = vector.shape_cast %mul3A_671 : vector<16xf32> to vector<1x16xf32>
        tpu.vector_store %arg11[%swap3A_672, %swap3A_673], %swap3A_676 {strides = array<i32>} : memref<80x128xf32, #tpu.memory_space<vmem>>, vector<1x16xf32>,
        %slice3A_677 = vector.extract_strided_slice %get3A_70 {offsets = [7], sizes = [1], strides = [1]} : vector<16xf32> to vector<1xf32>
        %squeeze3A_678 = vector.extract %slice3A_677[0] : f32 from vector<1xf32>
        %broadcast_in_dim3A_679 = vector.broadcast %squeeze3A_678 : f32 to vector<16xf32>
        %mul3A_680 = arith.constant 16 : i32
        %mul3A_681 = arith.muli %scan3A_66, %mul3A_680 : i32
        %add3A_682 = arith.constant 7 : i32
        %add3A_683 = arith.addi %mul3A_681, %add3A_682 : i32
        %get3A_684 = arith.index_cast %add3A_683 : i32 to index
        %get3A_685 = arith.constant 0 : index
        %get3A_686 = tpu.vector_load %arg11[%get3A_684, %get3A_685] {strides = array<i32>} : memref<80x128xf32, #tpu.memory_space<vmem>>, vector<1x16xf32>,
        %get3A_687 = vector.shape_cast %get3A_686 : vector<1x16xf32> to vector<16xf32>
        %mul3A_688 = arith.mulf %get3A_687, %broadcast_in_dim3A_679 : vector<16xf32>
        %swap3A_689 = arith.index_cast %add3A_683 : i32 to index
        %swap3A_690 = arith.constant 0 : index
        %swap3A_691 = tpu.vector_load %arg11[%swap3A_689, %swap3A_690] {strides = array<i32>} : memref<80x128xf32, #tpu.memory_space<vmem>>, vector<1x16xf32>,
        %swap3A_692 = vector.shape_cast %swap3A_691 : vector<1x16xf32> to vector<16xf32>
        %swap3A_693 = vector.shape_cast %mul3A_688 : vector<16xf32> to vector<1x16xf32>
        tpu.vector_store %arg11[%swap3A_689, %swap3A_690], %swap3A_693 {strides = array<i32>} : memref<80x128xf32, #tpu.memory_space<vmem>>, vector<1x16xf32>,
        %get3A_694 = arith.index_cast %add3A_683 : i32 to index
        %get3A_695 = arith.constant 16 : index
        %get3A_696 = tpu.vector_load %arg11[%get3A_694, %get3A_695] {strides = array<i32>} : memref<80x128xf32, #tpu.memory_space<vmem>>, vector<1x16xf32>,
        %get3A_697 = vector.shape_cast %get3A_696 : vector<1x16xf32> to vector<16xf32>
        %mul3A_698 = arith.mulf %get3A_697, %broadcast_in_dim3A_679 : vector<16xf32>
        %swap3A_699 = arith.index_cast %add3A_683 : i32 to index
        %swap3A_700 = arith.constant 16 : index
        %swap3A_701 = tpu.vector_load %arg11[%swap3A_699, %swap3A_700] {strides = array<i32>} : memref<80x128xf32, #tpu.memory_space<vmem>>, vector<1x16xf32>,
        %swap3A_702 = vector.shape_cast %swap3A_701 : vector<1x16xf32> to vector<16xf32>
        %swap3A_703 = vector.shape_cast %mul3A_698 : vector<16xf32> to vector<1x16xf32>
        tpu.vector_store %arg11[%swap3A_699, %swap3A_700], %swap3A_703 {strides = array<i32>} : memref<80x128xf32, #tpu.memory_space<vmem>>, vector<1x16xf32>,
        %get3A_704 = arith.index_cast %add3A_683 : i32 to index
        %get3A_705 = arith.constant 32 : index
        %get3A_706 = tpu.vector_load %arg11[%get3A_704, %get3A_705] {strides = array<i32>} : memref<80x128xf32, #tpu.memory_space<vmem>>, vector<1x16xf32>,
        %get3A_707 = vector.shape_cast %get3A_706 : vector<1x16xf32> to vector<16xf32>
        %mul3A_708 = arith.mulf %get3A_707, %broadcast_in_dim3A_679 : vector<16xf32>
        %swap3A_709 = arith.index_cast %add3A_683 : i32 to index
        %swap3A_710 = arith.constant 32 : index
        %swap3A_711 = tpu.vector_load %arg11[%swap3A_709, %swap3A_710] {strides = array<i32>} : memref<80x128xf32, #tpu.memory_space<vmem>>, vector<1x16xf32>,
        %swap3A_712 = vector.shape_cast %swap3A_711 : vector<1x16xf32> to vector<16xf32>
        %swap3A_713 = vector.shape_cast %mul3A_708 : vector<16xf32> to vector<1x16xf32>
        tpu.vector_store %arg11[%swap3A_709, %swap3A_710], %swap3A_713 {strides = array<i32>} : memref<80x128xf32, #tpu.memory_space<vmem>>, vector<1x16xf32>,
        %get3A_714 = arith.index_cast %add3A_683 : i32 to index
        %get3A_715 = arith.constant 48 : index
        %get3A_716 = tpu.vector_load %arg11[%get3A_714, %get3A_715] {strides = array<i32>} : memref<80x128xf32, #tpu.memory_space<vmem>>, vector<1x16xf32>,
        %get3A_717 = vector.shape_cast %get3A_716 : vector<1x16xf32> to vector<16xf32>
        %mul3A_718 = arith.mulf %get3A_717, %broadcast_in_dim3A_679 : vector<16xf32>
        %swap3A_719 = arith.index_cast %add3A_683 : i32 to index
        %swap3A_720 = arith.constant 48 : index
        %swap3A_721 = tpu.vector_load %arg11[%swap3A_719, %swap3A_720] {strides = array<i32>} : memref<80x128xf32, #tpu.memory_space<vmem>>, vector<1x16xf32>,
        %swap3A_722 = vector.shape_cast %swap3A_721 : vector<1x16xf32> to vector<16xf32>
        %swap3A_723 = vector.shape_cast %mul3A_718 : vector<16xf32> to vector<1x16xf32>
        tpu.vector_store %arg11[%swap3A_719, %swap3A_720], %swap3A_723 {strides = array<i32>} : memref<80x128xf32, #tpu.memory_space<vmem>>, vector<1x16xf32>,
        %get3A_724 = arith.index_cast %add3A_683 : i32 to index
        %get3A_725 = arith.constant 64 : index
        %get3A_726 = tpu.vector_load %arg11[%get3A_724, %get3A_725] {strides = array<i32>} : memref<80x128xf32, #tpu.memory_space<vmem>>, vector<1x16xf32>,
        %get3A_727 = vector.shape_cast %get3A_726 : vector<1x16xf32> to vector<16xf32>
        %mul3A_728 = arith.mulf %get3A_727, %broadcast_in_dim3A_679 : vector<16xf32>
        %swap3A_729 = arith.index_cast %add3A_683 : i32 to index
        %swap3A_730 = arith.constant 64 : index
        %swap3A_731 = tpu.vector_load %arg11[%swap3A_729, %swap3A_730] {strides = array<i32>} : memref<80x128xf32, #tpu.memory_space<vmem>>, vector<1x16xf32>,
        %swap3A_732 = vector.shape_cast %swap3A_731 : vector<1x16xf32> to vector<16xf32>
        %swap3A_733 = vector.shape_cast %mul3A_728 : vector<16xf32> to vector<1x16xf32>
        tpu.vector_store %arg11[%swap3A_729, %swap3A_730], %swap3A_733 {strides = array<i32>} : memref<80x128xf32, #tpu.memory_space<vmem>>, vector<1x16xf32>,
        %get3A_734 = arith.index_cast %add3A_683 : i32 to index
        %get3A_735 = arith.constant 80 : index
        %get3A_736 = tpu.vector_load %arg11[%get3A_734, %get3A_735] {strides = array<i32>} : memref<80x128xf32, #tpu.memory_space<vmem>>, vector<1x16xf32>,
        %get3A_737 = vector.shape_cast %get3A_736 : vector<1x16xf32> to vector<16xf32>
        %mul3A_738 = arith.mulf %get3A_737, %broadcast_in_dim3A_679 : vector<16xf32>
        %swap3A_739 = arith.index_cast %add3A_683 : i32 to index
        %swap3A_740 = arith.constant 80 : index
        %swap3A_741 = tpu.vector_load %arg11[%swap3A_739, %swap3A_740] {strides = array<i32>} : memref<80x128xf32, #tpu.memory_space<vmem>>, vector<1x16xf32>,
        %swap3A_742 = vector.shape_cast %swap3A_741 : vector<1x16xf32> to vector<16xf32>
        %swap3A_743 = vector.shape_cast %mul3A_738 : vector<16xf32> to vector<1x16xf32>
        tpu.vector_store %arg11[%swap3A_739, %swap3A_740], %swap3A_743 {strides = array<i32>} : memref<80x128xf32, #tpu.memory_space<vmem>>, vector<1x16xf32>,
        %get3A_744 = arith.index_cast %add3A_683 : i32 to index
        %get3A_745 = arith.constant 96 : index
        %get3A_746 = tpu.vector_load %arg11[%get3A_744, %get3A_745] {strides = array<i32>} : memref<80x128xf32, #tpu.memory_space<vmem>>, vector<1x16xf32>,
        %get3A_747 = vector.shape_cast %get3A_746 : vector<1x16xf32> to vector<16xf32>
        %mul3A_748 = arith.mulf %get3A_747, %broadcast_in_dim3A_679 : vector<16xf32>
        %swap3A_749 = arith.index_cast %add3A_683 : i32 to index
        %swap3A_750 = arith.constant 96 : index
        %swap3A_751 = tpu.vector_load %arg11[%swap3A_749, %swap3A_750] {strides = array<i32>} : memref<80x128xf32, #tpu.memory_space<vmem>>, vector<1x16xf32>,
        %swap3A_752 = vector.shape_cast %swap3A_751 : vector<1x16xf32> to vector<16xf32>
        %swap3A_753 = vector.shape_cast %mul3A_748 : vector<16xf32> to vector<1x16xf32>
        tpu.vector_store %arg11[%swap3A_749, %swap3A_750], %swap3A_753 {strides = array<i32>} : memref<80x128xf32, #tpu.memory_space<vmem>>, vector<1x16xf32>,
        %get3A_754 = arith.index_cast %add3A_683 : i32 to index
        %get3A_755 = arith.constant 112 : index
        %get3A_756 = tpu.vector_load %arg11[%get3A_754, %get3A_755] {strides = array<i32>} : memref<80x128xf32, #tpu.memory_space<vmem>>, vector<1x16xf32>,
        %get3A_757 = vector.shape_cast %get3A_756 : vector<1x16xf32> to vector<16xf32>
        %mul3A_758 = arith.mulf %get3A_757, %broadcast_in_dim3A_679 : vector<16xf32>
        %swap3A_759 = arith.index_cast %add3A_683 : i32 to index
        %swap3A_760 = arith.constant 112 : index
        %swap3A_761 = tpu.vector_load %arg11[%swap3A_759, %swap3A_760] {strides = array<i32>} : memref<80x128xf32, #tpu.memory_space<vmem>>, vector<1x16xf32>,
        %swap3A_762 = vector.shape_cast %swap3A_761 : vector<1x16xf32> to vector<16xf32>
        %swap3A_763 = vector.shape_cast %mul3A_758 : vector<16xf32> to vector<1x16xf32>
        tpu.vector_store %arg11[%swap3A_759, %swap3A_760], %swap3A_763 {strides = array<i32>} : memref<80x128xf32, #tpu.memory_space<vmem>>, vector<1x16xf32>,
        %slice3A_764 = vector.extract_strided_slice %get3A_70 {offsets = [8], sizes = [1], strides = [1]} : vector<16xf32> to vector<1xf32>
        %squeeze3A_765 = vector.extract %slice3A_764[0] : f32 from vector<1xf32>
        %broadcast_in_dim3A_766 = vector.broadcast %squeeze3A_765 : f32 to vector<16xf32>
        %mul3A_767 = arith.constant 16 : i32
        %mul3A_768 = arith.muli %scan3A_66, %mul3A_767 : i32
        %add3A_769 = arith.constant 8 : i32
        %add3A_770 = arith.addi %mul3A_768, %add3A_769 : i32
        %get3A_771 = arith.index_cast %add3A_770 : i32 to index
        %get3A_772 = arith.constant 0 : index
        %get3A_773 = tpu.vector_load %arg11[%get3A_771, %get3A_772] {strides = array<i32>} : memref<80x128xf32, #tpu.memory_space<vmem>>, vector<1x16xf32>,
        %get3A_774 = vector.shape_cast %get3A_773 : vector<1x16xf32> to vector<16xf32>
        %mul3A_775 = arith.mulf %get3A_774, %broadcast_in_dim3A_766 : vector<16xf32>
        %swap3A_776 = arith.index_cast %add3A_770 : i32 to index
        %swap3A_777 = arith.constant 0 : index
        %swap3A_778 = tpu.vector_load %arg11[%swap3A_776, %swap3A_777] {strides = array<i32>} : memref<80x128xf32, #tpu.memory_space<vmem>>, vector<1x16xf32>,
        %swap3A_779 = vector.shape_cast %swap3A_778 : vector<1x16xf32> to vector<16xf32>
        %swap3A_780 = vector.shape_cast %mul3A_775 : vector<16xf32> to vector<1x16xf32>
        tpu.vector_store %arg11[%swap3A_776, %swap3A_777], %swap3A_780 {strides = array<i32>} : memref<80x128xf32, #tpu.memory_space<vmem>>, vector<1x16xf32>,
        %get3A_781 = arith.index_cast %add3A_770 : i32 to index
        %get3A_782 = arith.constant 16 : index
        %get3A_783 = tpu.vector_load %arg11[%get3A_781, %get3A_782] {strides = array<i32>} : memref<80x128xf32, #tpu.memory_space<vmem>>, vector<1x16xf32>,
        %get3A_784 = vector.shape_cast %get3A_783 : vector<1x16xf32> to vector<16xf32>
        %mul3A_785 = arith.mulf %get3A_784, %broadcast_in_dim3A_766 : vector<16xf32>
        %swap3A_786 = arith.index_cast %add3A_770 : i32 to index
        %swap3A_787 = arith.constant 16 : index
        %swap3A_788 = tpu.vector_load %arg11[%swap3A_786, %swap3A_787] {strides = array<i32>} : memref<80x128xf32, #tpu.memory_space<vmem>>, vector<1x16xf32>,
        %swap3A_789 = vector.shape_cast %swap3A_788 : vector<1x16xf32> to vector<16xf32>
        %swap3A_790 = vector.shape_cast %mul3A_785 : vector<16xf32> to vector<1x16xf32>
        tpu.vector_store %arg11[%swap3A_786, %swap3A_787], %swap3A_790 {strides = array<i32>} : memref<80x128xf32, #tpu.memory_space<vmem>>, vector<1x16xf32>,
        %get3A_791 = arith.index_cast %add3A_770 : i32 to index
        %get3A_792 = arith.constant 32 : index
        %get3A_793 = tpu.vector_load %arg11[%get3A_791, %get3A_792] {strides = array<i32>} : memref<80x128xf32, #tpu.memory_space<vmem>>, vector<1x16xf32>,
        %get3A_794 = vector.shape_cast %get3A_793 : vector<1x16xf32> to vector<16xf32>
        %mul3A_795 = arith.mulf %get3A_794, %broadcast_in_dim3A_766 : vector<16xf32>
        %swap3A_796 = arith.index_cast %add3A_770 : i32 to index
        %swap3A_797 = arith.constant 32 : index
        %swap3A_798 = tpu.vector_load %arg11[%swap3A_796, %swap3A_797] {strides = array<i32>} : memref<80x128xf32, #tpu.memory_space<vmem>>, vector<1x16xf32>,
        %swap3A_799 = vector.shape_cast %swap3A_798 : vector<1x16xf32> to vector<16xf32>
        %swap3A_800 = vector.shape_cast %mul3A_795 : vector<16xf32> to vector<1x16xf32>
        tpu.vector_store %arg11[%swap3A_796, %swap3A_797], %swap3A_800 {strides = array<i32>} : memref<80x128xf32, #tpu.memory_space<vmem>>, vector<1x16xf32>,
        %get3A_801 = arith.index_cast %add3A_770 : i32 to index
        %get3A_802 = arith.constant 48 : index
        %get3A_803 = tpu.vector_load %arg11[%get3A_801, %get3A_802] {strides = array<i32>} : memref<80x128xf32, #tpu.memory_space<vmem>>, vector<1x16xf32>,
        %get3A_804 = vector.shape_cast %get3A_803 : vector<1x16xf32> to vector<16xf32>
        %mul3A_805 = arith.mulf %get3A_804, %broadcast_in_dim3A_766 : vector<16xf32>
        %swap3A_806 = arith.index_cast %add3A_770 : i32 to index
        %swap3A_807 = arith.constant 48 : index
        %swap3A_808 = tpu.vector_load %arg11[%swap3A_806, %swap3A_807] {strides = array<i32>} : memref<80x128xf32, #tpu.memory_space<vmem>>, vector<1x16xf32>,
        %swap3A_809 = vector.shape_cast %swap3A_808 : vector<1x16xf32> to vector<16xf32>
        %swap3A_810 = vector.shape_cast %mul3A_805 : vector<16xf32> to vector<1x16xf32>
        tpu.vector_store %arg11[%swap3A_806, %swap3A_807], %swap3A_810 {strides = array<i32>} : memref<80x128xf32, #tpu.memory_space<vmem>>, vector<1x16xf32>,
        %get3A_811 = arith.index_cast %add3A_770 : i32 to index
        %get3A_812 = arith.constant 64 : index
        %get3A_813 = tpu.vector_load %arg11[%get3A_811, %get3A_812] {strides = array<i32>} : memref<80x128xf32, #tpu.memory_space<vmem>>, vector<1x16xf32>,
        %get3A_814 = vector.shape_cast %get3A_813 : vector<1x16xf32> to vector<16xf32>
        %mul3A_815 = arith.mulf %get3A_814, %broadcast_in_dim3A_766 : vector<16xf32>
        %swap3A_816 = arith.index_cast %add3A_770 : i32 to index
        %swap3A_817 = arith.constant 64 : index
        %swap3A_818 = tpu.vector_load %arg11[%swap3A_816, %swap3A_817] {strides = array<i32>} : memref<80x128xf32, #tpu.memory_space<vmem>>, vector<1x16xf32>,
        %swap3A_819 = vector.shape_cast %swap3A_818 : vector<1x16xf32> to vector<16xf32>
        %swap3A_820 = vector.shape_cast %mul3A_815 : vector<16xf32> to vector<1x16xf32>
        tpu.vector_store %arg11[%swap3A_816, %swap3A_817], %swap3A_820 {strides = array<i32>} : memref<80x128xf32, #tpu.memory_space<vmem>>, vector<1x16xf32>,
        %get3A_821 = arith.index_cast %add3A_770 : i32 to index
        %get3A_822 = arith.constant 80 : index
        %get3A_823 = tpu.vector_load %arg11[%get3A_821, %get3A_822] {strides = array<i32>} : memref<80x128xf32, #tpu.memory_space<vmem>>, vector<1x16xf32>,
        %get3A_824 = vector.shape_cast %get3A_823 : vector<1x16xf32> to vector<16xf32>
        %mul3A_825 = arith.mulf %get3A_824, %broadcast_in_dim3A_766 : vector<16xf32>
        %swap3A_826 = arith.index_cast %add3A_770 : i32 to index
        %swap3A_827 = arith.constant 80 : index
        %swap3A_828 = tpu.vector_load %arg11[%swap3A_826, %swap3A_827] {strides = array<i32>} : memref<80x128xf32, #tpu.memory_space<vmem>>, vector<1x16xf32>,
        %swap3A_829 = vector.shape_cast %swap3A_828 : vector<1x16xf32> to vector<16xf32>
        %swap3A_830 = vector.shape_cast %mul3A_825 : vector<16xf32> to vector<1x16xf32>
        tpu.vector_store %arg11[%swap3A_826, %swap3A_827], %swap3A_830 {strides = array<i32>} : memref<80x128xf32, #tpu.memory_space<vmem>>, vector<1x16xf32>,
        %get3A_831 = arith.index_cast %add3A_770 : i32 to index
        %get3A_832 = arith.constant 96 : index
        %get3A_833 = tpu.vector_load %arg11[%get3A_831, %get3A_832] {strides = array<i32>} : memref<80x128xf32, #tpu.memory_space<vmem>>, vector<1x16xf32>,
        %get3A_834 = vector.shape_cast %get3A_833 : vector<1x16xf32> to vector<16xf32>
        %mul3A_835 = arith.mulf %get3A_834, %broadcast_in_dim3A_766 : vector<16xf32>
        %swap3A_836 = arith.index_cast %add3A_770 : i32 to index
        %swap3A_837 = arith.constant 96 : index
        %swap3A_838 = tpu.vector_load %arg11[%swap3A_836, %swap3A_837] {strides = array<i32>} : memref<80x128xf32, #tpu.memory_space<vmem>>, vector<1x16xf32>,
        %swap3A_839 = vector.shape_cast %swap3A_838 : vector<1x16xf32> to vector<16xf32>
        %swap3A_840 = vector.shape_cast %mul3A_835 : vector<16xf32> to vector<1x16xf32>
        tpu.vector_store %arg11[%swap3A_836, %swap3A_837], %swap3A_840 {strides = array<i32>} : memref<80x128xf32, #tpu.memory_space<vmem>>, vector<1x16xf32>,
        %get3A_841 = arith.index_cast %add3A_770 : i32 to index
        %get3A_842 = arith.constant 112 : index
        %get3A_843 = tpu.vector_load %arg11[%get3A_841, %get3A_842] {strides = array<i32>} : memref<80x128xf32, #tpu.memory_space<vmem>>, vector<1x16xf32>,
        %get3A_844 = vector.shape_cast %get3A_843 : vector<1x16xf32> to vector<16xf32>
        %mul3A_845 = arith.mulf %get3A_844, %broadcast_in_dim3A_766 : vector<16xf32>
        %swap3A_846 = arith.index_cast %add3A_770 : i32 to index
        %swap3A_847 = arith.constant 112 : index
        %swap3A_848 = tpu.vector_load %arg11[%swap3A_846, %swap3A_847] {strides = array<i32>} : memref<80x128xf32, #tpu.memory_space<vmem>>, vector<1x16xf32>,
        %swap3A_849 = vector.shape_cast %swap3A_848 : vector<1x16xf32> to vector<16xf32>
        %swap3A_850 = vector.shape_cast %mul3A_845 : vector<16xf32> to vector<1x16xf32>
        tpu.vector_store %arg11[%swap3A_846, %swap3A_847], %swap3A_850 {strides = array<i32>} : memref<80x128xf32, #tpu.memory_space<vmem>>, vector<1x16xf32>,
        %slice3A_851 = vector.extract_strided_slice %get3A_70 {offsets = [9], sizes = [1], strides = [1]} : vector<16xf32> to vector<1xf32>
        %squeeze3A_852 = vector.extract %slice3A_851[0] : f32 from vector<1xf32>
        %broadcast_in_dim3A_853 = vector.broadcast %squeeze3A_852 : f32 to vector<16xf32>
        %mul3A_854 = arith.constant 16 : i32
        %mul3A_855 = arith.muli %scan3A_66, %mul3A_854 : i32
        %add3A_856 = arith.constant 9 : i32
        %add3A_857 = arith.addi %mul3A_855, %add3A_856 : i32
        %get3A_858 = arith.index_cast %add3A_857 : i32 to index
        %get3A_859 = arith.constant 0 : index
        %get3A_860 = tpu.vector_load %arg11[%get3A_858, %get3A_859] {strides = array<i32>} : memref<80x128xf32, #tpu.memory_space<vmem>>, vector<1x16xf32>,
        %get3A_861 = vector.shape_cast %get3A_860 : vector<1x16xf32> to vector<16xf32>
        %mul3A_862 = arith.mulf %get3A_861, %broadcast_in_dim3A_853 : vector<16xf32>
        %swap3A_863 = arith.index_cast %add3A_857 : i32 to index
        %swap3A_864 = arith.constant 0 : index
        %swap3A_865 = tpu.vector_load %arg11[%swap3A_863, %swap3A_864] {strides = array<i32>} : memref<80x128xf32, #tpu.memory_space<vmem>>, vector<1x16xf32>,
        %swap3A_866 = vector.shape_cast %swap3A_865 : vector<1x16xf32> to vector<16xf32>
        %swap3A_867 = vector.shape_cast %mul3A_862 : vector<16xf32> to vector<1x16xf32>
        tpu.vector_store %arg11[%swap3A_863, %swap3A_864], %swap3A_867 {strides = array<i32>} : memref<80x128xf32, #tpu.memory_space<vmem>>, vector<1x16xf32>,
        %get3A_868 = arith.index_cast %add3A_857 : i32 to index
        %get3A_869 = arith.constant 16 : index
        %get3A_870 = tpu.vector_load %arg11[%get3A_868, %get3A_869] {strides = array<i32>} : memref<80x128xf32, #tpu.memory_space<vmem>>, vector<1x16xf32>,
        %get3A_871 = vector.shape_cast %get3A_870 : vector<1x16xf32> to vector<16xf32>
        %mul3A_872 = arith.mulf %get3A_871, %broadcast_in_dim3A_853 : vector<16xf32>
        %swap3A_873 = arith.index_cast %add3A_857 : i32 to index
        %swap3A_874 = arith.constant 16 : index
        %swap3A_875 = tpu.vector_load %arg11[%swap3A_873, %swap3A_874] {strides = array<i32>} : memref<80x128xf32, #tpu.memory_space<vmem>>, vector<1x16xf32>,
        %swap3A_876 = vector.shape_cast %swap3A_875 : vector<1x16xf32> to vector<16xf32>
        %swap3A_877 = vector.shape_cast %mul3A_872 : vector<16xf32> to vector<1x16xf32>
        tpu.vector_store %arg11[%swap3A_873, %swap3A_874], %swap3A_877 {strides = array<i32>} : memref<80x128xf32, #tpu.memory_space<vmem>>, vector<1x16xf32>,
        %get3A_878 = arith.index_cast %add3A_857 : i32 to index
        %get3A_879 = arith.constant 32 : index
        %get3A_880 = tpu.vector_load %arg11[%get3A_878, %get3A_879] {strides = array<i32>} : memref<80x128xf32, #tpu.memory_space<vmem>>, vector<1x16xf32>,
        %get3A_881 = vector.shape_cast %get3A_880 : vector<1x16xf32> to vector<16xf32>
        %mul3A_882 = arith.mulf %get3A_881, %broadcast_in_dim3A_853 : vector<16xf32>
        %swap3A_883 = arith.index_cast %add3A_857 : i32 to index
        %swap3A_884 = arith.constant 32 : index
        %swap3A_885 = tpu.vector_load %arg11[%swap3A_883, %swap3A_884] {strides = array<i32>} : memref<80x128xf32, #tpu.memory_space<vmem>>, vector<1x16xf32>,
        %swap3A_886 = vector.shape_cast %swap3A_885 : vector<1x16xf32> to vector<16xf32>
        %swap3A_887 = vector.shape_cast %mul3A_882 : vector<16xf32> to vector<1x16xf32>
        tpu.vector_store %arg11[%swap3A_883, %swap3A_884], %swap3A_887 {strides = array<i32>} : memref<80x128xf32, #tpu.memory_space<vmem>>, vector<1x16xf32>,
        %get3A_888 = arith.index_cast %add3A_857 : i32 to index
        %get3A_889 = arith.constant 48 : index
        %get3A_890 = tpu.vector_load %arg11[%get3A_888, %get3A_889] {strides = array<i32>} : memref<80x128xf32, #tpu.memory_space<vmem>>, vector<1x16xf32>,
        %get3A_891 = vector.shape_cast %get3A_890 : vector<1x16xf32> to vector<16xf32>
        %mul3A_892 = arith.mulf %get3A_891, %broadcast_in_dim3A_853 : vector<16xf32>
        %swap3A_893 = arith.index_cast %add3A_857 : i32 to index
        %swap3A_894 = arith.constant 48 : index
        %swap3A_895 = tpu.vector_load %arg11[%swap3A_893, %swap3A_894] {strides = array<i32>} : memref<80x128xf32, #tpu.memory_space<vmem>>, vector<1x16xf32>,
        %swap3A_896 = vector.shape_cast %swap3A_895 : vector<1x16xf32> to vector<16xf32>
        %swap3A_897 = vector.shape_cast %mul3A_892 : vector<16xf32> to vector<1x16xf32>
        tpu.vector_store %arg11[%swap3A_893, %swap3A_894], %swap3A_897 {strides = array<i32>} : memref<80x128xf32, #tpu.memory_space<vmem>>, vector<1x16xf32>,
        %get3A_898 = arith.index_cast %add3A_857 : i32 to index
        %get3A_899 = arith.constant 64 : index
        %get3A_900 = tpu.vector_load %arg11[%get3A_898, %get3A_899] {strides = array<i32>} : memref<80x128xf32, #tpu.memory_space<vmem>>, vector<1x16xf32>,
        %get3A_901 = vector.shape_cast %get3A_900 : vector<1x16xf32> to vector<16xf32>
        %mul3A_902 = arith.mulf %get3A_901, %broadcast_in_dim3A_853 : vector<16xf32>
        %swap3A_903 = arith.index_cast %add3A_857 : i32 to index
        %swap3A_904 = arith.constant 64 : index
        %swap3A_905 = tpu.vector_load %arg11[%swap3A_903, %swap3A_904] {strides = array<i32>} : memref<80x128xf32, #tpu.memory_space<vmem>>, vector<1x16xf32>,
        %swap3A_906 = vector.shape_cast %swap3A_905 : vector<1x16xf32> to vector<16xf32>
        %swap3A_907 = vector.shape_cast %mul3A_902 : vector<16xf32> to vector<1x16xf32>
        tpu.vector_store %arg11[%swap3A_903, %swap3A_904], %swap3A_907 {strides = array<i32>} : memref<80x128xf32, #tpu.memory_space<vmem>>, vector<1x16xf32>,
        %get3A_908 = arith.index_cast %add3A_857 : i32 to index
        %get3A_909 = arith.constant 80 : index
        %get3A_910 = tpu.vector_load %arg11[%get3A_908, %get3A_909] {strides = array<i32>} : memref<80x128xf32, #tpu.memory_space<vmem>>, vector<1x16xf32>,
        %get3A_911 = vector.shape_cast %get3A_910 : vector<1x16xf32> to vector<16xf32>
        %mul3A_912 = arith.mulf %get3A_911, %broadcast_in_dim3A_853 : vector<16xf32>
        %swap3A_913 = arith.index_cast %add3A_857 : i32 to index
        %swap3A_914 = arith.constant 80 : index
        %swap3A_915 = tpu.vector_load %arg11[%swap3A_913, %swap3A_914] {strides = array<i32>} : memref<80x128xf32, #tpu.memory_space<vmem>>, vector<1x16xf32>,
        %swap3A_916 = vector.shape_cast %swap3A_915 : vector<1x16xf32> to vector<16xf32>
        %swap3A_917 = vector.shape_cast %mul3A_912 : vector<16xf32> to vector<1x16xf32>
        tpu.vector_store %arg11[%swap3A_913, %swap3A_914], %swap3A_917 {strides = array<i32>} : memref<80x128xf32, #tpu.memory_space<vmem>>, vector<1x16xf32>,
        %get3A_918 = arith.index_cast %add3A_857 : i32 to index
        %get3A_919 = arith.constant 96 : index
        %get3A_920 = tpu.vector_load %arg11[%get3A_918, %get3A_919] {strides = array<i32>} : memref<80x128xf32, #tpu.memory_space<vmem>>, vector<1x16xf32>,
        %get3A_921 = vector.shape_cast %get3A_920 : vector<1x16xf32> to vector<16xf32>
        %mul3A_922 = arith.mulf %get3A_921, %broadcast_in_dim3A_853 : vector<16xf32>
        %swap3A_923 = arith.index_cast %add3A_857 : i32 to index
        %swap3A_924 = arith.constant 96 : index
        %swap3A_925 = tpu.vector_load %arg11[%swap3A_923, %swap3A_924] {strides = array<i32>} : memref<80x128xf32, #tpu.memory_space<vmem>>, vector<1x16xf32>,
        %swap3A_926 = vector.shape_cast %swap3A_925 : vector<1x16xf32> to vector<16xf32>
        %swap3A_927 = vector.shape_cast %mul3A_922 : vector<16xf32> to vector<1x16xf32>
        tpu.vector_store %arg11[%swap3A_923, %swap3A_924], %swap3A_927 {strides = array<i32>} : memref<80x128xf32, #tpu.memory_space<vmem>>, vector<1x16xf32>,
        %get3A_928 = arith.index_cast %add3A_857 : i32 to index
        %get3A_929 = arith.constant 112 : index
        %get3A_930 = tpu.vector_load %arg11[%get3A_928, %get3A_929] {strides = array<i32>} : memref<80x128xf32, #tpu.memory_space<vmem>>, vector<1x16xf32>,
        %get3A_931 = vector.shape_cast %get3A_930 : vector<1x16xf32> to vector<16xf32>
        %mul3A_932 = arith.mulf %get3A_931, %broadcast_in_dim3A_853 : vector<16xf32>
        %swap3A_933 = arith.index_cast %add3A_857 : i32 to index
        %swap3A_934 = arith.constant 112 : index
        %swap3A_935 = tpu.vector_load %arg11[%swap3A_933, %swap3A_934] {strides = array<i32>} : memref<80x128xf32, #tpu.memory_space<vmem>>, vector<1x16xf32>,
        %swap3A_936 = vector.shape_cast %swap3A_935 : vector<1x16xf32> to vector<16xf32>
        %swap3A_937 = vector.shape_cast %mul3A_932 : vector<16xf32> to vector<1x16xf32>
        tpu.vector_store %arg11[%swap3A_933, %swap3A_934], %swap3A_937 {strides = array<i32>} : memref<80x128xf32, #tpu.memory_space<vmem>>, vector<1x16xf32>,
        %slice3A_938 = vector.extract_strided_slice %get3A_70 {offsets = [10], sizes = [1], strides = [1]} : vector<16xf32> to vector<1xf32>
        %squeeze3A_939 = vector.extract %slice3A_938[0] : f32 from vector<1xf32>
        %broadcast_in_dim3A_940 = vector.broadcast %squeeze3A_939 : f32 to vector<16xf32>
        %mul3A_941 = arith.constant 16 : i32
        %mul3A_942 = arith.muli %scan3A_66, %mul3A_941 : i32
        %add3A_943 = arith.constant 10 : i32
        %add3A_944 = arith.addi %mul3A_942, %add3A_943 : i32
        %get3A_945 = arith.index_cast %add3A_944 : i32 to index
        %get3A_946 = arith.constant 0 : index
        %get3A_947 = tpu.vector_load %arg11[%get3A_945, %get3A_946] {strides = array<i32>} : memref<80x128xf32, #tpu.memory_space<vmem>>, vector<1x16xf32>,
        %get3A_948 = vector.shape_cast %get3A_947 : vector<1x16xf32> to vector<16xf32>
        %mul3A_949 = arith.mulf %get3A_948, %broadcast_in_dim3A_940 : vector<16xf32>
        %swap3A_950 = arith.index_cast %add3A_944 : i32 to index
        %swap3A_951 = arith.constant 0 : index
        %swap3A_952 = tpu.vector_load %arg11[%swap3A_950, %swap3A_951] {strides = array<i32>} : memref<80x128xf32, #tpu.memory_space<vmem>>, vector<1x16xf32>,
        %swap3A_953 = vector.shape_cast %swap3A_952 : vector<1x16xf32> to vector<16xf32>
        %swap3A_954 = vector.shape_cast %mul3A_949 : vector<16xf32> to vector<1x16xf32>
        tpu.vector_store %arg11[%swap3A_950, %swap3A_951], %swap3A_954 {strides = array<i32>} : memref<80x128xf32, #tpu.memory_space<vmem>>, vector<1x16xf32>,
        %get3A_955 = arith.index_cast %add3A_944 : i32 to index
        %get3A_956 = arith.constant 16 : index
        %get3A_957 = tpu.vector_load %arg11[%get3A_955, %get3A_956] {strides = array<i32>} : memref<80x128xf32, #tpu.memory_space<vmem>>, vector<1x16xf32>,
        %get3A_958 = vector.shape_cast %get3A_957 : vector<1x16xf32> to vector<16xf32>
        %mul3A_959 = arith.mulf %get3A_958, %broadcast_in_dim3A_940 : vector<16xf32>
        %swap3A_960 = arith.index_cast %add3A_944 : i32 to index
        %swap3A_961 = arith.constant 16 : index
        %swap3A_962 = tpu.vector_load %arg11[%swap3A_960, %swap3A_961] {strides = array<i32>} : memref<80x128xf32, #tpu.memory_space<vmem>>, vector<1x16xf32>,
        %swap3A_963 = vector.shape_cast %swap3A_962 : vector<1x16xf32> to vector<16xf32>
        %swap3A_964 = vector.shape_cast %mul3A_959 : vector<16xf32> to vector<1x16xf32>
        tpu.vector_store %arg11[%swap3A_960, %swap3A_961], %swap3A_964 {strides = array<i32>} : memref<80x128xf32, #tpu.memory_space<vmem>>, vector<1x16xf32>,
        %get3A_965 = arith.index_cast %add3A_944 : i32 to index
        %get3A_966 = arith.constant 32 : index
        %get3A_967 = tpu.vector_load %arg11[%get3A_965, %get3A_966] {strides = array<i32>} : memref<80x128xf32, #tpu.memory_space<vmem>>, vector<1x16xf32>,
        %get3A_968 = vector.shape_cast %get3A_967 : vector<1x16xf32> to vector<16xf32>
        %mul3A_969 = arith.mulf %get3A_968, %broadcast_in_dim3A_940 : vector<16xf32>
        %swap3A_970 = arith.index_cast %add3A_944 : i32 to index
        %swap3A_971 = arith.constant 32 : index
        %swap3A_972 = tpu.vector_load %arg11[%swap3A_970, %swap3A_971] {strides = array<i32>} : memref<80x128xf32, #tpu.memory_space<vmem>>, vector<1x16xf32>,
        %swap3A_973 = vector.shape_cast %swap3A_972 : vector<1x16xf32> to vector<16xf32>
        %swap3A_974 = vector.shape_cast %mul3A_969 : vector<16xf32> to vector<1x16xf32>
        tpu.vector_store %arg11[%swap3A_970, %swap3A_971], %swap3A_974 {strides = array<i32>} : memref<80x128xf32, #tpu.memory_space<vmem>>, vector<1x16xf32>,
        %get3A_975 = arith.index_cast %add3A_944 : i32 to index
        %get3A_976 = arith.constant 48 : index
        %get3A_977 = tpu.vector_load %arg11[%get3A_975, %get3A_976] {strides = array<i32>} : memref<80x128xf32, #tpu.memory_space<vmem>>, vector<1x16xf32>,
        %get3A_978 = vector.shape_cast %get3A_977 : vector<1x16xf32> to vector<16xf32>
        %mul3A_979 = arith.mulf %get3A_978, %broadcast_in_dim3A_940 : vector<16xf32>
        %swap3A_980 = arith.index_cast %add3A_944 : i32 to index
        %swap3A_981 = arith.constant 48 : index
        %swap3A_982 = tpu.vector_load %arg11[%swap3A_980, %swap3A_981] {strides = array<i32>} : memref<80x128xf32, #tpu.memory_space<vmem>>, vector<1x16xf32>,
        %swap3A_983 = vector.shape_cast %swap3A_982 : vector<1x16xf32> to vector<16xf32>
        %swap3A_984 = vector.shape_cast %mul3A_979 : vector<16xf32> to vector<1x16xf32>
        tpu.vector_store %arg11[%swap3A_980, %swap3A_981], %swap3A_984 {strides = array<i32>} : memref<80x128xf32, #tpu.memory_space<vmem>>, vector<1x16xf32>,
        %get3A_985 = arith.index_cast %add3A_944 : i32 to index
        %get3A_986 = arith.constant 64 : index
        %get3A_987 = tpu.vector_load %arg11[%get3A_985, %get3A_986] {strides = array<i32>} : memref<80x128xf32, #tpu.memory_space<vmem>>, vector<1x16xf32>,
        %get3A_988 = vector.shape_cast %get3A_987 : vector<1x16xf32> to vector<16xf32>
        %mul3A_989 = arith.mulf %get3A_988, %broadcast_in_dim3A_940 : vector<16xf32>
        %swap3A_990 = arith.index_cast %add3A_944 : i32 to index
        %swap3A_991 = arith.constant 64 : index
        %swap3A_992 = tpu.vector_load %arg11[%swap3A_990, %swap3A_991] {strides = array<i32>} : memref<80x128xf32, #tpu.memory_space<vmem>>, vector<1x16xf32>,
        %swap3A_993 = vector.shape_cast %swap3A_992 : vector<1x16xf32> to vector<16xf32>
        %swap3A_994 = vector.shape_cast %mul3A_989 : vector<16xf32> to vector<1x16xf32>
        tpu.vector_store %arg11[%swap3A_990, %swap3A_991], %swap3A_994 {strides = array<i32>} : memref<80x128xf32, #tpu.memory_space<vmem>>, vector<1x16xf32>,
        %get3A_995 = arith.index_cast %add3A_944 : i32 to index
        %get3A_996 = arith.constant 80 : index
        %get3A_997 = tpu.vector_load %arg11[%get3A_995, %get3A_996] {strides = array<i32>} : memref<80x128xf32, #tpu.memory_space<vmem>>, vector<1x16xf32>,
        %get3A_998 = vector.shape_cast %get3A_997 : vector<1x16xf32> to vector<16xf32>
        %mul3A_999 = arith.mulf %get3A_998, %broadcast_in_dim3A_940 : vector<16xf32>
        %swap3A_1000 = arith.index_cast %add3A_944 : i32 to index
        %swap3A_1001 = arith.constant 80 : index
        %swap3A_1002 = tpu.vector_load %arg11[%swap3A_1000, %swap3A_1001] {strides = array<i32>} : memref<80x128xf32, #tpu.memory_space<vmem>>, vector<1x16xf32>,
        %swap3A_1003 = vector.shape_cast %swap3A_1002 : vector<1x16xf32> to vector<16xf32>
        %swap3A_1004 = vector.shape_cast %mul3A_999 : vector<16xf32> to vector<1x16xf32>
        tpu.vector_store %arg11[%swap3A_1000, %swap3A_1001], %swap3A_1004 {strides = array<i32>} : memref<80x128xf32, #tpu.memory_space<vmem>>, vector<1x16xf32>,
        %get3A_1005 = arith.index_cast %add3A_944 : i32 to index
        %get3A_1006 = arith.constant 96 : index
        %get3A_1007 = tpu.vector_load %arg11[%get3A_1005, %get3A_1006] {strides = array<i32>} : memref<80x128xf32, #tpu.memory_space<vmem>>, vector<1x16xf32>,
        %get3A_1008 = vector.shape_cast %get3A_1007 : vector<1x16xf32> to vector<16xf32>
        %mul3A_1009 = arith.mulf %get3A_1008, %broadcast_in_dim3A_940 : vector<16xf32>
        %swap3A_1010 = arith.index_cast %add3A_944 : i32 to index
        %swap3A_1011 = arith.constant 96 : index
        %swap3A_1012 = tpu.vector_load %arg11[%swap3A_1010, %swap3A_1011] {strides = array<i32>} : memref<80x128xf32, #tpu.memory_space<vmem>>, vector<1x16xf32>,
        %swap3A_1013 = vector.shape_cast %swap3A_1012 : vector<1x16xf32> to vector<16xf32>
        %swap3A_1014 = vector.shape_cast %mul3A_1009 : vector<16xf32> to vector<1x16xf32>
        tpu.vector_store %arg11[%swap3A_1010, %swap3A_1011], %swap3A_1014 {strides = array<i32>} : memref<80x128xf32, #tpu.memory_space<vmem>>, vector<1x16xf32>,
        %get3A_1015 = arith.index_cast %add3A_944 : i32 to index
        %get3A_1016 = arith.constant 112 : index
        %get3A_1017 = tpu.vector_load %arg11[%get3A_1015, %get3A_1016] {strides = array<i32>} : memref<80x128xf32, #tpu.memory_space<vmem>>, vector<1x16xf32>,
        %get3A_1018 = vector.shape_cast %get3A_1017 : vector<1x16xf32> to vector<16xf32>
        %mul3A_1019 = arith.mulf %get3A_1018, %broadcast_in_dim3A_940 : vector<16xf32>
        %swap3A_1020 = arith.index_cast %add3A_944 : i32 to index
        %swap3A_1021 = arith.constant 112 : index
        %swap3A_1022 = tpu.vector_load %arg11[%swap3A_1020, %swap3A_1021] {strides = array<i32>} : memref<80x128xf32, #tpu.memory_space<vmem>>, vector<1x16xf32>,
        %swap3A_1023 = vector.shape_cast %swap3A_1022 : vector<1x16xf32> to vector<16xf32>
        %swap3A_1024 = vector.shape_cast %mul3A_1019 : vector<16xf32> to vector<1x16xf32>
        tpu.vector_store %arg11[%swap3A_1020, %swap3A_1021], %swap3A_1024 {strides = array<i32>} : memref<80x128xf32, #tpu.memory_space<vmem>>, vector<1x16xf32>,
        %slice3A_1025 = vector.extract_strided_slice %get3A_70 {offsets = [11], sizes = [1], strides = [1]} : vector<16xf32> to vector<1xf32>
        %squeeze3A_1026 = vector.extract %slice3A_1025[0] : f32 from vector<1xf32>
        %broadcast_in_dim3A_1027 = vector.broadcast %squeeze3A_1026 : f32 to vector<16xf32>
        %mul3A_1028 = arith.constant 16 : i32
        %mul3A_1029 = arith.muli %scan3A_66, %mul3A_1028 : i32
        %add3A_1030 = arith.constant 11 : i32
        %add3A_1031 = arith.addi %mul3A_1029, %add3A_1030 : i32
        %get3A_1032 = arith.index_cast %add3A_1031 : i32 to index
        %get3A_1033 = arith.constant 0 : index
        %get3A_1034 = tpu.vector_load %arg11[%get3A_1032, %get3A_1033] {strides = array<i32>} : memref<80x128xf32, #tpu.memory_space<vmem>>, vector<1x16xf32>,
        %get3A_1035 = vector.shape_cast %get3A_1034 : vector<1x16xf32> to vector<16xf32>
        %mul3A_1036 = arith.mulf %get3A_1035, %broadcast_in_dim3A_1027 : vector<16xf32>
        %swap3A_1037 = arith.index_cast %add3A_1031 : i32 to index
        %swap3A_1038 = arith.constant 0 : index
        %swap3A_1039 = tpu.vector_load %arg11[%swap3A_1037, %swap3A_1038] {strides = array<i32>} : memref<80x128xf32, #tpu.memory_space<vmem>>, vector<1x16xf32>,
        %swap3A_1040 = vector.shape_cast %swap3A_1039 : vector<1x16xf32> to vector<16xf32>
        %swap3A_1041 = vector.shape_cast %mul3A_1036 : vector<16xf32> to vector<1x16xf32>
        tpu.vector_store %arg11[%swap3A_1037, %swap3A_1038], %swap3A_1041 {strides = array<i32>} : memref<80x128xf32, #tpu.memory_space<vmem>>, vector<1x16xf32>,
        %get3A_1042 = arith.index_cast %add3A_1031 : i32 to index
        %get3A_1043 = arith.constant 16 : index
        %get3A_1044 = tpu.vector_load %arg11[%get3A_1042, %get3A_1043] {strides = array<i32>} : memref<80x128xf32, #tpu.memory_space<vmem>>, vector<1x16xf32>,
        %get3A_1045 = vector.shape_cast %get3A_1044 : vector<1x16xf32> to vector<16xf32>
        %mul3A_1046 = arith.mulf %get3A_1045, %broadcast_in_dim3A_1027 : vector<16xf32>
        %swap3A_1047 = arith.index_cast %add3A_1031 : i32 to index
        %swap3A_1048 = arith.constant 16 : index
        %swap3A_1049 = tpu.vector_load %arg11[%swap3A_1047, %swap3A_1048] {strides = array<i32>} : memref<80x128xf32, #tpu.memory_space<vmem>>, vector<1x16xf32>,
        %swap3A_1050 = vector.shape_cast %swap3A_1049 : vector<1x16xf32> to vector<16xf32>
        %swap3A_1051 = vector.shape_cast %mul3A_1046 : vector<16xf32> to vector<1x16xf32>
        tpu.vector_store %arg11[%swap3A_1047, %swap3A_1048], %swap3A_1051 {strides = array<i32>} : memref<80x128xf32, #tpu.memory_space<vmem>>, vector<1x16xf32>,
        %get3A_1052 = arith.index_cast %add3A_1031 : i32 to index
        %get3A_1053 = arith.constant 32 : index
        %get3A_1054 = tpu.vector_load %arg11[%get3A_1052, %get3A_1053] {strides = array<i32>} : memref<80x128xf32, #tpu.memory_space<vmem>>, vector<1x16xf32>,
        %get3A_1055 = vector.shape_cast %get3A_1054 : vector<1x16xf32> to vector<16xf32>
        %mul3A_1056 = arith.mulf %get3A_1055, %broadcast_in_dim3A_1027 : vector<16xf32>
        %swap3A_1057 = arith.index_cast %add3A_1031 : i32 to index
        %swap3A_1058 = arith.constant 32 : index
        %swap3A_1059 = tpu.vector_load %arg11[%swap3A_1057, %swap3A_1058] {strides = array<i32>} : memref<80x128xf32, #tpu.memory_space<vmem>>, vector<1x16xf32>,
        %swap3A_1060 = vector.shape_cast %swap3A_1059 : vector<1x16xf32> to vector<16xf32>
        %swap3A_1061 = vector.shape_cast %mul3A_1056 : vector<16xf32> to vector<1x16xf32>
        tpu.vector_store %arg11[%swap3A_1057, %swap3A_1058], %swap3A_1061 {strides = array<i32>} : memref<80x128xf32, #tpu.memory_space<vmem>>, vector<1x16xf32>,
        %get3A_1062 = arith.index_cast %add3A_1031 : i32 to index
        %get3A_1063 = arith.constant 48 : index
        %get3A_1064 = tpu.vector_load %arg11[%get3A_1062, %get3A_1063] {strides = array<i32>} : memref<80x128xf32, #tpu.memory_space<vmem>>, vector<1x16xf32>,
        %get3A_1065 = vector.shape_cast %get3A_1064 : vector<1x16xf32> to vector<16xf32>
        %mul3A_1066 = arith.mulf %get3A_1065, %broadcast_in_dim3A_1027 : vector<16xf32>
        %swap3A_1067 = arith.index_cast %add3A_1031 : i32 to index
        %swap3A_1068 = arith.constant 48 : index
        %swap3A_1069 = tpu.vector_load %arg11[%swap3A_1067, %swap3A_1068] {strides = array<i32>} : memref<80x128xf32, #tpu.memory_space<vmem>>, vector<1x16xf32>,
        %swap3A_1070 = vector.shape_cast %swap3A_1069 : vector<1x16xf32> to vector<16xf32>
        %swap3A_1071 = vector.shape_cast %mul3A_1066 : vector<16xf32> to vector<1x16xf32>
        tpu.vector_store %arg11[%swap3A_1067, %swap3A_1068], %swap3A_1071 {strides = array<i32>} : memref<80x128xf32, #tpu.memory_space<vmem>>, vector<1x16xf32>,
        %get3A_1072 = arith.index_cast %add3A_1031 : i32 to index
        %get3A_1073 = arith.constant 64 : index
        %get3A_1074 = tpu.vector_load %arg11[%get3A_1072, %get3A_1073] {strides = array<i32>} : memref<80x128xf32, #tpu.memory_space<vmem>>, vector<1x16xf32>,
        %get3A_1075 = vector.shape_cast %get3A_1074 : vector<1x16xf32> to vector<16xf32>
        %mul3A_1076 = arith.mulf %get3A_1075, %broadcast_in_dim3A_1027 : vector<16xf32>
        %swap3A_1077 = arith.index_cast %add3A_1031 : i32 to index
        %swap3A_1078 = arith.constant 64 : index
        %swap3A_1079 = tpu.vector_load %arg11[%swap3A_1077, %swap3A_1078] {strides = array<i32>} : memref<80x128xf32, #tpu.memory_space<vmem>>, vector<1x16xf32>,
        %swap3A_1080 = vector.shape_cast %swap3A_1079 : vector<1x16xf32> to vector<16xf32>
        %swap3A_1081 = vector.shape_cast %mul3A_1076 : vector<16xf32> to vector<1x16xf32>
        tpu.vector_store %arg11[%swap3A_1077, %swap3A_1078], %swap3A_1081 {strides = array<i32>} : memref<80x128xf32, #tpu.memory_space<vmem>>, vector<1x16xf32>,
        %get3A_1082 = arith.index_cast %add3A_1031 : i32 to index
        %get3A_1083 = arith.constant 80 : index
        %get3A_1084 = tpu.vector_load %arg11[%get3A_1082, %get3A_1083] {strides = array<i32>} : memref<80x128xf32, #tpu.memory_space<vmem>>, vector<1x16xf32>,
        %get3A_1085 = vector.shape_cast %get3A_1084 : vector<1x16xf32> to vector<16xf32>
        %mul3A_1086 = arith.mulf %get3A_1085, %broadcast_in_dim3A_1027 : vector<16xf32>
        %swap3A_1087 = arith.index_cast %add3A_1031 : i32 to index
        %swap3A_1088 = arith.constant 80 : index
        %swap3A_1089 = tpu.vector_load %arg11[%swap3A_1087, %swap3A_1088] {strides = array<i32>} : memref<80x128xf32, #tpu.memory_space<vmem>>, vector<1x16xf32>,
        %swap3A_1090 = vector.shape_cast %swap3A_1089 : vector<1x16xf32> to vector<16xf32>
        %swap3A_1091 = vector.shape_cast %mul3A_1086 : vector<16xf32> to vector<1x16xf32>
        tpu.vector_store %arg11[%swap3A_1087, %swap3A_1088], %swap3A_1091 {strides = array<i32>} : memref<80x128xf32, #tpu.memory_space<vmem>>, vector<1x16xf32>,
        %get3A_1092 = arith.index_cast %add3A_1031 : i32 to index
        %get3A_1093 = arith.constant 96 : index
        %get3A_1094 = tpu.vector_load %arg11[%get3A_1092, %get3A_1093] {strides = array<i32>} : memref<80x128xf32, #tpu.memory_space<vmem>>, vector<1x16xf32>,
        %get3A_1095 = vector.shape_cast %get3A_1094 : vector<1x16xf32> to vector<16xf32>
        %mul3A_1096 = arith.mulf %get3A_1095, %broadcast_in_dim3A_1027 : vector<16xf32>
        %swap3A_1097 = arith.index_cast %add3A_1031 : i32 to index
        %swap3A_1098 = arith.constant 96 : index
        %swap3A_1099 = tpu.vector_load %arg11[%swap3A_1097, %swap3A_1098] {strides = array<i32>} : memref<80x128xf32, #tpu.memory_space<vmem>>, vector<1x16xf32>,
        %swap3A_1100 = vector.shape_cast %swap3A_1099 : vector<1x16xf32> to vector<16xf32>
        %swap3A_1101 = vector.shape_cast %mul3A_1096 : vector<16xf32> to vector<1x16xf32>
        tpu.vector_store %arg11[%swap3A_1097, %swap3A_1098], %swap3A_1101 {strides = array<i32>} : memref<80x128xf32, #tpu.memory_space<vmem>>, vector<1x16xf32>,
        %get3A_1102 = arith.index_cast %add3A_1031 : i32 to index
        %get3A_1103 = arith.constant 112 : index
        %get3A_1104 = tpu.vector_load %arg11[%get3A_1102, %get3A_1103] {strides = array<i32>} : memref<80x128xf32, #tpu.memory_space<vmem>>, vector<1x16xf32>,
        %get3A_1105 = vector.shape_cast %get3A_1104 : vector<1x16xf32> to vector<16xf32>
        %mul3A_1106 = arith.mulf %get3A_1105, %broadcast_in_dim3A_1027 : vector<16xf32>
        %swap3A_1107 = arith.index_cast %add3A_1031 : i32 to index
        %swap3A_1108 = arith.constant 112 : index
        %swap3A_1109 = tpu.vector_load %arg11[%swap3A_1107, %swap3A_1108] {strides = array<i32>} : memref<80x128xf32, #tpu.memory_space<vmem>>, vector<1x16xf32>,
        %swap3A_1110 = vector.shape_cast %swap3A_1109 : vector<1x16xf32> to vector<16xf32>
        %swap3A_1111 = vector.shape_cast %mul3A_1106 : vector<16xf32> to vector<1x16xf32>
        tpu.vector_store %arg11[%swap3A_1107, %swap3A_1108], %swap3A_1111 {strides = array<i32>} : memref<80x128xf32, #tpu.memory_space<vmem>>, vector<1x16xf32>,
        %slice3A_1112 = vector.extract_strided_slice %get3A_70 {offsets = [12], sizes = [1], strides = [1]} : vector<16xf32> to vector<1xf32>
        %squeeze3A_1113 = vector.extract %slice3A_1112[0] : f32 from vector<1xf32>
        %broadcast_in_dim3A_1114 = vector.broadcast %squeeze3A_1113 : f32 to vector<16xf32>
        %mul3A_1115 = arith.constant 16 : i32
        %mul3A_1116 = arith.muli %scan3A_66, %mul3A_1115 : i32
        %add3A_1117 = arith.constant 12 : i32
        %add3A_1118 = arith.addi %mul3A_1116, %add3A_1117 : i32
        %get3A_1119 = arith.index_cast %add3A_1118 : i32 to index
        %get3A_1120 = arith.constant 0 : index
        %get3A_1121 = tpu.vector_load %arg11[%get3A_1119, %get3A_1120] {strides = array<i32>} : memref<80x128xf32, #tpu.memory_space<vmem>>, vector<1x16xf32>,
        %get3A_1122 = vector.shape_cast %get3A_1121 : vector<1x16xf32> to vector<16xf32>
        %mul3A_1123 = arith.mulf %get3A_1122, %broadcast_in_dim3A_1114 : vector<16xf32>
        %swap3A_1124 = arith.index_cast %add3A_1118 : i32 to index
        %swap3A_1125 = arith.constant 0 : index
        %swap3A_1126 = tpu.vector_load %arg11[%swap3A_1124, %swap3A_1125] {strides = array<i32>} : memref<80x128xf32, #tpu.memory_space<vmem>>, vector<1x16xf32>,
        %swap3A_1127 = vector.shape_cast %swap3A_1126 : vector<1x16xf32> to vector<16xf32>
        %swap3A_1128 = vector.shape_cast %mul3A_1123 : vector<16xf32> to vector<1x16xf32>
        tpu.vector_store %arg11[%swap3A_1124, %swap3A_1125], %swap3A_1128 {strides = array<i32>} : memref<80x128xf32, #tpu.memory_space<vmem>>, vector<1x16xf32>,
        %get3A_1129 = arith.index_cast %add3A_1118 : i32 to index
        %get3A_1130 = arith.constant 16 : index
        %get3A_1131 = tpu.vector_load %arg11[%get3A_1129, %get3A_1130] {strides = array<i32>} : memref<80x128xf32, #tpu.memory_space<vmem>>, vector<1x16xf32>,
        %get3A_1132 = vector.shape_cast %get3A_1131 : vector<1x16xf32> to vector<16xf32>
        %mul3A_1133 = arith.mulf %get3A_1132, %broadcast_in_dim3A_1114 : vector<16xf32>
        %swap3A_1134 = arith.index_cast %add3A_1118 : i32 to index
        %swap3A_1135 = arith.constant 16 : index
        %swap3A_1136 = tpu.vector_load %arg11[%swap3A_1134, %swap3A_1135] {strides = array<i32>} : memref<80x128xf32, #tpu.memory_space<vmem>>, vector<1x16xf32>,
        %swap3A_1137 = vector.shape_cast %swap3A_1136 : vector<1x16xf32> to vector<16xf32>
        %swap3A_1138 = vector.shape_cast %mul3A_1133 : vector<16xf32> to vector<1x16xf32>
        tpu.vector_store %arg11[%swap3A_1134, %swap3A_1135], %swap3A_1138 {strides = array<i32>} : memref<80x128xf32, #tpu.memory_space<vmem>>, vector<1x16xf32>,
        %get3A_1139 = arith.index_cast %add3A_1118 : i32 to index
        %get3A_1140 = arith.constant 32 : index
        %get3A_1141 = tpu.vector_load %arg11[%get3A_1139, %get3A_1140] {strides = array<i32>} : memref<80x128xf32, #tpu.memory_space<vmem>>, vector<1x16xf32>,
        %get3A_1142 = vector.shape_cast %get3A_1141 : vector<1x16xf32> to vector<16xf32>
        %mul3A_1143 = arith.mulf %get3A_1142, %broadcast_in_dim3A_1114 : vector<16xf32>
        %swap3A_1144 = arith.index_cast %add3A_1118 : i32 to index
        %swap3A_1145 = arith.constant 32 : index
        %swap3A_1146 = tpu.vector_load %arg11[%swap3A_1144, %swap3A_1145] {strides = array<i32>} : memref<80x128xf32, #tpu.memory_space<vmem>>, vector<1x16xf32>,
        %swap3A_1147 = vector.shape_cast %swap3A_1146 : vector<1x16xf32> to vector<16xf32>
        %swap3A_1148 = vector.shape_cast %mul3A_1143 : vector<16xf32> to vector<1x16xf32>
        tpu.vector_store %arg11[%swap3A_1144, %swap3A_1145], %swap3A_1148 {strides = array<i32>} : memref<80x128xf32, #tpu.memory_space<vmem>>, vector<1x16xf32>,
        %get3A_1149 = arith.index_cast %add3A_1118 : i32 to index
        %get3A_1150 = arith.constant 48 : index
        %get3A_1151 = tpu.vector_load %arg11[%get3A_1149, %get3A_1150] {strides = array<i32>} : memref<80x128xf32, #tpu.memory_space<vmem>>, vector<1x16xf32>,
        %get3A_1152 = vector.shape_cast %get3A_1151 : vector<1x16xf32> to vector<16xf32>
        %mul3A_1153 = arith.mulf %get3A_1152, %broadcast_in_dim3A_1114 : vector<16xf32>
        %swap3A_1154 = arith.index_cast %add3A_1118 : i32 to index
        %swap3A_1155 = arith.constant 48 : index
        %swap3A_1156 = tpu.vector_load %arg11[%swap3A_1154, %swap3A_1155] {strides = array<i32>} : memref<80x128xf32, #tpu.memory_space<vmem>>, vector<1x16xf32>,
        %swap3A_1157 = vector.shape_cast %swap3A_1156 : vector<1x16xf32> to vector<16xf32>
        %swap3A_1158 = vector.shape_cast %mul3A_1153 : vector<16xf32> to vector<1x16xf32>
        tpu.vector_store %arg11[%swap3A_1154, %swap3A_1155], %swap3A_1158 {strides = array<i32>} : memref<80x128xf32, #tpu.memory_space<vmem>>, vector<1x16xf32>,
        %get3A_1159 = arith.index_cast %add3A_1118 : i32 to index
        %get3A_1160 = arith.constant 64 : index
        %get3A_1161 = tpu.vector_load %arg11[%get3A_1159, %get3A_1160] {strides = array<i32>} : memref<80x128xf32, #tpu.memory_space<vmem>>, vector<1x16xf32>,
        %get3A_1162 = vector.shape_cast %get3A_1161 : vector<1x16xf32> to vector<16xf32>
        %mul3A_1163 = arith.mulf %get3A_1162, %broadcast_in_dim3A_1114 : vector<16xf32>
        %swap3A_1164 = arith.index_cast %add3A_1118 : i32 to index
        %swap3A_1165 = arith.constant 64 : index
        %swap3A_1166 = tpu.vector_load %arg11[%swap3A_1164, %swap3A_1165] {strides = array<i32>} : memref<80x128xf32, #tpu.memory_space<vmem>>, vector<1x16xf32>,
        %swap3A_1167 = vector.shape_cast %swap3A_1166 : vector<1x16xf32> to vector<16xf32>
        %swap3A_1168 = vector.shape_cast %mul3A_1163 : vector<16xf32> to vector<1x16xf32>
        tpu.vector_store %arg11[%swap3A_1164, %swap3A_1165], %swap3A_1168 {strides = array<i32>} : memref<80x128xf32, #tpu.memory_space<vmem>>, vector<1x16xf32>,
        %get3A_1169 = arith.index_cast %add3A_1118 : i32 to index
        %get3A_1170 = arith.constant 80 : index
        %get3A_1171 = tpu.vector_load %arg11[%get3A_1169, %get3A_1170] {strides = array<i32>} : memref<80x128xf32, #tpu.memory_space<vmem>>, vector<1x16xf32>,
        %get3A_1172 = vector.shape_cast %get3A_1171 : vector<1x16xf32> to vector<16xf32>
        %mul3A_1173 = arith.mulf %get3A_1172, %broadcast_in_dim3A_1114 : vector<16xf32>
        %swap3A_1174 = arith.index_cast %add3A_1118 : i32 to index
        %swap3A_1175 = arith.constant 80 : index
        %swap3A_1176 = tpu.vector_load %arg11[%swap3A_1174, %swap3A_1175] {strides = array<i32>} : memref<80x128xf32, #tpu.memory_space<vmem>>, vector<1x16xf32>,
        %swap3A_1177 = vector.shape_cast %swap3A_1176 : vector<1x16xf32> to vector<16xf32>
        %swap3A_1178 = vector.shape_cast %mul3A_1173 : vector<16xf32> to vector<1x16xf32>
        tpu.vector_store %arg11[%swap3A_1174, %swap3A_1175], %swap3A_1178 {strides = array<i32>} : memref<80x128xf32, #tpu.memory_space<vmem>>, vector<1x16xf32>,
        %get3A_1179 = arith.index_cast %add3A_1118 : i32 to index
        %get3A_1180 = arith.constant 96 : index
        %get3A_1181 = tpu.vector_load %arg11[%get3A_1179, %get3A_1180] {strides = array<i32>} : memref<80x128xf32, #tpu.memory_space<vmem>>, vector<1x16xf32>,
        %get3A_1182 = vector.shape_cast %get3A_1181 : vector<1x16xf32> to vector<16xf32>
        %mul3A_1183 = arith.mulf %get3A_1182, %broadcast_in_dim3A_1114 : vector<16xf32>
        %swap3A_1184 = arith.index_cast %add3A_1118 : i32 to index
        %swap3A_1185 = arith.constant 96 : index
        %swap3A_1186 = tpu.vector_load %arg11[%swap3A_1184, %swap3A_1185] {strides = array<i32>} : memref<80x128xf32, #tpu.memory_space<vmem>>, vector<1x16xf32>,
        %swap3A_1187 = vector.shape_cast %swap3A_1186 : vector<1x16xf32> to vector<16xf32>
        %swap3A_1188 = vector.shape_cast %mul3A_1183 : vector<16xf32> to vector<1x16xf32>
        tpu.vector_store %arg11[%swap3A_1184, %swap3A_1185], %swap3A_1188 {strides = array<i32>} : memref<80x128xf32, #tpu.memory_space<vmem>>, vector<1x16xf32>,
        %get3A_1189 = arith.index_cast %add3A_1118 : i32 to index
        %get3A_1190 = arith.constant 112 : index
        %get3A_1191 = tpu.vector_load %arg11[%get3A_1189, %get3A_1190] {strides = array<i32>} : memref<80x128xf32, #tpu.memory_space<vmem>>, vector<1x16xf32>,
        %get3A_1192 = vector.shape_cast %get3A_1191 : vector<1x16xf32> to vector<16xf32>
        %mul3A_1193 = arith.mulf %get3A_1192, %broadcast_in_dim3A_1114 : vector<16xf32>
        %swap3A_1194 = arith.index_cast %add3A_1118 : i32 to index
        %swap3A_1195 = arith.constant 112 : index
        %swap3A_1196 = tpu.vector_load %arg11[%swap3A_1194, %swap3A_1195] {strides = array<i32>} : memref<80x128xf32, #tpu.memory_space<vmem>>, vector<1x16xf32>,
        %swap3A_1197 = vector.shape_cast %swap3A_1196 : vector<1x16xf32> to vector<16xf32>
        %swap3A_1198 = vector.shape_cast %mul3A_1193 : vector<16xf32> to vector<1x16xf32>
        tpu.vector_store %arg11[%swap3A_1194, %swap3A_1195], %swap3A_1198 {strides = array<i32>} : memref<80x128xf32, #tpu.memory_space<vmem>>, vector<1x16xf32>,
        %slice3A_1199 = vector.extract_strided_slice %get3A_70 {offsets = [13], sizes = [1], strides = [1]} : vector<16xf32> to vector<1xf32>
        %squeeze3A_1200 = vector.extract %slice3A_1199[0] : f32 from vector<1xf32>
        %broadcast_in_dim3A_1201 = vector.broadcast %squeeze3A_1200 : f32 to vector<16xf32>
        %mul3A_1202 = arith.constant 16 : i32
        %mul3A_1203 = arith.muli %scan3A_66, %mul3A_1202 : i32
        %add3A_1204 = arith.constant 13 : i32
        %add3A_1205 = arith.addi %mul3A_1203, %add3A_1204 : i32
        %get3A_1206 = arith.index_cast %add3A_1205 : i32 to index
        %get3A_1207 = arith.constant 0 : index
        %get3A_1208 = tpu.vector_load %arg11[%get3A_1206, %get3A_1207] {strides = array<i32>} : memref<80x128xf32, #tpu.memory_space<vmem>>, vector<1x16xf32>,
        %get3A_1209 = vector.shape_cast %get3A_1208 : vector<1x16xf32> to vector<16xf32>
        %mul3A_1210 = arith.mulf %get3A_1209, %broadcast_in_dim3A_1201 : vector<16xf32>
        %swap3A_1211 = arith.index_cast %add3A_1205 : i32 to index
        %swap3A_1212 = arith.constant 0 : index
        %swap3A_1213 = tpu.vector_load %arg11[%swap3A_1211, %swap3A_1212] {strides = array<i32>} : memref<80x128xf32, #tpu.memory_space<vmem>>, vector<1x16xf32>,
        %swap3A_1214 = vector.shape_cast %swap3A_1213 : vector<1x16xf32> to vector<16xf32>
        %swap3A_1215 = vector.shape_cast %mul3A_1210 : vector<16xf32> to vector<1x16xf32>
        tpu.vector_store %arg11[%swap3A_1211, %swap3A_1212], %swap3A_1215 {strides = array<i32>} : memref<80x128xf32, #tpu.memory_space<vmem>>, vector<1x16xf32>,
        %get3A_1216 = arith.index_cast %add3A_1205 : i32 to index
        %get3A_1217 = arith.constant 16 : index
        %get3A_1218 = tpu.vector_load %arg11[%get3A_1216, %get3A_1217] {strides = array<i32>} : memref<80x128xf32, #tpu.memory_space<vmem>>, vector<1x16xf32>,
        %get3A_1219 = vector.shape_cast %get3A_1218 : vector<1x16xf32> to vector<16xf32>
        %mul3A_1220 = arith.mulf %get3A_1219, %broadcast_in_dim3A_1201 : vector<16xf32>
        %swap3A_1221 = arith.index_cast %add3A_1205 : i32 to index
        %swap3A_1222 = arith.constant 16 : index
        %swap3A_1223 = tpu.vector_load %arg11[%swap3A_1221, %swap3A_1222] {strides = array<i32>} : memref<80x128xf32, #tpu.memory_space<vmem>>, vector<1x16xf32>,
        %swap3A_1224 = vector.shape_cast %swap3A_1223 : vector<1x16xf32> to vector<16xf32>
        %swap3A_1225 = vector.shape_cast %mul3A_1220 : vector<16xf32> to vector<1x16xf32>
        tpu.vector_store %arg11[%swap3A_1221, %swap3A_1222], %swap3A_1225 {strides = array<i32>} : memref<80x128xf32, #tpu.memory_space<vmem>>, vector<1x16xf32>,
        %get3A_1226 = arith.index_cast %add3A_1205 : i32 to index
        %get3A_1227 = arith.constant 32 : index
        %get3A_1228 = tpu.vector_load %arg11[%get3A_1226, %get3A_1227] {strides = array<i32>} : memref<80x128xf32, #tpu.memory_space<vmem>>, vector<1x16xf32>,
        %get3A_1229 = vector.shape_cast %get3A_1228 : vector<1x16xf32> to vector<16xf32>
        %mul3A_1230 = arith.mulf %get3A_1229, %broadcast_in_dim3A_1201 : vector<16xf32>
        %swap3A_1231 = arith.index_cast %add3A_1205 : i32 to index
        %swap3A_1232 = arith.constant 32 : index
        %swap3A_1233 = tpu.vector_load %arg11[%swap3A_1231, %swap3A_1232] {strides = array<i32>} : memref<80x128xf32, #tpu.memory_space<vmem>>, vector<1x16xf32>,
        %swap3A_1234 = vector.shape_cast %swap3A_1233 : vector<1x16xf32> to vector<16xf32>
        %swap3A_1235 = vector.shape_cast %mul3A_1230 : vector<16xf32> to vector<1x16xf32>
        tpu.vector_store %arg11[%swap3A_1231, %swap3A_1232], %swap3A_1235 {strides = array<i32>} : memref<80x128xf32, #tpu.memory_space<vmem>>, vector<1x16xf32>,
        %get3A_1236 = arith.index_cast %add3A_1205 : i32 to index
        %get3A_1237 = arith.constant 48 : index
        %get3A_1238 = tpu.vector_load %arg11[%get3A_1236, %get3A_1237] {strides = array<i32>} : memref<80x128xf32, #tpu.memory_space<vmem>>, vector<1x16xf32>,
        %get3A_1239 = vector.shape_cast %get3A_1238 : vector<1x16xf32> to vector<16xf32>
        %mul3A_1240 = arith.mulf %get3A_1239, %broadcast_in_dim3A_1201 : vector<16xf32>
        %swap3A_1241 = arith.index_cast %add3A_1205 : i32 to index
        %swap3A_1242 = arith.constant 48 : index
        %swap3A_1243 = tpu.vector_load %arg11[%swap3A_1241, %swap3A_1242] {strides = array<i32>} : memref<80x128xf32, #tpu.memory_space<vmem>>, vector<1x16xf32>,
        %swap3A_1244 = vector.shape_cast %swap3A_1243 : vector<1x16xf32> to vector<16xf32>
        %swap3A_1245 = vector.shape_cast %mul3A_1240 : vector<16xf32> to vector<1x16xf32>
        tpu.vector_store %arg11[%swap3A_1241, %swap3A_1242], %swap3A_1245 {strides = array<i32>} : memref<80x128xf32, #tpu.memory_space<vmem>>, vector<1x16xf32>,
        %get3A_1246 = arith.index_cast %add3A_1205 : i32 to index
        %get3A_1247 = arith.constant 64 : index
        %get3A_1248 = tpu.vector_load %arg11[%get3A_1246, %get3A_1247] {strides = array<i32>} : memref<80x128xf32, #tpu.memory_space<vmem>>, vector<1x16xf32>,
        %get3A_1249 = vector.shape_cast %get3A_1248 : vector<1x16xf32> to vector<16xf32>
        %mul3A_1250 = arith.mulf %get3A_1249, %broadcast_in_dim3A_1201 : vector<16xf32>
        %swap3A_1251 = arith.index_cast %add3A_1205 : i32 to index
        %swap3A_1252 = arith.constant 64 : index
        %swap3A_1253 = tpu.vector_load %arg11[%swap3A_1251, %swap3A_1252] {strides = array<i32>} : memref<80x128xf32, #tpu.memory_space<vmem>>, vector<1x16xf32>,
        %swap3A_1254 = vector.shape_cast %swap3A_1253 : vector<1x16xf32> to vector<16xf32>
        %swap3A_1255 = vector.shape_cast %mul3A_1250 : vector<16xf32> to vector<1x16xf32>
        tpu.vector_store %arg11[%swap3A_1251, %swap3A_1252], %swap3A_1255 {strides = array<i32>} : memref<80x128xf32, #tpu.memory_space<vmem>>, vector<1x16xf32>,
        %get3A_1256 = arith.index_cast %add3A_1205 : i32 to index
        %get3A_1257 = arith.constant 80 : index
        %get3A_1258 = tpu.vector_load %arg11[%get3A_1256, %get3A_1257] {strides = array<i32>} : memref<80x128xf32, #tpu.memory_space<vmem>>, vector<1x16xf32>,
        %get3A_1259 = vector.shape_cast %get3A_1258 : vector<1x16xf32> to vector<16xf32>
        %mul3A_1260 = arith.mulf %get3A_1259, %broadcast_in_dim3A_1201 : vector<16xf32>
        %swap3A_1261 = arith.index_cast %add3A_1205 : i32 to index
        %swap3A_1262 = arith.constant 80 : index
        %swap3A_1263 = tpu.vector_load %arg11[%swap3A_1261, %swap3A_1262] {strides = array<i32>} : memref<80x128xf32, #tpu.memory_space<vmem>>, vector<1x16xf32>,
        %swap3A_1264 = vector.shape_cast %swap3A_1263 : vector<1x16xf32> to vector<16xf32>
        %swap3A_1265 = vector.shape_cast %mul3A_1260 : vector<16xf32> to vector<1x16xf32>
        tpu.vector_store %arg11[%swap3A_1261, %swap3A_1262], %swap3A_1265 {strides = array<i32>} : memref<80x128xf32, #tpu.memory_space<vmem>>, vector<1x16xf32>,
        %get3A_1266 = arith.index_cast %add3A_1205 : i32 to index
        %get3A_1267 = arith.constant 96 : index
        %get3A_1268 = tpu.vector_load %arg11[%get3A_1266, %get3A_1267] {strides = array<i32>} : memref<80x128xf32, #tpu.memory_space<vmem>>, vector<1x16xf32>,
        %get3A_1269 = vector.shape_cast %get3A_1268 : vector<1x16xf32> to vector<16xf32>
        %mul3A_1270 = arith.mulf %get3A_1269, %broadcast_in_dim3A_1201 : vector<16xf32>
        %swap3A_1271 = arith.index_cast %add3A_1205 : i32 to index
        %swap3A_1272 = arith.constant 96 : index
        %swap3A_1273 = tpu.vector_load %arg11[%swap3A_1271, %swap3A_1272] {strides = array<i32>} : memref<80x128xf32, #tpu.memory_space<vmem>>, vector<1x16xf32>,
        %swap3A_1274 = vector.shape_cast %swap3A_1273 : vector<1x16xf32> to vector<16xf32>
        %swap3A_1275 = vector.shape_cast %mul3A_1270 : vector<16xf32> to vector<1x16xf32>
        tpu.vector_store %arg11[%swap3A_1271, %swap3A_1272], %swap3A_1275 {strides = array<i32>} : memref<80x128xf32, #tpu.memory_space<vmem>>, vector<1x16xf32>,
        %get3A_1276 = arith.index_cast %add3A_1205 : i32 to index
        %get3A_1277 = arith.constant 112 : index
        %get3A_1278 = tpu.vector_load %arg11[%get3A_1276, %get3A_1277] {strides = array<i32>} : memref<80x128xf32, #tpu.memory_space<vmem>>, vector<1x16xf32>,
        %get3A_1279 = vector.shape_cast %get3A_1278 : vector<1x16xf32> to vector<16xf32>
        %mul3A_1280 = arith.mulf %get3A_1279, %broadcast_in_dim3A_1201 : vector<16xf32>
        %swap3A_1281 = arith.index_cast %add3A_1205 : i32 to index
        %swap3A_1282 = arith.constant 112 : index
        %swap3A_1283 = tpu.vector_load %arg11[%swap3A_1281, %swap3A_1282] {strides = array<i32>} : memref<80x128xf32, #tpu.memory_space<vmem>>, vector<1x16xf32>,
        %swap3A_1284 = vector.shape_cast %swap3A_1283 : vector<1x16xf32> to vector<16xf32>
        %swap3A_1285 = vector.shape_cast %mul3A_1280 : vector<16xf32> to vector<1x16xf32>
        tpu.vector_store %arg11[%swap3A_1281, %swap3A_1282], %swap3A_1285 {strides = array<i32>} : memref<80x128xf32, #tpu.memory_space<vmem>>, vector<1x16xf32>,
        %slice3A_1286 = vector.extract_strided_slice %get3A_70 {offsets = [14], sizes = [1], strides = [1]} : vector<16xf32> to vector<1xf32>
        %squeeze3A_1287 = vector.extract %slice3A_1286[0] : f32 from vector<1xf32>
        %broadcast_in_dim3A_1288 = vector.broadcast %squeeze3A_1287 : f32 to vector<16xf32>
        %mul3A_1289 = arith.constant 16 : i32
        %mul3A_1290 = arith.muli %scan3A_66, %mul3A_1289 : i32
        %add3A_1291 = arith.constant 14 : i32
        %add3A_1292 = arith.addi %mul3A_1290, %add3A_1291 : i32
        %get3A_1293 = arith.index_cast %add3A_1292 : i32 to index
        %get3A_1294 = arith.constant 0 : index
        %get3A_1295 = tpu.vector_load %arg11[%get3A_1293, %get3A_1294] {strides = array<i32>} : memref<80x128xf32, #tpu.memory_space<vmem>>, vector<1x16xf32>,
        %get3A_1296 = vector.shape_cast %get3A_1295 : vector<1x16xf32> to vector<16xf32>
        %mul3A_1297 = arith.mulf %get3A_1296, %broadcast_in_dim3A_1288 : vector<16xf32>
        %swap3A_1298 = arith.index_cast %add3A_1292 : i32 to index
        %swap3A_1299 = arith.constant 0 : index
        %swap3A_1300 = tpu.vector_load %arg11[%swap3A_1298, %swap3A_1299] {strides = array<i32>} : memref<80x128xf32, #tpu.memory_space<vmem>>, vector<1x16xf32>,
        %swap3A_1301 = vector.shape_cast %swap3A_1300 : vector<1x16xf32> to vector<16xf32>
        %swap3A_1302 = vector.shape_cast %mul3A_1297 : vector<16xf32> to vector<1x16xf32>
        tpu.vector_store %arg11[%swap3A_1298, %swap3A_1299], %swap3A_1302 {strides = array<i32>} : memref<80x128xf32, #tpu.memory_space<vmem>>, vector<1x16xf32>,
        %get3A_1303 = arith.index_cast %add3A_1292 : i32 to index
        %get3A_1304 = arith.constant 16 : index
        %get3A_1305 = tpu.vector_load %arg11[%get3A_1303, %get3A_1304] {strides = array<i32>} : memref<80x128xf32, #tpu.memory_space<vmem>>, vector<1x16xf32>,
        %get3A_1306 = vector.shape_cast %get3A_1305 : vector<1x16xf32> to vector<16xf32>
        %mul3A_1307 = arith.mulf %get3A_1306, %broadcast_in_dim3A_1288 : vector<16xf32>
        %swap3A_1308 = arith.index_cast %add3A_1292 : i32 to index
        %swap3A_1309 = arith.constant 16 : index
        %swap3A_1310 = tpu.vector_load %arg11[%swap3A_1308, %swap3A_1309] {strides = array<i32>} : memref<80x128xf32, #tpu.memory_space<vmem>>, vector<1x16xf32>,
        %swap3A_1311 = vector.shape_cast %swap3A_1310 : vector<1x16xf32> to vector<16xf32>
        %swap3A_1312 = vector.shape_cast %mul3A_1307 : vector<16xf32> to vector<1x16xf32>
        tpu.vector_store %arg11[%swap3A_1308, %swap3A_1309], %swap3A_1312 {strides = array<i32>} : memref<80x128xf32, #tpu.memory_space<vmem>>, vector<1x16xf32>,
        %get3A_1313 = arith.index_cast %add3A_1292 : i32 to index
        %get3A_1314 = arith.constant 32 : index
        %get3A_1315 = tpu.vector_load %arg11[%get3A_1313, %get3A_1314] {strides = array<i32>} : memref<80x128xf32, #tpu.memory_space<vmem>>, vector<1x16xf32>,
        %get3A_1316 = vector.shape_cast %get3A_1315 : vector<1x16xf32> to vector<16xf32>
        %mul3A_1317 = arith.mulf %get3A_1316, %broadcast_in_dim3A_1288 : vector<16xf32>
        %swap3A_1318 = arith.index_cast %add3A_1292 : i32 to index
        %swap3A_1319 = arith.constant 32 : index
        %swap3A_1320 = tpu.vector_load %arg11[%swap3A_1318, %swap3A_1319] {strides = array<i32>} : memref<80x128xf32, #tpu.memory_space<vmem>>, vector<1x16xf32>,
        %swap3A_1321 = vector.shape_cast %swap3A_1320 : vector<1x16xf32> to vector<16xf32>
        %swap3A_1322 = vector.shape_cast %mul3A_1317 : vector<16xf32> to vector<1x16xf32>
        tpu.vector_store %arg11[%swap3A_1318, %swap3A_1319], %swap3A_1322 {strides = array<i32>} : memref<80x128xf32, #tpu.memory_space<vmem>>, vector<1x16xf32>,
        %get3A_1323 = arith.index_cast %add3A_1292 : i32 to index
        %get3A_1324 = arith.constant 48 : index
        %get3A_1325 = tpu.vector_load %arg11[%get3A_1323, %get3A_1324] {strides = array<i32>} : memref<80x128xf32, #tpu.memory_space<vmem>>, vector<1x16xf32>,
        %get3A_1326 = vector.shape_cast %get3A_1325 : vector<1x16xf32> to vector<16xf32>
        %mul3A_1327 = arith.mulf %get3A_1326, %broadcast_in_dim3A_1288 : vector<16xf32>
        %swap3A_1328 = arith.index_cast %add3A_1292 : i32 to index
        %swap3A_1329 = arith.constant 48 : index
        %swap3A_1330 = tpu.vector_load %arg11[%swap3A_1328, %swap3A_1329] {strides = array<i32>} : memref<80x128xf32, #tpu.memory_space<vmem>>, vector<1x16xf32>,
        %swap3A_1331 = vector.shape_cast %swap3A_1330 : vector<1x16xf32> to vector<16xf32>
        %swap3A_1332 = vector.shape_cast %mul3A_1327 : vector<16xf32> to vector<1x16xf32>
        tpu.vector_store %arg11[%swap3A_1328, %swap3A_1329], %swap3A_1332 {strides = array<i32>} : memref<80x128xf32, #tpu.memory_space<vmem>>, vector<1x16xf32>,
        %get3A_1333 = arith.index_cast %add3A_1292 : i32 to index
        %get3A_1334 = arith.constant 64 : index
        %get3A_1335 = tpu.vector_load %arg11[%get3A_1333, %get3A_1334] {strides = array<i32>} : memref<80x128xf32, #tpu.memory_space<vmem>>, vector<1x16xf32>,
        %get3A_1336 = vector.shape_cast %get3A_1335 : vector<1x16xf32> to vector<16xf32>
        %mul3A_1337 = arith.mulf %get3A_1336, %broadcast_in_dim3A_1288 : vector<16xf32>
        %swap3A_1338 = arith.index_cast %add3A_1292 : i32 to index
        %swap3A_1339 = arith.constant 64 : index
        %swap3A_1340 = tpu.vector_load %arg11[%swap3A_1338, %swap3A_1339] {strides = array<i32>} : memref<80x128xf32, #tpu.memory_space<vmem>>, vector<1x16xf32>,
        %swap3A_1341 = vector.shape_cast %swap3A_1340 : vector<1x16xf32> to vector<16xf32>
        %swap3A_1342 = vector.shape_cast %mul3A_1337 : vector<16xf32> to vector<1x16xf32>
        tpu.vector_store %arg11[%swap3A_1338, %swap3A_1339], %swap3A_1342 {strides = array<i32>} : memref<80x128xf32, #tpu.memory_space<vmem>>, vector<1x16xf32>,
        %get3A_1343 = arith.index_cast %add3A_1292 : i32 to index
        %get3A_1344 = arith.constant 80 : index
        %get3A_1345 = tpu.vector_load %arg11[%get3A_1343, %get3A_1344] {strides = array<i32>} : memref<80x128xf32, #tpu.memory_space<vmem>>, vector<1x16xf32>,
        %get3A_1346 = vector.shape_cast %get3A_1345 : vector<1x16xf32> to vector<16xf32>
        %mul3A_1347 = arith.mulf %get3A_1346, %broadcast_in_dim3A_1288 : vector<16xf32>
        %swap3A_1348 = arith.index_cast %add3A_1292 : i32 to index
        %swap3A_1349 = arith.constant 80 : index
        %swap3A_1350 = tpu.vector_load %arg11[%swap3A_1348, %swap3A_1349] {strides = array<i32>} : memref<80x128xf32, #tpu.memory_space<vmem>>, vector<1x16xf32>,
        %swap3A_1351 = vector.shape_cast %swap3A_1350 : vector<1x16xf32> to vector<16xf32>
        %swap3A_1352 = vector.shape_cast %mul3A_1347 : vector<16xf32> to vector<1x16xf32>
        tpu.vector_store %arg11[%swap3A_1348, %swap3A_1349], %swap3A_1352 {strides = array<i32>} : memref<80x128xf32, #tpu.memory_space<vmem>>, vector<1x16xf32>,
        %get3A_1353 = arith.index_cast %add3A_1292 : i32 to index
        %get3A_1354 = arith.constant 96 : index
        %get3A_1355 = tpu.vector_load %arg11[%get3A_1353, %get3A_1354] {strides = array<i32>} : memref<80x128xf32, #tpu.memory_space<vmem>>, vector<1x16xf32>,
        %get3A_1356 = vector.shape_cast %get3A_1355 : vector<1x16xf32> to vector<16xf32>
        %mul3A_1357 = arith.mulf %get3A_1356, %broadcast_in_dim3A_1288 : vector<16xf32>
        %swap3A_1358 = arith.index_cast %add3A_1292 : i32 to index
        %swap3A_1359 = arith.constant 96 : index
        %swap3A_1360 = tpu.vector_load %arg11[%swap3A_1358, %swap3A_1359] {strides = array<i32>} : memref<80x128xf32, #tpu.memory_space<vmem>>, vector<1x16xf32>,
        %swap3A_1361 = vector.shape_cast %swap3A_1360 : vector<1x16xf32> to vector<16xf32>
        %swap3A_1362 = vector.shape_cast %mul3A_1357 : vector<16xf32> to vector<1x16xf32>
        tpu.vector_store %arg11[%swap3A_1358, %swap3A_1359], %swap3A_1362 {strides = array<i32>} : memref<80x128xf32, #tpu.memory_space<vmem>>, vector<1x16xf32>,
        %get3A_1363 = arith.index_cast %add3A_1292 : i32 to index
        %get3A_1364 = arith.constant 112 : index
        %get3A_1365 = tpu.vector_load %arg11[%get3A_1363, %get3A_1364] {strides = array<i32>} : memref<80x128xf32, #tpu.memory_space<vmem>>, vector<1x16xf32>,
        %get3A_1366 = vector.shape_cast %get3A_1365 : vector<1x16xf32> to vector<16xf32>
        %mul3A_1367 = arith.mulf %get3A_1366, %broadcast_in_dim3A_1288 : vector<16xf32>
        %swap3A_1368 = arith.index_cast %add3A_1292 : i32 to index
        %swap3A_1369 = arith.constant 112 : index
        %swap3A_1370 = tpu.vector_load %arg11[%swap3A_1368, %swap3A_1369] {strides = array<i32>} : memref<80x128xf32, #tpu.memory_space<vmem>>, vector<1x16xf32>,
        %swap3A_1371 = vector.shape_cast %swap3A_1370 : vector<1x16xf32> to vector<16xf32>
        %swap3A_1372 = vector.shape_cast %mul3A_1367 : vector<16xf32> to vector<1x16xf32>
        tpu.vector_store %arg11[%swap3A_1368, %swap3A_1369], %swap3A_1372 {strides = array<i32>} : memref<80x128xf32, #tpu.memory_space<vmem>>, vector<1x16xf32>,
        %slice3A_1373 = vector.extract_strided_slice %get3A_70 {offsets = [15], sizes = [1], strides = [1]} : vector<16xf32> to vector<1xf32>
        %squeeze3A_1374 = vector.extract %slice3A_1373[0] : f32 from vector<1xf32>
        %broadcast_in_dim3A_1375 = vector.broadcast %squeeze3A_1374 : f32 to vector<16xf32>
        %mul3A_1376 = arith.constant 16 : i32
        %mul3A_1377 = arith.muli %scan3A_66, %mul3A_1376 : i32
        %add3A_1378 = arith.constant 15 : i32
        %add3A_1379 = arith.addi %mul3A_1377, %add3A_1378 : i32
        %get3A_1380 = arith.index_cast %add3A_1379 : i32 to index
        %get3A_1381 = arith.constant 0 : index
        %get3A_1382 = tpu.vector_load %arg11[%get3A_1380, %get3A_1381] {strides = array<i32>} : memref<80x128xf32, #tpu.memory_space<vmem>>, vector<1x16xf32>,
        %get3A_1383 = vector.shape_cast %get3A_1382 : vector<1x16xf32> to vector<16xf32>
        %mul3A_1384 = arith.mulf %get3A_1383, %broadcast_in_dim3A_1375 : vector<16xf32>
        %swap3A_1385 = arith.index_cast %add3A_1379 : i32 to index
        %swap3A_1386 = arith.constant 0 : index
        %swap3A_1387 = tpu.vector_load %arg11[%swap3A_1385, %swap3A_1386] {strides = array<i32>} : memref<80x128xf32, #tpu.memory_space<vmem>>, vector<1x16xf32>,
        %swap3A_1388 = vector.shape_cast %swap3A_1387 : vector<1x16xf32> to vector<16xf32>
        %swap3A_1389 = vector.shape_cast %mul3A_1384 : vector<16xf32> to vector<1x16xf32>
        tpu.vector_store %arg11[%swap3A_1385, %swap3A_1386], %swap3A_1389 {strides = array<i32>} : memref<80x128xf32, #tpu.memory_space<vmem>>, vector<1x16xf32>,
        %get3A_1390 = arith.index_cast %add3A_1379 : i32 to index
        %get3A_1391 = arith.constant 16 : index
        %get3A_1392 = tpu.vector_load %arg11[%get3A_1390, %get3A_1391] {strides = array<i32>} : memref<80x128xf32, #tpu.memory_space<vmem>>, vector<1x16xf32>,
        %get3A_1393 = vector.shape_cast %get3A_1392 : vector<1x16xf32> to vector<16xf32>
        %mul3A_1394 = arith.mulf %get3A_1393, %broadcast_in_dim3A_1375 : vector<16xf32>
        %swap3A_1395 = arith.index_cast %add3A_1379 : i32 to index
        %swap3A_1396 = arith.constant 16 : index
        %swap3A_1397 = tpu.vector_load %arg11[%swap3A_1395, %swap3A_1396] {strides = array<i32>} : memref<80x128xf32, #tpu.memory_space<vmem>>, vector<1x16xf32>,
        %swap3A_1398 = vector.shape_cast %swap3A_1397 : vector<1x16xf32> to vector<16xf32>
        %swap3A_1399 = vector.shape_cast %mul3A_1394 : vector<16xf32> to vector<1x16xf32>
        tpu.vector_store %arg11[%swap3A_1395, %swap3A_1396], %swap3A_1399 {strides = array<i32>} : memref<80x128xf32, #tpu.memory_space<vmem>>, vector<1x16xf32>,
        %get3A_1400 = arith.index_cast %add3A_1379 : i32 to index
        %get3A_1401 = arith.constant 32 : index
        %get3A_1402 = tpu.vector_load %arg11[%get3A_1400, %get3A_1401] {strides = array<i32>} : memref<80x128xf32, #tpu.memory_space<vmem>>, vector<1x16xf32>,
        %get3A_1403 = vector.shape_cast %get3A_1402 : vector<1x16xf32> to vector<16xf32>
        %mul3A_1404 = arith.mulf %get3A_1403, %broadcast_in_dim3A_1375 : vector<16xf32>
        %swap3A_1405 = arith.index_cast %add3A_1379 : i32 to index
        %swap3A_1406 = arith.constant 32 : index
        %swap3A_1407 = tpu.vector_load %arg11[%swap3A_1405, %swap3A_1406] {strides = array<i32>} : memref<80x128xf32, #tpu.memory_space<vmem>>, vector<1x16xf32>,
        %swap3A_1408 = vector.shape_cast %swap3A_1407 : vector<1x16xf32> to vector<16xf32>
        %swap3A_1409 = vector.shape_cast %mul3A_1404 : vector<16xf32> to vector<1x16xf32>
        tpu.vector_store %arg11[%swap3A_1405, %swap3A_1406], %swap3A_1409 {strides = array<i32>} : memref<80x128xf32, #tpu.memory_space<vmem>>, vector<1x16xf32>,
        %get3A_1410 = arith.index_cast %add3A_1379 : i32 to index
        %get3A_1411 = arith.constant 48 : index
        %get3A_1412 = tpu.vector_load %arg11[%get3A_1410, %get3A_1411] {strides = array<i32>} : memref<80x128xf32, #tpu.memory_space<vmem>>, vector<1x16xf32>,
        %get3A_1413 = vector.shape_cast %get3A_1412 : vector<1x16xf32> to vector<16xf32>
        %mul3A_1414 = arith.mulf %get3A_1413, %broadcast_in_dim3A_1375 : vector<16xf32>
        %swap3A_1415 = arith.index_cast %add3A_1379 : i32 to index
        %swap3A_1416 = arith.constant 48 : index
        %swap3A_1417 = tpu.vector_load %arg11[%swap3A_1415, %swap3A_1416] {strides = array<i32>} : memref<80x128xf32, #tpu.memory_space<vmem>>, vector<1x16xf32>,
        %swap3A_1418 = vector.shape_cast %swap3A_1417 : vector<1x16xf32> to vector<16xf32>
        %swap3A_1419 = vector.shape_cast %mul3A_1414 : vector<16xf32> to vector<1x16xf32>
        tpu.vector_store %arg11[%swap3A_1415, %swap3A_1416], %swap3A_1419 {strides = array<i32>} : memref<80x128xf32, #tpu.memory_space<vmem>>, vector<1x16xf32>,
        %get3A_1420 = arith.index_cast %add3A_1379 : i32 to index
        %get3A_1421 = arith.constant 64 : index
        %get3A_1422 = tpu.vector_load %arg11[%get3A_1420, %get3A_1421] {strides = array<i32>} : memref<80x128xf32, #tpu.memory_space<vmem>>, vector<1x16xf32>,
        %get3A_1423 = vector.shape_cast %get3A_1422 : vector<1x16xf32> to vector<16xf32>
        %mul3A_1424 = arith.mulf %get3A_1423, %broadcast_in_dim3A_1375 : vector<16xf32>
        %swap3A_1425 = arith.index_cast %add3A_1379 : i32 to index
        %swap3A_1426 = arith.constant 64 : index
        %swap3A_1427 = tpu.vector_load %arg11[%swap3A_1425, %swap3A_1426] {strides = array<i32>} : memref<80x128xf32, #tpu.memory_space<vmem>>, vector<1x16xf32>,
        %swap3A_1428 = vector.shape_cast %swap3A_1427 : vector<1x16xf32> to vector<16xf32>
        %swap3A_1429 = vector.shape_cast %mul3A_1424 : vector<16xf32> to vector<1x16xf32>
        tpu.vector_store %arg11[%swap3A_1425, %swap3A_1426], %swap3A_1429 {strides = array<i32>} : memref<80x128xf32, #tpu.memory_space<vmem>>, vector<1x16xf32>,
        %get3A_1430 = arith.index_cast %add3A_1379 : i32 to index
        %get3A_1431 = arith.constant 80 : index
        %get3A_1432 = tpu.vector_load %arg11[%get3A_1430, %get3A_1431] {strides = array<i32>} : memref<80x128xf32, #tpu.memory_space<vmem>>, vector<1x16xf32>,
        %get3A_1433 = vector.shape_cast %get3A_1432 : vector<1x16xf32> to vector<16xf32>
        %mul3A_1434 = arith.mulf %get3A_1433, %broadcast_in_dim3A_1375 : vector<16xf32>
        %swap3A_1435 = arith.index_cast %add3A_1379 : i32 to index
        %swap3A_1436 = arith.constant 80 : index
        %swap3A_1437 = tpu.vector_load %arg11[%swap3A_1435, %swap3A_1436] {strides = array<i32>} : memref<80x128xf32, #tpu.memory_space<vmem>>, vector<1x16xf32>,
        %swap3A_1438 = vector.shape_cast %swap3A_1437 : vector<1x16xf32> to vector<16xf32>
        %swap3A_1439 = vector.shape_cast %mul3A_1434 : vector<16xf32> to vector<1x16xf32>
        tpu.vector_store %arg11[%swap3A_1435, %swap3A_1436], %swap3A_1439 {strides = array<i32>} : memref<80x128xf32, #tpu.memory_space<vmem>>, vector<1x16xf32>,
        %get3A_1440 = arith.index_cast %add3A_1379 : i32 to index
        %get3A_1441 = arith.constant 96 : index
        %get3A_1442 = tpu.vector_load %arg11[%get3A_1440, %get3A_1441] {strides = array<i32>} : memref<80x128xf32, #tpu.memory_space<vmem>>, vector<1x16xf32>,
        %get3A_1443 = vector.shape_cast %get3A_1442 : vector<1x16xf32> to vector<16xf32>
        %mul3A_1444 = arith.mulf %get3A_1443, %broadcast_in_dim3A_1375 : vector<16xf32>
        %swap3A_1445 = arith.index_cast %add3A_1379 : i32 to index
        %swap3A_1446 = arith.constant 96 : index
        %swap3A_1447 = tpu.vector_load %arg11[%swap3A_1445, %swap3A_1446] {strides = array<i32>} : memref<80x128xf32, #tpu.memory_space<vmem>>, vector<1x16xf32>,
        %swap3A_1448 = vector.shape_cast %swap3A_1447 : vector<1x16xf32> to vector<16xf32>
        %swap3A_1449 = vector.shape_cast %mul3A_1444 : vector<16xf32> to vector<1x16xf32>
        tpu.vector_store %arg11[%swap3A_1445, %swap3A_1446], %swap3A_1449 {strides = array<i32>} : memref<80x128xf32, #tpu.memory_space<vmem>>, vector<1x16xf32>,
        %get3A_1450 = arith.index_cast %add3A_1379 : i32 to index
        %get3A_1451 = arith.constant 112 : index
        %get3A_1452 = tpu.vector_load %arg11[%get3A_1450, %get3A_1451] {strides = array<i32>} : memref<80x128xf32, #tpu.memory_space<vmem>>, vector<1x16xf32>,
        %get3A_1453 = vector.shape_cast %get3A_1452 : vector<1x16xf32> to vector<16xf32>
        %mul3A_1454 = arith.mulf %get3A_1453, %broadcast_in_dim3A_1375 : vector<16xf32>
        %swap3A_1455 = arith.index_cast %add3A_1379 : i32 to index
        %swap3A_1456 = arith.constant 112 : index
        %swap3A_1457 = tpu.vector_load %arg11[%swap3A_1455, %swap3A_1456] {strides = array<i32>} : memref<80x128xf32, #tpu.memory_space<vmem>>, vector<1x16xf32>,
        %swap3A_1458 = vector.shape_cast %swap3A_1457 : vector<1x16xf32> to vector<16xf32>
        %swap3A_1459 = vector.shape_cast %mul3A_1454 : vector<16xf32> to vector<1x16xf32>
        tpu.vector_store %arg11[%swap3A_1455, %swap3A_1456], %swap3A_1459 {strides = array<i32>} : memref<80x128xf32, #tpu.memory_space<vmem>>, vector<1x16xf32>,
      }
      %scan3A_65 = arith.constant 5 : i32
      "tpu.region"() ({
        %run_scoped3A = tpu.sem_alloc : memref<!tpu.dma_semaphore, #tpu.memory_space<semaphore_mem>>
        %dma_start3A = arith.constant 0 : i32
        %dma_start3A_66 = arith.constant 0 : i32
        %dma_start3A_67 = tpu.memref_slice %arg14[%dma_start3A, %dma_start3A_66] : memref<10240x128xf32, #tpu.memory_space<vmem_shared>> -> memref<10240x128xf32, #tpu.memory_space<vmem_shared>>
        tpu.enqueue_indirect_dma source(%arg11 : memref<80x128xf32, #tpu.memory_space<vmem>>) target(%dma_start3A_67 : memref<10240x128xf32, #tpu.memory_space<vmem_shared>>) offsets(%arg9 : memref<80xi32, #tpu.memory_space<vmem>>) semaphore(%run_scoped3A : memref<!tpu.dma_semaphore, #tpu.memory_space<semaphore_mem>>) {add = true}
        %dma_wait3A = arith.constant 0 : i32
        %dma_wait3A_68 = arith.constant 0 : i32
        %dma_wait3A_69 = tpu.memref_slice %arg14[%dma_wait3A, %dma_wait3A_68] : memref<10240x128xf32, #tpu.memory_space<vmem_shared>> -> memref<10240x128xf32, #tpu.memory_space<vmem_shared>>
        tpu.wait_indirect_dma semaphore(%run_scoped3A : memref<!tpu.dma_semaphore, #tpu.memory_space<semaphore_mem>>) src(%arg11 : memref<80x128xf32, #tpu.memory_space<vmem>>) dst(%dma_wait3A_69 : memref<10240x128xf32, #tpu.memory_space<vmem_shared>>)
        tpu.yield
      }) : () -> ()
      "tpu.region"() ({
        %run_scoped3A = tpu.sem_alloc : memref<!tpu.dma_semaphore, #tpu.memory_space<semaphore_mem>>
        %dma_start3A = arith.constant 0 : i32
        %dma_start3A_66 = tpu.memref_slice %arg15[%dma_start3A] : memref<10240xf32, #tpu.memory_space<vmem_shared>> -> memref<10240xf32, #tpu.memory_space<vmem_shared>>
        tpu.enqueue_indirect_dma source(%arg10 : memref<80xf32, #tpu.memory_space<vmem>>) target(%dma_start3A_66 : memref<10240xf32, #tpu.memory_space<vmem_shared>>) offsets(%arg9 : memref<80xi32, #tpu.memory_space<vmem>>) semaphore(%run_scoped3A : memref<!tpu.dma_semaphore, #tpu.memory_space<semaphore_mem>>) {add = true}
        %dma_wait3A = arith.constant 0 : i32
        %dma_wait3A_67 = tpu.memref_slice %arg15[%dma_wait3A] : memref<10240xf32, #tpu.memory_space<vmem_shared>> -> memref<10240xf32, #tpu.memory_space<vmem_shared>>
        tpu.wait_indirect_dma semaphore(%run_scoped3A : memref<!tpu.dma_semaphore, #tpu.memory_space<semaphore_mem>>) src(%arg10 : memref<80xf32, #tpu.memory_space<vmem>>) dst(%dma_wait3A_67 : memref<10240xf32, #tpu.memory_space<vmem_shared>>)
        tpu.yield
      }) : () -> ()
    }
    %scan3A_38 = arith.constant 125 : i32
    %barrier3A_39 = arith.constant 0 : index
    tpu.barrier barrier_id(%barrier3A_39)
    %add3A_40 = arith.constant 0 : i32
    %add3A_41 = arith.addi %mul3A_12, %add3A_40 : i32
    "tpu.region"() ({
      %run_scoped3A = tpu.sem_alloc : memref<!tpu.dma_semaphore, #tpu.memory_space<semaphore_mem>>
      %dma_start3A = arith.constant 0 : i32
      %dma_start3A_56 = tpu.memref_slice %arg6[%arg0, %add3A_41, %dma_start3A] : memref<2x10240x128xf32, #tpu.memory_space<hbm>> -> memref<1x80x128xf32, #tpu.memory_space<hbm>>
      %dma_start3A_57 = tpu.memref_squeeze %dma_start3A_56 : memref<1x80x128xf32, #tpu.memory_space<hbm>> -> memref<80x128xf32, #tpu.memory_space<hbm>>
      %dma_start3A_58 = arith.constant 0 : i32
      %dma_start3A_59 = tpu.memref_slice %arg14[%add3A_41, %dma_start3A_58] : memref<10240x128xf32, #tpu.memory_space<vmem_shared>> -> memref<80x128xf32, #tpu.memory_space<vmem_shared>>
      tpu.enqueue_dma source(%dma_start3A_59 : memref<80x128xf32, #tpu.memory_space<vmem_shared>>) target(%dma_start3A_57 : memref<80x128xf32, #tpu.memory_space<hbm>>) target_semaphore(%run_scoped3A : memref<!tpu.dma_semaphore, #tpu.memory_space<semaphore_mem>>)
      %dma_wait3A = arith.constant 0 : i32
      %dma_wait3A_60 = tpu.memref_slice %arg6[%arg0, %add3A_41, %dma_wait3A] : memref<2x10240x128xf32, #tpu.memory_space<hbm>> -> memref<1x80x128xf32, #tpu.memory_space<hbm>>
      %dma_wait3A_61 = tpu.memref_squeeze %dma_wait3A_60 : memref<1x80x128xf32, #tpu.memory_space<hbm>> -> memref<80x128xf32, #tpu.memory_space<hbm>>
      %dma_wait3A_62 = arith.constant 0 : i32
      %dma_wait3A_63 = tpu.memref_slice %arg14[%add3A_41, %dma_wait3A_62] : memref<10240x128xf32, #tpu.memory_space<vmem_shared>> -> memref<80x128xf32, #tpu.memory_space<vmem_shared>>
      tpu.wait_dma2 semaphore(%run_scoped3A : memref<!tpu.dma_semaphore, #tpu.memory_space<semaphore_mem>>) src(%dma_wait3A_63 : memref<80x128xf32, #tpu.memory_space<vmem_shared>>) dst(%dma_wait3A_61 : memref<80x128xf32, #tpu.memory_space<hbm>>)
      tpu.yield
    }) : () -> ()
    %add3A_42 = arith.constant 80 : i32
    %add3A_43 = arith.addi %mul3A_12, %add3A_42 : i32
    "tpu.region"() ({
      %run_scoped3A = tpu.sem_alloc : memref<!tpu.dma_semaphore, #tpu.memory_space<semaphore_mem>>
      %dma_start3A = arith.constant 0 : i32
      %dma_start3A_56 = tpu.memref_slice %arg6[%arg0, %add3A_43, %dma_start3A] : memref<2x10240x128xf32, #tpu.memory_space<hbm>> -> memref<1x80x128xf32, #tpu.memory_space<hbm>>
      %dma_start3A_57 = tpu.memref_squeeze %dma_start3A_56 : memref<1x80x128xf32, #tpu.memory_space<hbm>> -> memref<80x128xf32, #tpu.memory_space<hbm>>
      %dma_start3A_58 = arith.constant 0 : i32
      %dma_start3A_59 = tpu.memref_slice %arg14[%add3A_43, %dma_start3A_58] : memref<10240x128xf32, #tpu.memory_space<vmem_shared>> -> memref<80x128xf32, #tpu.memory_space<vmem_shared>>
      tpu.enqueue_dma source(%dma_start3A_59 : memref<80x128xf32, #tpu.memory_space<vmem_shared>>) target(%dma_start3A_57 : memref<80x128xf32, #tpu.memory_space<hbm>>) target_semaphore(%run_scoped3A : memref<!tpu.dma_semaphore, #tpu.memory_space<semaphore_mem>>)
      %dma_wait3A = arith.constant 0 : i32
      %dma_wait3A_60 = tpu.memref_slice %arg6[%arg0, %add3A_43, %dma_wait3A] : memref<2x10240x128xf32, #tpu.memory_space<hbm>> -> memref<1x80x128xf32, #tpu.memory_space<hbm>>
      %dma_wait3A_61 = tpu.memref_squeeze %dma_wait3A_60 : memref<1x80x128xf32, #tpu.memory_space<hbm>> -> memref<80x128xf32, #tpu.memory_space<hbm>>
      %dma_wait3A_62 = arith.constant 0 : i32
      %dma_wait3A_63 = tpu.memref_slice %arg14[%add3A_43, %dma_wait3A_62] : memref<10240x128xf32, #tpu.memory_space<vmem_shared>> -> memref<80x128xf32, #tpu.memory_space<vmem_shared>>
      tpu.wait_dma2 semaphore(%run_scoped3A : memref<!tpu.dma_semaphore, #tpu.memory_space<semaphore_mem>>) src(%dma_wait3A_63 : memref<80x128xf32, #tpu.memory_space<vmem_shared>>) dst(%dma_wait3A_61 : memref<80x128xf32, #tpu.memory_space<hbm>>)
      tpu.yield
    }) : () -> ()
    %add3A_44 = arith.constant 160 : i32
    %add3A_45 = arith.addi %mul3A_12, %add3A_44 : i32
    "tpu.region"() ({
      %run_scoped3A = tpu.sem_alloc : memref<!tpu.dma_semaphore, #tpu.memory_space<semaphore_mem>>
      %dma_start3A = arith.constant 0 : i32
      %dma_start3A_56 = tpu.memref_slice %arg6[%arg0, %add3A_45, %dma_start3A] : memref<2x10240x128xf32, #tpu.memory_space<hbm>> -> memref<1x80x128xf32, #tpu.memory_space<hbm>>
      %dma_start3A_57 = tpu.memref_squeeze %dma_start3A_56 : memref<1x80x128xf32, #tpu.memory_space<hbm>> -> memref<80x128xf32, #tpu.memory_space<hbm>>
      %dma_start3A_58 = arith.constant 0 : i32
      %dma_start3A_59 = tpu.memref_slice %arg14[%add3A_45, %dma_start3A_58] : memref<10240x128xf32, #tpu.memory_space<vmem_shared>> -> memref<80x128xf32, #tpu.memory_space<vmem_shared>>
      tpu.enqueue_dma source(%dma_start3A_59 : memref<80x128xf32, #tpu.memory_space<vmem_shared>>) target(%dma_start3A_57 : memref<80x128xf32, #tpu.memory_space<hbm>>) target_semaphore(%run_scoped3A : memref<!tpu.dma_semaphore, #tpu.memory_space<semaphore_mem>>)
      %dma_wait3A = arith.constant 0 : i32
      %dma_wait3A_60 = tpu.memref_slice %arg6[%arg0, %add3A_45, %dma_wait3A] : memref<2x10240x128xf32, #tpu.memory_space<hbm>> -> memref<1x80x128xf32, #tpu.memory_space<hbm>>
      %dma_wait3A_61 = tpu.memref_squeeze %dma_wait3A_60 : memref<1x80x128xf32, #tpu.memory_space<hbm>> -> memref<80x128xf32, #tpu.memory_space<hbm>>
      %dma_wait3A_62 = arith.constant 0 : i32
      %dma_wait3A_63 = tpu.memref_slice %arg14[%add3A_45, %dma_wait3A_62] : memref<10240x128xf32, #tpu.memory_space<vmem_shared>> -> memref<80x128xf32, #tpu.memory_space<vmem_shared>>
      tpu.wait_dma2 semaphore(%run_scoped3A : memref<!tpu.dma_semaphore, #tpu.memory_space<semaphore_mem>>) src(%dma_wait3A_63 : memref<80x128xf32, #tpu.memory_space<vmem_shared>>) dst(%dma_wait3A_61 : memref<80x128xf32, #tpu.memory_space<hbm>>)
      tpu.yield
    }) : () -> ()
    %add3A_46 = arith.constant 240 : i32
    %add3A_47 = arith.addi %mul3A_12, %add3A_46 : i32
    "tpu.region"() ({
      %run_scoped3A = tpu.sem_alloc : memref<!tpu.dma_semaphore, #tpu.memory_space<semaphore_mem>>
      %dma_start3A = arith.constant 0 : i32
      %dma_start3A_56 = tpu.memref_slice %arg6[%arg0, %add3A_47, %dma_start3A] : memref<2x10240x128xf32, #tpu.memory_space<hbm>> -> memref<1x80x128xf32, #tpu.memory_space<hbm>>
      %dma_start3A_57 = tpu.memref_squeeze %dma_start3A_56 : memref<1x80x128xf32, #tpu.memory_space<hbm>> -> memref<80x128xf32, #tpu.memory_space<hbm>>
      %dma_start3A_58 = arith.constant 0 : i32
      %dma_start3A_59 = tpu.memref_slice %arg14[%add3A_47, %dma_start3A_58] : memref<10240x128xf32, #tpu.memory_space<vmem_shared>> -> memref<80x128xf32, #tpu.memory_space<vmem_shared>>
      tpu.enqueue_dma source(%dma_start3A_59 : memref<80x128xf32, #tpu.memory_space<vmem_shared>>) target(%dma_start3A_57 : memref<80x128xf32, #tpu.memory_space<hbm>>) target_semaphore(%run_scoped3A : memref<!tpu.dma_semaphore, #tpu.memory_space<semaphore_mem>>)
      %dma_wait3A = arith.constant 0 : i32
      %dma_wait3A_60 = tpu.memref_slice %arg6[%arg0, %add3A_47, %dma_wait3A] : memref<2x10240x128xf32, #tpu.memory_space<hbm>> -> memref<1x80x128xf32, #tpu.memory_space<hbm>>
      %dma_wait3A_61 = tpu.memref_squeeze %dma_wait3A_60 : memref<1x80x128xf32, #tpu.memory_space<hbm>> -> memref<80x128xf32, #tpu.memory_space<hbm>>
      %dma_wait3A_62 = arith.constant 0 : i32
      %dma_wait3A_63 = tpu.memref_slice %arg14[%add3A_47, %dma_wait3A_62] : memref<10240x128xf32, #tpu.memory_space<vmem_shared>> -> memref<80x128xf32, #tpu.memory_space<vmem_shared>>
      tpu.wait_dma2 semaphore(%run_scoped3A : memref<!tpu.dma_semaphore, #tpu.memory_space<semaphore_mem>>) src(%dma_wait3A_63 : memref<80x128xf32, #tpu.memory_space<vmem_shared>>) dst(%dma_wait3A_61 : memref<80x128xf32, #tpu.memory_space<hbm>>)
      tpu.yield
    }) : () -> ()
    %add3A_48 = arith.constant 320 : i32
    %add3A_49 = arith.addi %mul3A_12, %add3A_48 : i32
    "tpu.region"() ({
      %run_scoped3A = tpu.sem_alloc : memref<!tpu.dma_semaphore, #tpu.memory_space<semaphore_mem>>
      %dma_start3A = arith.constant 0 : i32
      %dma_start3A_56 = tpu.memref_slice %arg6[%arg0, %add3A_49, %dma_start3A] : memref<2x10240x128xf32, #tpu.memory_space<hbm>> -> memref<1x80x128xf32, #tpu.memory_space<hbm>>
      %dma_start3A_57 = tpu.memref_squeeze %dma_start3A_56 : memref<1x80x128xf32, #tpu.memory_space<hbm>> -> memref<80x128xf32, #tpu.memory_space<hbm>>
      %dma_start3A_58 = arith.constant 0 : i32
      %dma_start3A_59 = tpu.memref_slice %arg14[%add3A_49, %dma_start3A_58] : memref<10240x128xf32, #tpu.memory_space<vmem_shared>> -> memref<80x128xf32, #tpu.memory_space<vmem_shared>>
      tpu.enqueue_dma source(%dma_start3A_59 : memref<80x128xf32, #tpu.memory_space<vmem_shared>>) target(%dma_start3A_57 : memref<80x128xf32, #tpu.memory_space<hbm>>) target_semaphore(%run_scoped3A : memref<!tpu.dma_semaphore, #tpu.memory_space<semaphore_mem>>)
      %dma_wait3A = arith.constant 0 : i32
      %dma_wait3A_60 = tpu.memref_slice %arg6[%arg0, %add3A_49, %dma_wait3A] : memref<2x10240x128xf32, #tpu.memory_space<hbm>> -> memref<1x80x128xf32, #tpu.memory_space<hbm>>
      %dma_wait3A_61 = tpu.memref_squeeze %dma_wait3A_60 : memref<1x80x128xf32, #tpu.memory_space<hbm>> -> memref<80x128xf32, #tpu.memory_space<hbm>>
      %dma_wait3A_62 = arith.constant 0 : i32
      %dma_wait3A_63 = tpu.memref_slice %arg14[%add3A_49, %dma_wait3A_62] : memref<10240x128xf32, #tpu.memory_space<vmem_shared>> -> memref<80x128xf32, #tpu.memory_space<vmem_shared>>
      tpu.wait_dma2 semaphore(%run_scoped3A : memref<!tpu.dma_semaphore, #tpu.memory_space<semaphore_mem>>) src(%dma_wait3A_63 : memref<80x128xf32, #tpu.memory_space<vmem_shared>>) dst(%dma_wait3A_61 : memref<80x128xf32, #tpu.memory_space<hbm>>)
      tpu.yield
    }) : () -> ()
    %add3A_50 = arith.constant 400 : i32
    %add3A_51 = arith.addi %mul3A_12, %add3A_50 : i32
    "tpu.region"() ({
      %run_scoped3A = tpu.sem_alloc : memref<!tpu.dma_semaphore, #tpu.memory_space<semaphore_mem>>
      %dma_start3A = arith.constant 0 : i32
      %dma_start3A_56 = tpu.memref_slice %arg6[%arg0, %add3A_51, %dma_start3A] : memref<2x10240x128xf32, #tpu.memory_space<hbm>> -> memref<1x80x128xf32, #tpu.memory_space<hbm>>
      %dma_start3A_57 = tpu.memref_squeeze %dma_start3A_56 : memref<1x80x128xf32, #tpu.memory_space<hbm>> -> memref<80x128xf32, #tpu.memory_space<hbm>>
      %dma_start3A_58 = arith.constant 0 : i32
      %dma_start3A_59 = tpu.memref_slice %arg14[%add3A_51, %dma_start3A_58] : memref<10240x128xf32, #tpu.memory_space<vmem_shared>> -> memref<80x128xf32, #tpu.memory_space<vmem_shared>>
      tpu.enqueue_dma source(%dma_start3A_59 : memref<80x128xf32, #tpu.memory_space<vmem_shared>>) target(%dma_start3A_57 : memref<80x128xf32, #tpu.memory_space<hbm>>) target_semaphore(%run_scoped3A : memref<!tpu.dma_semaphore, #tpu.memory_space<semaphore_mem>>)
      %dma_wait3A = arith.constant 0 : i32
      %dma_wait3A_60 = tpu.memref_slice %arg6[%arg0, %add3A_51, %dma_wait3A] : memref<2x10240x128xf32, #tpu.memory_space<hbm>> -> memref<1x80x128xf32, #tpu.memory_space<hbm>>
      %dma_wait3A_61 = tpu.memref_squeeze %dma_wait3A_60 : memref<1x80x128xf32, #tpu.memory_space<hbm>> -> memref<80x128xf32, #tpu.memory_space<hbm>>
      %dma_wait3A_62 = arith.constant 0 : i32
      %dma_wait3A_63 = tpu.memref_slice %arg14[%add3A_51, %dma_wait3A_62] : memref<10240x128xf32, #tpu.memory_space<vmem_shared>> -> memref<80x128xf32, #tpu.memory_space<vmem_shared>>
      tpu.wait_dma2 semaphore(%run_scoped3A : memref<!tpu.dma_semaphore, #tpu.memory_space<semaphore_mem>>) src(%dma_wait3A_63 : memref<80x128xf32, #tpu.memory_space<vmem_shared>>) dst(%dma_wait3A_61 : memref<80x128xf32, #tpu.memory_space<hbm>>)
      tpu.yield
    }) : () -> ()
    %add3A_52 = arith.constant 480 : i32
    %add3A_53 = arith.addi %mul3A_12, %add3A_52 : i32
    "tpu.region"() ({
      %run_scoped3A = tpu.sem_alloc : memref<!tpu.dma_semaphore, #tpu.memory_space<semaphore_mem>>
      %dma_start3A = arith.constant 0 : i32
      %dma_start3A_56 = tpu.memref_slice %arg6[%arg0, %add3A_53, %dma_start3A] : memref<2x10240x128xf32, #tpu.memory_space<hbm>> -> memref<1x80x128xf32, #tpu.memory_space<hbm>>
      %dma_start3A_57 = tpu.memref_squeeze %dma_start3A_56 : memref<1x80x128xf32, #tpu.memory_space<hbm>> -> memref<80x128xf32, #tpu.memory_space<hbm>>
      %dma_start3A_58 = arith.constant 0 : i32
      %dma_start3A_59 = tpu.memref_slice %arg14[%add3A_53, %dma_start3A_58] : memref<10240x128xf32, #tpu.memory_space<vmem_shared>> -> memref<80x128xf32, #tpu.memory_space<vmem_shared>>
      tpu.enqueue_dma source(%dma_start3A_59 : memref<80x128xf32, #tpu.memory_space<vmem_shared>>) target(%dma_start3A_57 : memref<80x128xf32, #tpu.memory_space<hbm>>) target_semaphore(%run_scoped3A : memref<!tpu.dma_semaphore, #tpu.memory_space<semaphore_mem>>)
      %dma_wait3A = arith.constant 0 : i32
      %dma_wait3A_60 = tpu.memref_slice %arg6[%arg0, %add3A_53, %dma_wait3A] : memref<2x10240x128xf32, #tpu.memory_space<hbm>> -> memref<1x80x128xf32, #tpu.memory_space<hbm>>
      %dma_wait3A_61 = tpu.memref_squeeze %dma_wait3A_60 : memref<1x80x128xf32, #tpu.memory_space<hbm>> -> memref<80x128xf32, #tpu.memory_space<hbm>>
      %dma_wait3A_62 = arith.constant 0 : i32
      %dma_wait3A_63 = tpu.memref_slice %arg14[%add3A_53, %dma_wait3A_62] : memref<10240x128xf32, #tpu.memory_space<vmem_shared>> -> memref<80x128xf32, #tpu.memory_space<vmem_shared>>
      tpu.wait_dma2 semaphore(%run_scoped3A : memref<!tpu.dma_semaphore, #tpu.memory_space<semaphore_mem>>) src(%dma_wait3A_63 : memref<80x128xf32, #tpu.memory_space<vmem_shared>>) dst(%dma_wait3A_61 : memref<80x128xf32, #tpu.memory_space<hbm>>)
      tpu.yield
    }) : () -> ()
    %add3A_54 = arith.constant 560 : i32
    %add3A_55 = arith.addi %mul3A_12, %add3A_54 : i32
    "tpu.region"() ({
      %run_scoped3A = tpu.sem_alloc : memref<!tpu.dma_semaphore, #tpu.memory_space<semaphore_mem>>
      %dma_start3A = arith.constant 0 : i32
      %dma_start3A_56 = tpu.memref_slice %arg6[%arg0, %add3A_55, %dma_start3A] : memref<2x10240x128xf32, #tpu.memory_space<hbm>> -> memref<1x80x128xf32, #tpu.memory_space<hbm>>
      %dma_start3A_57 = tpu.memref_squeeze %dma_start3A_56 : memref<1x80x128xf32, #tpu.memory_space<hbm>> -> memref<80x128xf32, #tpu.memory_space<hbm>>
      %dma_start3A_58 = arith.constant 0 : i32
      %dma_start3A_59 = tpu.memref_slice %arg14[%add3A_55, %dma_start3A_58] : memref<10240x128xf32, #tpu.memory_space<vmem_shared>> -> memref<80x128xf32, #tpu.memory_space<vmem_shared>>
      tpu.enqueue_dma source(%dma_start3A_59 : memref<80x128xf32, #tpu.memory_space<vmem_shared>>) target(%dma_start3A_57 : memref<80x128xf32, #tpu.memory_space<hbm>>) target_semaphore(%run_scoped3A : memref<!tpu.dma_semaphore, #tpu.memory_space<semaphore_mem>>)
      %dma_wait3A = arith.constant 0 : i32
      %dma_wait3A_60 = tpu.memref_slice %arg6[%arg0, %add3A_55, %dma_wait3A] : memref<2x10240x128xf32, #tpu.memory_space<hbm>> -> memref<1x80x128xf32, #tpu.memory_space<hbm>>
      %dma_wait3A_61 = tpu.memref_squeeze %dma_wait3A_60 : memref<1x80x128xf32, #tpu.memory_space<hbm>> -> memref<80x128xf32, #tpu.memory_space<hbm>>
      %dma_wait3A_62 = arith.constant 0 : i32
      %dma_wait3A_63 = tpu.memref_slice %arg14[%add3A_55, %dma_wait3A_62] : memref<10240x128xf32, #tpu.memory_space<vmem_shared>> -> memref<80x128xf32, #tpu.memory_space<vmem_shared>>
      tpu.wait_dma2 semaphore(%run_scoped3A : memref<!tpu.dma_semaphore, #tpu.memory_space<semaphore_mem>>) src(%dma_wait3A_63 : memref<80x128xf32, #tpu.memory_space<vmem_shared>>) dst(%dma_wait3A_61 : memref<80x128xf32, #tpu.memory_space<hbm>>)
      tpu.yield
    }) : () -> ()
    "tpu.region"() ({
      %run_scoped3A = tpu.sem_alloc : memref<!tpu.dma_semaphore, #tpu.memory_space<semaphore_mem>>
      %dma_start3A = tpu.memref_slice %arg7[%arg0, %mul3A_12] : memref<2x10240xf32, #tpu.memory_space<hbm>> -> memref<1x640xf32, #tpu.memory_space<hbm>>
      %dma_start3A_56 = tpu.memref_squeeze %dma_start3A : memref<1x640xf32, #tpu.memory_space<hbm>> -> memref<640xf32, #tpu.memory_space<hbm>>
      %dma_start3A_57 = tpu.memref_slice %arg15[%mul3A_12] : memref<10240xf32, #tpu.memory_space<vmem_shared>> -> memref<640xf32, #tpu.memory_space<vmem_shared>>
      tpu.enqueue_dma source(%dma_start3A_57 : memref<640xf32, #tpu.memory_space<vmem_shared>>) target(%dma_start3A_56 : memref<640xf32, #tpu.memory_space<hbm>>) target_semaphore(%run_scoped3A : memref<!tpu.dma_semaphore, #tpu.memory_space<semaphore_mem>>)
      %dma_wait3A = tpu.memref_slice %arg7[%arg0, %mul3A_12] : memref<2x10240xf32, #tpu.memory_space<hbm>> -> memref<1x640xf32, #tpu.memory_space<hbm>>
      %dma_wait3A_58 = tpu.memref_squeeze %dma_wait3A : memref<1x640xf32, #tpu.memory_space<hbm>> -> memref<640xf32, #tpu.memory_space<hbm>>
      %dma_wait3A_59 = tpu.memref_slice %arg15[%mul3A_12] : memref<10240xf32, #tpu.memory_space<vmem_shared>> -> memref<640xf32, #tpu.memory_space<vmem_shared>>
      tpu.wait_dma2 semaphore(%run_scoped3A : memref<!tpu.dma_semaphore, #tpu.memory_space<semaphore_mem>>) src(%dma_wait3A_59 : memref<640xf32, #tpu.memory_space<vmem_shared>>) dst(%dma_wait3A_58 : memref<640xf32, #tpu.memory_space<hbm>>)
      tpu.yield
    }) : () -> ()
    return
  }
}

module attributes {stable_mosaic.version = 14 : i64} {
  func.func @_tc_pre(%arg0: memref<10240x128xf32, #tpu.memory_space<vmem>>, %arg1: memref<128x128xf32, #tpu.memory_space<vmem>>, %arg2: memref<1x128xf32, #tpu.memory_space<vmem>>, %arg3: memref<10240x128xf32, #tpu.memory_space<vmem>>) attributes {dimension_semantics = [], scalar_prefetch = 0 : i64, scratch_operands = 0 : i64, tpu.core_type = #tpu.core_type<tc>} {
    %get3A = arith.constant 0 : index
    %get3A_0 = arith.constant 0 : index
    %get3A_1 = vector.load %arg0[%get3A, %get3A_0] : memref<10240x128xf32, #tpu.memory_space<vmem>>, vector<10240x128xf32>
    %get3A_2 = arith.constant 0 : index
    %get3A_3 = arith.constant 0 : index
    %get3A_4 = vector.load %arg1[%get3A_2, %get3A_3] : memref<128x128xf32, #tpu.memory_space<vmem>>, vector<128x128xf32>
    %dot_general3A = arith.constant dense<0.000000e+00> : vector<10240x128xf32>
    %dot_general3A_5 = tpu.matmul %get3A_1, %get3A_4, %dot_general3A {dimension_numbers = #tpu.dot_dimension_numbers<[1], [0], [0], [1], [0, 0, 1, 1], [], []>, transpose_lhs_hint = false} : vector<10240x128xf32>, vector<128x128xf32>, vector<10240x128xf32> -> vector<10240x128xf32>
    %get3A_6 = arith.constant 0 : index
    %get3A_7 = arith.constant 0 : index
    %get3A_8 = vector.load %arg2[%get3A_6, %get3A_7] : memref<1x128xf32, #tpu.memory_space<vmem>>, vector<1x128xf32>
    %add3A = vector.broadcast %get3A_8 : vector<1x128xf32> to vector<10240x128xf32>
    %add3A_9 = arith.addf %dot_general3A_5, %add3A : vector<10240x128xf32>
    %max3A = arith.constant 0.000000e+00 : f32
    %max3A_10 = vector.broadcast %max3A : f32 to vector<10240x128xf32>
    %max3A_11 = arith.maximumf %add3A_9, %max3A_10 : vector<10240x128xf32>
    %swap3A = arith.constant 0 : index
    %swap3A_12 = arith.constant 0 : index
    %swap3A_13 = vector.load %arg3[%swap3A, %swap3A_12] : memref<10240x128xf32, #tpu.memory_space<vmem>>, vector<10240x128xf32>
    tpu.vector_store %arg3[%swap3A, %swap3A_12], %max3A_11 {strides = array<i32>} : memref<10240x128xf32, #tpu.memory_space<vmem>>, vector<10240x128xf32>,
    return
  }
}

module attributes {stable_mosaic.version = 14 : i64} {
  func.func @_tc_post(%arg0: memref<2x10240x128xf32, #tpu.memory_space<vmem>>, %arg1: memref<2x10240x1xf32, #tpu.memory_space<vmem>>, %arg2: memref<10240x128xf32, #tpu.memory_space<vmem>>, %arg3: memref<128x128xf32, #tpu.memory_space<vmem>>, %arg4: memref<128x128xf32, #tpu.memory_space<vmem>>, %arg5: memref<1x128xf32, #tpu.memory_space<vmem>>, %arg6: memref<10240x128xf32, #tpu.memory_space<vmem>>) attributes {dimension_semantics = [], scalar_prefetch = 0 : i64, scratch_operands = 0 : i64, tpu.core_type = #tpu.core_type<tc>} {
    %get3A = arith.constant 0 : index
    %get3A_0 = arith.constant 0 : index
    %get3A_1 = arith.constant 0 : index
    %get3A_2 = vector.load %arg0[%get3A, %get3A_0, %get3A_1] : memref<2x10240x128xf32, #tpu.memory_space<vmem>>, vector<1x10240x128xf32>
    %get3A_3 = vector.shape_cast %get3A_2 : vector<1x10240x128xf32> to vector<10240x128xf32>
    %get3A_4 = arith.constant 1 : index
    %get3A_5 = arith.constant 0 : index
    %get3A_6 = arith.constant 0 : index
    %get3A_7 = vector.load %arg0[%get3A_4, %get3A_5, %get3A_6] : memref<2x10240x128xf32, #tpu.memory_space<vmem>>, vector<1x10240x128xf32>
    %get3A_8 = vector.shape_cast %get3A_7 : vector<1x10240x128xf32> to vector<10240x128xf32>
    %add3A = arith.addf %get3A_3, %get3A_8 : vector<10240x128xf32>
    %get3A_9 = arith.constant 0 : index
    %get3A_10 = arith.constant 0 : index
    %get3A_11 = arith.constant 0 : index
    %get3A_12 = vector.load %arg1[%get3A_9, %get3A_10, %get3A_11] : memref<2x10240x1xf32, #tpu.memory_space<vmem>>, vector<1x10240x1xf32>
    %get3A_13 = vector.shape_cast %get3A_12 : vector<1x10240x1xf32> to vector<10240x1xf32>
    %get3A_14 = arith.constant 1 : index
    %get3A_15 = arith.constant 0 : index
    %get3A_16 = arith.constant 0 : index
    %get3A_17 = vector.load %arg1[%get3A_14, %get3A_15, %get3A_16] : memref<2x10240x1xf32, #tpu.memory_space<vmem>>, vector<1x10240x1xf32>
    %get3A_18 = vector.shape_cast %get3A_17 : vector<1x10240x1xf32> to vector<10240x1xf32>
    %add3A_19 = arith.addf %get3A_13, %get3A_18 : vector<10240x1xf32>
    %max3A = arith.constant 1.000000e+00 : f32
    %max3A_20 = vector.broadcast %max3A : f32 to vector<10240x1xf32>
    %max3A_21 = arith.maximumf %add3A_19, %max3A_20 : vector<10240x1xf32>
    %div3A = vector.broadcast %max3A_21 : vector<10240x1xf32> to vector<10240x128xf32>
    %div3A_22 = arith.divf %add3A, %div3A : vector<10240x128xf32>
    %get3A_23 = arith.constant 0 : index
    %get3A_24 = arith.constant 0 : index
    %get3A_25 = vector.load %arg3[%get3A_23, %get3A_24] : memref<128x128xf32, #tpu.memory_space<vmem>>, vector<128x128xf32>
    %dot_general3A = arith.constant dense<0.000000e+00> : vector<10240x128xf32>
    %dot_general3A_26 = tpu.matmul %div3A_22, %get3A_25, %dot_general3A {dimension_numbers = #tpu.dot_dimension_numbers<[1], [0], [0], [1], [0, 0, 1, 1], [], []>, transpose_lhs_hint = false} : vector<10240x128xf32>, vector<128x128xf32>, vector<10240x128xf32> -> vector<10240x128xf32>
    %get3A_27 = arith.constant 0 : index
    %get3A_28 = arith.constant 0 : index
    %get3A_29 = vector.load %arg2[%get3A_27, %get3A_28] : memref<10240x128xf32, #tpu.memory_space<vmem>>, vector<10240x128xf32>
    %get3A_30 = arith.constant 0 : index
    %get3A_31 = arith.constant 0 : index
    %get3A_32 = vector.load %arg4[%get3A_30, %get3A_31] : memref<128x128xf32, #tpu.memory_space<vmem>>, vector<128x128xf32>
    %dot_general3A_33 = arith.constant dense<0.000000e+00> : vector<10240x128xf32>
    %dot_general3A_34 = tpu.matmul %get3A_29, %get3A_32, %dot_general3A_33 {dimension_numbers = #tpu.dot_dimension_numbers<[1], [0], [0], [1], [0, 0, 1, 1], [], []>, transpose_lhs_hint = false} : vector<10240x128xf32>, vector<128x128xf32>, vector<10240x128xf32> -> vector<10240x128xf32>
    %add3A_35 = arith.addf %dot_general3A_26, %dot_general3A_34 : vector<10240x128xf32>
    %get3A_36 = arith.constant 0 : index
    %get3A_37 = arith.constant 0 : index
    %get3A_38 = vector.load %arg5[%get3A_36, %get3A_37] : memref<1x128xf32, #tpu.memory_space<vmem>>, vector<1x128xf32>
    %add3A_39 = vector.broadcast %get3A_38 : vector<1x128xf32> to vector<10240x128xf32>
    %add3A_40 = arith.addf %add3A_35, %add3A_39 : vector<10240x128xf32>
    %max3A_41 = arith.constant 0.000000e+00 : f32
    %max3A_42 = vector.broadcast %max3A_41 : f32 to vector<10240x128xf32>
    %max3A_43 = arith.maximumf %add3A_40, %max3A_42 : vector<10240x128xf32>
    %mul3A = arith.mulf %max3A_43, %max3A_43 : vector<10240x128xf32>
    %reduce_sum3A = arith.constant dense<0.000000e+00> : vector<10240xf32>
    %reduce_sum3A_44 = vector.multi_reduction <add>, %mul3A, %reduce_sum3A [1] : vector<10240x128xf32> to vector<10240xf32>
    %broadcast_in_dim3A = vector.shape_cast %reduce_sum3A_44 : vector<10240xf32> to vector<10240x1xf32>
    %sqrt3A = math.sqrt %broadcast_in_dim3A : vector<10240x1xf32>
    %eq3A = arith.constant 0.000000e+00 : f32
    %eq3A_45 = vector.broadcast %eq3A : f32 to vector<10240x1xf32>
    %eq3A_46 = arith.cmpf oeq, %sqrt3A, %eq3A_45 : vector<10240x1xf32>
    %jit3A = arith.constant 1.000000e+00 : f32
    %broadcast_in_dim3A_47 = vector.broadcast %jit3A : f32 to vector<10240x1xf32>
    %select_n3A = arith.select %eq3A_46, %broadcast_in_dim3A_47, %sqrt3A : vector<10240x1xi1>, vector<10240x1xf32>
    %div3A_48 = vector.broadcast %select_n3A : vector<10240x1xf32> to vector<10240x128xf32>
    %div3A_49 = arith.divf %max3A_43, %div3A_48 : vector<10240x128xf32>
    %swap3A = arith.constant 0 : index
    %swap3A_50 = arith.constant 0 : index
    %swap3A_51 = vector.load %arg6[%swap3A, %swap3A_50] : memref<10240x128xf32, #tpu.memory_space<vmem>>, vector<10240x128xf32>
    tpu.vector_store %arg6[%swap3A, %swap3A_50], %div3A_49 {strides = array<i32>} : memref<10240x128xf32, #tpu.memory_space<vmem>>, vector<10240x128xf32>,
    return
  }
}

</mosaic_0001>

<sc_bundles>
// kernel: kernel.5.cloned.1.call-start
scs
__scs_entry_jumppad:
0x0: {  	(pc) =	sbr.rel $0x88, $3  }
0x1: {  	(tag) =	ssettag $0x0;
	lr =	simm.s32 $0x1  }
0x2: {  	[smem:$0x3F9A] =	sst lr;
	_ =	strace $0xD0000000  }
0x3: {  	_ = 	snop  }
0x4: {  	_ = 	snop  }
0x5: {  	_ = 	snop  }
0x6: {  	_ = 	snop  }
0x7: {  	_ = 	snop  }
__scs_overlays_trampoline_lowered:
0x8: {  	[smem:$0x3FA9] =	sst s0  }
0x9: {  	[smem:$0x3FAA] =	sst s1  }
0xa: {  	[smem:$0x3FAB] =	sst s2  }
0xb: {  	[smem:$0x3FAC] =	sst s3  }
0xc: {  	[smem:$0x3FAD] =	sst s4  }
0xd: {  	[smem:$0x3FAE] =	sst s5  }
0xe: {  	[smem:$0x3FAF] =	sst s6  }
0xf: {  	[smem:$0x3FB0] =	sst s7  }
0x10: {  	[smem:$0x3FB1] =	sst s8  }
0x11: {  	[smem:$0x3FB2] =	sst s9;
	s0 =	simm.s32 @!p0 $0x0  }
0x12: {  	s1 =	sld [smem:$0x3F98];
	s0 =	simm.s32 @p0 $0x1  }
0x13: {  	[smem:$0x3FB3] =	sst s0;
	s0 =	simm.s32 @!p1 $0x0  }
0x14: {  	s2 =	sld [smem:$0x3F97];
	s0 =	simm.s32 @p1 $0x1  }
0x15: {  	[smem:$0x3FB4] =	sst s0;
	s0 =	simm.s32 @!p2 $0x0  }
0x16: {  	s3 =	sld [smem:$0x3FDB];
	s0 =	simm.s32 @p2 $0x1  }
0x17: {  	s4 =	simm.s32 $0x1BF5;
	[smem:$0x3FB6] =	sst s0  }
0x18: {  	s0 =	sld [smem:$0x3F99];
	_ =	swait.ge [sflag:s4], $0x0  }
0x19: {  	s7 =	sld [smem:$0x3F9A]  }
0x1a: {  	s8 =	sadd.s32 $0xFFFFE003, lr  }
0x1b: {  	s9 =	sadd.s32 $0xFFFFFEF7, lr;
	s5 =	simm.s32 $0xFFFFFFFF;
	p2 =	slt.u32 s8, $0xFFFFF086  }
0x1c: {  	p1 =	slt.u32 s9, $0xF7A;
	s5 =	simm.s32 @!p2 $0x0  }
0x1d: {  	s5 =	simm.s32 @p1 $0x1;
	p0 =	seq.s32 s7, s2  }
0x1e: {  	s7 =	smul.u32 @!p0 $0xF7A, s2;
	p2 =	seq.s32 @!p0 s5, $0x0  }
0x1f: {  	s9 =	smul.u32 $0xF7A, s1;
	s8 =	simm.s32 @!p0 $0x1BF5;
	p2 =	por !p2, p0  }
0x20: {  	[sflag:s8] =	ssyncset.s32 @!p0 $0xFFFFF086;
	s6 =	sadd.s32 @!p0 s3, s7;
	s7 =	simm.s32 @!p0 $0x108  }
0x21: {  	s3 =	sadd.s32 s3, s9;
	s6 =	sadd.s32 @!p0 $0x88, s6;
	s7 =	simm.s32 @p2 $0x1082  }
0x22: {  	[simem:s7], [sflag:s8] =	dma.local @!p0 [hbm:s6], $0xF7A  }
0x23: {  	s9 =	sor.u32 $0xD0000000, s2;
	s6 =	simm.s32 $0x108;
	_ =	swait.ge @!p0 [sflag:s8], $0x0  }
0x24: {  	s3 =	sadd.s32 $0x88, s3;
	s6 =	simm.s32 @!p1 $0x1082;
	[sflag:s4] =	ssyncset.s32 $0xFFFFF086  }
0x25: {  	[simem:s6], [sflag:s4] =	dma.local [hbm:s3], $0xF7A  }
0x26: {  	[smem:$0x3F9A] =	sst s1;
	(tag) =	ssettag s2;
	_ =	strace s9  }
0x27: {  	s1 =	sld [smem:$0x3FAA]  }
0x28: {  	s2 =	sld [smem:$0x3FAB]  }
0x29: {  	s4 =	sld [smem:$0x3FAD]  }
0x2a: {  	p0 =	seq.s32 s5, $0x0;
	s5 =	sld [smem:$0x3FAE]  }
0x2b: {  	s6 =	sld [smem:$0x3FAF]  }
0x2c: {  	s7 =	sld [smem:$0x3FB0]  }
0x2d: {  	s3 =	simm.s32 $0x108;
	s8 =	sld [smem:$0x3FB1]  }
0x2e: {  	s3 =	simm.s32 @!p0 $0x1082;
	s9 =	sld [smem:$0x3FB2]  }
0x2f: {  	lr =	sadd.s32 s0, s3;
	s0 =	sld [smem:$0x3FA9]  }
0x30: {  	s3 =	sld [smem:$0x3FAC]  }
0x31: {  	[smem:$0x3FB5] =	sst s10  }
0x32: {  	s10 =	sld [smem:$0x3FB3];
	_ =	sdelay $0x3  }
0x33: {  	p0 =	seq.s32 s10, $0x1;
	s10 =	sld [smem:$0x3FB5];
	_ =	sdelay $0x3  }
0x34: {  	[smem:$0x3FB5] =	sst s10  }
0x35: {  	s10 =	sld [smem:$0x3FB4];
	_ =	sdelay $0x3  }
0x36: {  	p1 =	seq.s32 s10, $0x1;
	s10 =	sld [smem:$0x3FB5];
	_ =	sdelay $0x3  }
0x37: {  	[smem:$0x3FB5] =	sst s10  }
0x38: {  	s10 =	sld [smem:$0x3FB6]  }
0x39: {  	_ = 	snop;
	(pc) =	sbr.ind lr, $3  }
0x3a: {  	_ = 	snop  }
0x3b: {  	_ = 	snop  }
0x3c: {  	p2 =	seq.s32 s10, $0x1;
	s10 =	sld [smem:$0x3FB5]  }
0x3d: {  	_ =	shalt  }
0x3e: {  	_ =	shalt  }
0x3f: {  	_ =	shalt  }
0x40: {  	_ =	shalt  }
0x41: {  	_ =	shalt  }
0x42: {  	_ =	shalt  }
0x43: {  	_ =	shalt  }
0x44: {  	_ =	shalt  }
0x45: {  	_ =	shalt  }
0x46: {  	_ =	shalt  }
0x47: {  	_ =	shalt  }
0x48: {  	_ =	shalt  }
0x49: {  	_ =	shalt  }
0x4a: {  	_ =	shalt  }
0x4b: {  	_ =	shalt  }
0x4c: {  	_ =	shalt  }
0x4d: {  	_ =	shalt  }
0x4e: {  	_ =	shalt  }
0x4f: {  	_ =	shalt  }
0x50: {  	_ =	shalt  }
0x51: {  	_ =	shalt  }
0x52: {  	_ =	shalt  }
0x53: {  	_ =	shalt  }
0x54: {  	_ =	shalt  }
0x55: {  	_ =	shalt  }
0x56: {  	_ =	shalt  }
0x57: {  	_ =	shalt  }
0x58: {  	_ =	shalt  }
0x59: {  	_ =	shalt  }
0x5a: {  	_ =	shalt  }
0x5b: {  	_ =	shalt  }
0x5c: {  	_ =	shalt  }
0x5d: {  	_ =	shalt  }
0x5e: {  	_ =	shalt  }
0x5f: {  	_ =	shalt  }
0x60: {  	_ =	shalt  }
0x61: {  	_ =	shalt  }
0x62: {  	_ =	shalt  }
0x63: {  	_ =	shalt  }
0x64: {  	_ =	shalt  }
0x65: {  	_ =	shalt  }
0x66: {  	_ =	shalt  }
0x67: {  	_ =	shalt  }
0x68: {  	_ =	shalt  }
0x69: {  	_ =	shalt  }
0x6a: {  	_ =	shalt  }
0x6b: {  	_ =	shalt  }
0x6c: {  	_ =	shalt  }
0x6d: {  	_ =	shalt  }
0x6e: {  	_ =	shalt  }
0x6f: {  	_ =	shalt  }
0x70: {  	_ =	shalt  }
0x71: {  	_ =	shalt  }
0x72: {  	_ =	shalt  }
0x73: {  	_ =	shalt  }
0x74: {  	_ =	shalt  }
0x75: {  	_ =	shalt  }
0x76: {  	_ =	shalt  }
0x77: {  	_ =	shalt  }
0x78: {  	_ =	shalt  }
0x79: {  	_ =	shalt  }
0x7a: {  	_ =	shalt  }
0x7b: {  	_ =	shalt  }
0x7c: {  	_ =	shalt  }
0x7d: {  	_ =	shalt  }
0x7e: {  	_ =	shalt  }
0x7f: {  	_ =	shalt  }
0x80: {  	_ =	shalt  }
0x81: {  	_ =	shalt  }
0x82: {  	_ =	shalt  }
0x83: {  	_ =	shalt  }
0x84: {  	_ =	shalt  }
0x85: {  	_ =	shalt  }
0x86: {  	_ =	shalt  }
0x87: {  	_ =	shalt  }
.Lfunc_end0:
.L_simem_size_0:
called_computation_lowered:
.L_overlay_start_0:
0x88: {  	s2 =	sld [smem:$0x3FD9]  }
0x89: {  	s3 =	sld [smem:$0x3FFE];
	_ =	sdelay $0x1  }
0x8a: {  	s1 =	srdreg.scid  }
0x8b: {  	s0 =	sand.u32 $0x1, s1  }
0x8c: {  	s17 =	sshll.u32 s0, $0xA;
	s2 =	sadd.s32 s3, s2  }
0x8d: {  	s2 =	sadd.s32 s2, s17  }
0x8e: {  	[smem:$0x3FC1] =	sst s2  }
0x8f: {  	_ = 	snop  }
0x90: {  	s2 =	sld [smem:$0x3FC7]  }
0x91: {  	s18 =	sld [smem:$0x3FD0];
	(tm) =	ssettm $0x1  }
0x92: {  	s4 =	sld [smem:$0x3FFB];
	_ =	sdelay $0x3  }
0x93: {  	_ =	strace s4  }
0x94: {  	s4 =	sld [smem:$0x3FFC];
	_ =	sdelay $0x3  }
0x95: {  	_ =	strace s4  }
0x96: {  	s4 =	sld [smem:$0x3FFD];
	_ =	sdelay $0x3  }
0x97: {  	_ =	strace s4  }
0x98: {  	_ =	strace $0x8FFFFFFF  }
0x99: {  	s19 =	sld [smem:$0x3FDB];
	_ =	sdelay $0x1  }
0x9a: {  	s5 =	simm.s32 $_scs_section_size  }
0x9b: {  	s6 =	simm.s32 $_size__tile_overlayer_lowered;
	s7 =	simm.s32 $_tile_overlayer_lowered  }
0x9c: {  	s22 =	simm.s32 $0x1BFF;
	s21 =	sshll.u32 s7, $0x1;
	s4 =	sadd.s32 s5, s19  }
0x9d: {  	s8 =	simm.s32 $0x0;
	s20 =	sshll.u32 s6, $0x1;
	s6 =	sadd.s32 s21, s4  }
0x9e: {  	[timem:s8], [sflag:s22] =	dma.local [hbm:s6], s20  }
0x9f: {  	_ =	swait.ge [sflag:s22], s20  }
0xa0: {  	s5 =	ssub.s32 $0x0, s20;
	[sflag:s22] =	ssyncset.done $0x0  }
0xa1: {  	[sflag:s22] =	ssyncadd.s32 s5;
	_ =	sdelay $0x1  }
0xa2: {  	s23 =	simm.s32 $0x1B8B  }
0xa3: {  	_ =	swait.ge [sflag:s23], $0x1  }
0xa4: {  	[sflag:s23] =	ssyncset.done $0x0  }
0xa5: {  	s25 =	simm.s32 $0x1B8E;
	s24 =	sld [smem:$0x3FFE];
	[sflag:s23] =	ssyncadd.s32 $0xFFFFFFFF  }
0xa6: {  	s26 =	simm.s32 $execute0_lowered;
	[smem:$0x3FD2] =	sst s25  }
0xa7: {  	s6 =	sshll.u32 s26, $0x1;
	_ =	strace $0x80000046;
	[dreg:$0x1] =	wrdreg $0xFFFFFFFF  }
0xa8: {  	s28 =	simm.s32 $_size_execute0_lowered;
	s4 =	sadd.s32 s4, s6;
	[dreg:$0x0] =	wrdreg $0x0  }
0xa9: {  	s6 =	sshll.u32 s28, $0x1;
	[dreg:$0x2] =	wrdreg s4  }
0xaa: {  	[dreg:$0x3] =	wrdreg s6  }
0xab: {  	[dreg:$0x4] =	wrdreg $0xC0  }
0xac: {  	_ =	task [dreg:s8], $0x5FFFF  }
0xad: {  	[dreg:$0x1] =	wrdreg $0xFFFFFFFF  }
0xae: {  	[dreg:$0x0] =	wrdreg $0x60  }
0xaf: {  	[dreg:$0x2] =	wrdreg s24  }
0xb0: {  	[dreg:$0x3] =	wrdreg s18  }
0xb1: {  	[dreg:$0x4] =	wrdreg s2  }
0xb2: {  	[dreg:$0x5] =	wrdreg $0x54000  }
0xb3: {  	[dreg:$0x6] =	wrdreg $0x194000  }
0xb4: {  	[dreg:$0x7] =	wrdreg $0x9  }
0xb5: {  	_ =	task.clear_ibuf [dreg:s8], $0x8FFFF;
	_ =	strace $0x90000046  }
0xb6: {  	s29 =	simm.s32 $0x9;
	_ =	strace $0x80000048  }
0xb7: {  	_ =	swait.ge [sflag:s29], $0x1  }
0xb8: {  	[sflag:s29] =	ssyncadd.s32 $0xFFFFFFFF  }
0xb9: {  	_ =	strace $0x90000048  }
0xba: {  	_ =	sfence  }
0xbb: {  	s30 =	sld [smem:$0x0];
	_ =	sdelay $0x2  }
0xbc: {  	s31 =	sshll.u32 s1, $0xD;
	s1 =	sshrl.u32 s1, $0x2  }
0xbd: {  	s3 =	sand.u32 $0x4000, s31;
	s1 =	sadd.s32 s1, s30  }
0xbe: {  	s0 =	sor.u32 s3, s0;
	s1 =	sshll.u32 s1, $0x11  }
0xbf: {  	s0 =	sor.u32 s1, s0  }
0xc0: {  	s0 =	sadd.s32 $0x8F2B, s0  }
0xc1: {  	[sflag:s0] =	ssyncadd.remote.s32 $0x1  }
0xc2: {  	_ =	sfence.sel $0xFFFF  }
0xc3: {  	[dreg:$0x0] =	wrdreg $0xFFFFFFFF;
	(pc) =	sbr.abs _section_cstart, $3  }
0xc4: {  	[dreg:$0x1] =	wrdreg $0xFFFFFFFF  }
0xc5: {  	_ =	task.clear_ibuf [dreg:s8], $0x2FFFF;
	_ =	strace $0x9FFFFFFF  }
0xc6: {  	(tm) =	ssettm $0x7FFFFFFF  }
0xc7: {  	_ =	shalt  }
tec
execute0_lowered:
.L_overlay_start_1:
0x0: {  	(tag) =	ssettag $0x1  }
0x1: {  	s2 =	rddreg [dreg:$0x0]  }
0x2: {  	s0 =	rddreg [dreg:$0x1]  }
0x3: {  	s1 =	rddreg [dreg:$0x2];
	s15 =	stileid.u32  }
0x4: {  	s3 =	rddreg [dreg:$0x3];
	s4 =	simm.s32 $0x0;
	s7 =	smul.u32 $0x500, s15  }
0x5: {  	s5 =	srdreg.scid;
	s30 =	simm.s32 $0x2980;
	s10 =	smul.u32 $0x280, s15  }
0x6: {  	s31 =	simm.s32 $0x1;
	[smem:$0x7FF] =	sst s4;
	s16 =	smul.u32 $0x14000, s15  }
0x7: {  	s6 =	sadd.s32 $0x33600, s2;
	s5 =	sand.u32 $0x1, s5;
	s13 =	smul.u32 $0x2710, s15  }
0x8: {  	s8 =	sshll.u32 s5, $0x7;
	s9 =	ssub.s32 $0x2, s5;
	s11 =	smul.u32 $0x27100, s5  }
0x9: {  	s12 =	smul.u32 $0x140000, s5;
	s25 =	sshrl.u32 s9, $0x1;
	s26 =	sshll.u32 s10, $0x7  }
0xa: {  	s7 =	sor.u32 s8, s7;
	s8 =	ssub.s32 s9, s25;
	s19 =	sor.u32 $0x2800, s26  }
0xb: {  	s20 =	sadd.s32 $0x5000, s26;
	s21 =	sadd.s32 $0x7800, s26;
	s22 =	sadd.s32 $0xA000, s26  }
0xc: {  	s23 =	sadd.s32 $0xC800, s26;
	s24 =	sadd.s32 $0xF000, s26;
	s14 =	sadd.s32 s16, s12  }
0xd: {  	s9 =	sadd.s32 $0x11800, s26;
	s5 =	sadd.s32 s13, s11;
	s17 =	sshrl.u32 s14, $0x3  }
0xe: {  	s18 =	sadd.s32 s12, s19;
	s25 =	sadd.s32 s12, s20;
	s26 =	sadd.s32 s12, s21  }
0xf: {  	s14 =	rddreg [dreg:$0x4];
	s19 =	sadd.s32 s19, s3;
	s20 =	sadd.s32 s20, s3  }
0x10: {  	s21 =	sadd.s32 s21, s3;
	s29 =	smax.u32 s8, $0x1;
	s11 =	sadd.s32 s6, s17  }
0x11: {  	s13 =	sshrl.u32 s25, $0x3;
	s17 =	sshrl.u32 s26, $0x3;
	s25 =	sadd.s32 s12, s23  }
0x12: {  	s26 =	sadd.s32 s12, s24;
	s23 =	sadd.s32 s23, s3;
	s24 =	sadd.s32 s24, s3  }
0x13: {  	[dreg:$0x6] =	wrdreg s11;
	s11 =	sshrl.u32 s18, $0x3;
	s16 =	sadd.s32 s6, s13  }
0x14: {  	s18 =	sadd.s32 s12, s22;
	s13 =	sshrl.u32 s25, $0x3;
	s25 =	sshrl.u32 s7, $0x3  }
0x15: {  	s22 =	sadd.s32 s22, s3;
	s11 =	sadd.s32 s6, s11;
	[dreg:$0x8] =	wrdreg s16  }
0x16: {  	s7 =	simm.s32 $0x180;
	s13 =	sadd.s32 s6, s13;
	[dreg:$0x7] =	wrdreg s11  }
0x17: {  	s16 =	sshrl.u32 s26, $0x3;
	s11 =	sadd.s32 s6, s17;
	[dreg:$0xb] =	wrdreg s13  }
0x18: {  	s13 =	sadd.s32 s6, s16;
	[dreg:$0x9] =	wrdreg s11;
	s11 =	sshrl.u32 s18, $0x3  }
0x19: {  	s17 =	sadd.s32 s12, s9;
	s18 =	smul.u32 $0x50000, s15;
	s11 =	sadd.s32 s6, s11  }
0x1a: {  	s16 =	sadd.s32 $0xAC00, s2;
	[dreg:$0xa] =	wrdreg s11;
	s11 =	sshrl.u32 s17, $0x3  }
0x1b: {  	s26 =	sshrl.u32 s18, $0x2;
	s17 =	sadd.s32 $0xE00, s2;
	s15 =	sadd.s32 s6, s11  }
0x1c: {  	_ =	strace $0x80000047;
	s6 =	sadd.s32 s25, s2;
	s18 =	sadd.s32 s26, s3  }
0x1d: {  	s25 =	sadd.s32 s9, s3;
	s26 =	sadd.s32 s10, s14;
	s11 =	simm.s32 $0x80  }
0x1e: {  	v0 =	vimm.f32 $0.0e+00;
	s2 =	simm.s32 $0x100;
	s28 =	sadd.s32 $0x32C00, s6;
	s6 =	simm.s32 $0x50  }
.LBB2_1:
0x1f: {  	s8 =	simm.s32 $0x0;
	s9 =	simm.s32 $0x200  }
.LBB2_2:
0x20: {  	p0 =	sne.s32 s9, $0x9E00;
	[tilespmem:s8+$0x29F0] =	vst v0  }
0x21: {  	[tilespmem:s8+$0x2980] =	vst v0  }
0x22: {  	[tilespmem:s8+$0x2990] =	vst v0  }
.Ltmp0:
0x23: {  	[tilespmem:s8+$0x29A0] =	vst v0;
	(pc) =	sbr.rel @p0 .LBB2_2-.Ltmp0, $4  }
0x24: {  	[tilespmem:s8+$0x29B0] =	vst v0  }
0x25: {  	[tilespmem:s8+$0x29C0] =	vst v0  }
0x26: {  	[tilespmem:s8+$0x29D0] =	vst v0  }
0x27: {  	[tilespmem:s8+$0x29E0] =	vst v0;
	s8 =	sshra.s32 s9, $0x2;
	s9 =	sadd.s32 $0x200, s9  }
0x28: {  	[tilespmem:s8+$0x29F0] =	vst v0  }
0x29: {  	[tilespmem:s8+$0x2980] =	vst v0  }
0x2a: {  	[tilespmem:s8+$0x2990] =	vst v0  }
0x2b: {  	[tilespmem:s8+$0x29A0] =	vst v0  }
0x2c: {  	[tilespmem:s8+$0x29B0] =	vst v0  }
0x2d: {  	[tilespmem:s8+$0x29C0] =	vst v0  }
0x2e: {  	[tilespmem:s8+$0x29D0] =	vst v0  }
0x2f: {  	[tilespmem:s8+$0x29E0] =	vst v0  }
0x30: {  	[tilespmem:$0x5180] =	vst v0  }
0x31: {  	[tilespmem:$0x5190] =	vst v0  }
0x32: {  	[tilespmem:$0x51A0] =	vst v0  }
0x33: {  	[tilespmem:$0x51B0] =	vst v0  }
0x34: {  	[tilespmem:$0x51C0] =	vst v0  }
0x35: {  	[tilespmem:$0x51D0] =	vst v0  }
0x36: {  	[tilespmem:$0x51E0] =	vst v0  }
0x37: {  	[tilespmem:$0x51F0] =	vst v0  }
0x38: {  	[tilespmem:$0x5200] =	vst v0  }
0x39: {  	[tilespmem:$0x5210] =	vst v0  }
0x3a: {  	[tilespmem:$0x5220] =	vst v0  }
0x3b: {  	[tilespmem:$0x5230] =	vst v0  }
0x3c: {  	[tilespmem:$0x5240] =	vst v0  }
0x3d: {  	[tilespmem:$0x5250] =	vst v0  }
0x3e: {  	[tilespmem:$0x5260] =	vst v0  }
0x3f: {  	[tilespmem:$0x5270] =	vst v0  }
0x40: {  	[tilespmem:$0x5280] =	vst v0  }
0x41: {  	[tilespmem:$0x5290] =	vst v0  }
0x42: {  	[tilespmem:$0x52A0] =	vst v0  }
0x43: {  	[tilespmem:$0x52B0] =	vst v0  }
0x44: {  	[tilespmem:$0x52C0] =	vst v0  }
0x45: {  	[tilespmem:$0x52D0] =	vst v0  }
0x46: {  	[tilespmem:$0x52E0] =	vst v0  }
0x47: {  	[tilespmem:$0x52F0] =	vst v0  }
0x48: {  	[tilespmem:$0x5300] =	vst v0  }
0x49: {  	[tilespmem:$0x5310] =	vst v0  }
0x4a: {  	[tilespmem:$0x5320] =	vst v0  }
0x4b: {  	[tilespmem:$0x5330] =	vst v0  }
0x4c: {  	[tilespmem:$0x5340] =	vst v0  }
0x4d: {  	[tilespmem:$0x5350] =	vst v0  }
0x4e: {  	[tilespmem:$0x5360] =	vst v0  }
0x4f: {  	[tilespmem:$0x5370] =	vst v0  }
0x50: {  	[tilespmem:$0x5380] =	vst v0  }
0x51: {  	[tilespmem:$0x5390] =	vst v0  }
0x52: {  	[tilespmem:$0x53A0] =	vst v0  }
0x53: {  	[tilespmem:$0x53B0] =	vst v0  }
0x54: {  	[tilespmem:$0x53C0] =	vst v0  }
0x55: {  	[tilespmem:$0x53D0] =	vst v0  }
0x56: {  	[tilespmem:$0x53E0] =	vst v0  }
0x57: {  	[tilespmem:$0x53F0] =	vst v0  }
0x58: {  	[spmem:s18] =	stream.linear.scatter [tilespmem:s30], [sflag:$0x1], $0x2800, $0x38;
	[tilespmem:$0x19680] =	vst v63  }
0x59: {  	_ =	swait.ge [sflag:s31], $0x2800  }
0x5a: {  	[sflag:s31] =	ssyncset.done $0x0  }
0x5b: {  	[sflag:s31] =	ssyncadd.s32 $0xFFFFD800  }
0x5c: {  	[spmem:s19] =	stream.linear.scatter [tilespmem:s30], [sflag:$0x1], $0x2800, $0x38;
	[tilespmem:$0x19680] =	vst v63  }
0x5d: {  	_ =	swait.ge [sflag:s31], $0x2800  }
0x5e: {  	[sflag:s31] =	ssyncset.done $0x0  }
0x5f: {  	[sflag:s31] =	ssyncadd.s32 $0xFFFFD800  }
0x60: {  	[spmem:s20] =	stream.linear.scatter [tilespmem:s30], [sflag:$0x1], $0x2800, $0x38;
	[tilespmem:$0x19680] =	vst v63  }
0x61: {  	_ =	swait.ge [sflag:s31], $0x2800  }
0x62: {  	[sflag:s31] =	ssyncset.done $0x0  }
0x63: {  	[sflag:s31] =	ssyncadd.s32 $0xFFFFD800  }
0x64: {  	[spmem:s21] =	stream.linear.scatter [tilespmem:s30], [sflag:$0x1], $0x2800, $0x38;
	[tilespmem:$0x19680] =	vst v63  }
0x65: {  	_ =	swait.ge [sflag:s31], $0x2800  }
0x66: {  	[sflag:s31] =	ssyncset.done $0x0  }
0x67: {  	[sflag:s31] =	ssyncadd.s32 $0xFFFFD800  }
0x68: {  	[spmem:s22] =	stream.linear.scatter [tilespmem:s30], [sflag:$0x1], $0x2800, $0x38;
	[tilespmem:$0x19680] =	vst v63  }
0x69: {  	_ =	swait.ge [sflag:s31], $0x2800  }
0x6a: {  	[sflag:s31] =	ssyncset.done $0x0  }
0x6b: {  	[sflag:s31] =	ssyncadd.s32 $0xFFFFD800  }
0x6c: {  	[spmem:s23] =	stream.linear.scatter [tilespmem:s30], [sflag:$0x1], $0x2800, $0x38;
	[tilespmem:$0x19680] =	vst v63  }
0x6d: {  	_ =	swait.ge [sflag:s31], $0x2800  }
0x6e: {  	[sflag:s31] =	ssyncset.done $0x0  }
0x6f: {  	[sflag:s31] =	ssyncadd.s32 $0xFFFFD800  }
0x70: {  	[spmem:s24] =	stream.linear.scatter [tilespmem:s30], [sflag:$0x1], $0x2800, $0x38;
	[tilespmem:$0x19680] =	vst v63  }
0x71: {  	_ =	swait.ge [sflag:s31], $0x2800  }
0x72: {  	[sflag:s31] =	ssyncset.done $0x0  }
0x73: {  	[sflag:s31] =	ssyncadd.s32 $0xFFFFD800  }
0x74: {  	[spmem:s25] =	stream.linear.scatter [tilespmem:s30], [sflag:$0x1], $0x2800, $0x38;
	[tilespmem:$0x19680] =	vst v63  }
0x75: {  	_ =	swait.ge [sflag:s31], $0x2800  }
0x76: {  	[sflag:s31] =	ssyncset.done $0x0  }
0x77: {  	s12 =	simm.s32 $0x5180;
	[sflag:s31] =	ssyncadd.s32 $0xFFFFD800  }
0x78: {  	[spmem:s26] =	stream.linear.scatter [tilespmem:s12], [sflag:$0x1], $0x280, $0x38;
	[tilespmem:$0x19680] =	vst v63  }
0x79: {  	_ =	swait.ge [sflag:s31], $0x280  }
0x7a: {  	[sflag:s31] =	ssyncset.done $0x0  }
0x7b: {  	[sflag:s31] =	ssyncadd.s32 $0xFFFFFD80  }
0x7c: {  	s8 =	simm.s32 $0x0;
	s9 =	simm.s32 $0x0;
	[bflag:$0x0] =	sbarrier.arrive $0xFFFF  }
.LBB2_4:
0x7d: {  	s10 =	smul.u32 $0x50, s9;
	_ =	sdelay $0x1  }
0x7e: {  	s10 =	sadd.s32 s10, s5  }
0x7f: {  	s10 =	sshrl.u32 s10, $0x3  }
0x80: {  	s12 =	sadd.s32 s17, s10  }
0x81: {  	[tilespmem:s8], [sflag:$0x1] =	stream.linear.gather [hbm4b:s12+s8], $0x50, $0x38;
	[tilespmem:$0x19680] =	vst v63  }
0x82: {  	_ =	swait.ge [sflag:s31], $0x50  }
0x83: {  	[sflag:s31] =	ssyncset.done $0x0  }
0x84: {  	s12 =	sadd.s32 s0, s10;
	[sflag:s31] =	ssyncadd.s32 $0xFFFFFFB0  }
0x85: {  	[tilespmem:s11], [sflag:$0x1] =	stream.linear.gather [hbm4b:s12+s8], $0x50, $0x38;
	[tilespmem:$0x19680] =	vst v63  }
0x86: {  	_ =	swait.ge [sflag:s31], $0x50  }
0x87: {  	[sflag:s31] =	ssyncset.done $0x0  }
0x88: {  	s10 =	sadd.s32 s1, s10;
	[sflag:s31] =	ssyncadd.s32 $0xFFFFFFB0  }
0x89: {  	[tilespmem:s2], [sflag:$0x1] =	stream.linear.gather [hbm4b:s10+s8], $0x50, $0x38;
	[tilespmem:$0x19680] =	vst v63  }
0x8a: {  	_ =	swait.ge [sflag:s31], $0x50  }
0x8b: {  	[sflag:s31] =	ssyncset.done $0x0  }
0x8c: {  	[sflag:s31] =	ssyncadd.s32 $0xFFFFFFB0  }
0x8d: {  	[tilespmem:s7], [sflag:$0x1] =	stream.indirect.gather [hbm4b:s16+s6], $0x80, s8, s6, $0xb8;
	[tilespmem:$0x19680] =	vst v63  }
0x8e: {  	_ =	swait.ge [sflag:s31], $0x2800  }
0x8f: {  	[sflag:s31] =	ssyncset.done $0x0  }
0x90: {  	s10 =	simm.s32 $0x0;
	[sflag:s31] =	ssyncadd.s32 $0xFFFFD800  }
.LBB2_5:
0x91: {  	s12 =	sshll.u32 s10, $0x4  }
0x92: {  	s12 =	sand.u32 $0x3FFFFFF0, s12  }
0x93: {  	v1 =	vld [tilespmem:s12+$0x100];
	s12 =	sshll.u32 s10, $0xB  }
0x94: {  	s12 =	sand.u32 $0x3FFFF800, s12  }
0x95: {  	v2 =	vld [tilespmem:s12+$0x180]  }
0x96: {  	v3 =	vld [tilespmem:s12+$0x190]  }
0x97: {  	v4 =	vld [tilespmem:s12+$0x1A0]  }
0x98: {  	v6 =	vld [tilespmem:s12+$0x1B0];
	v5 =	vbroadcast v1, $0x0  }
0x99: {  	v7 =	vld [tilespmem:s12+$0x1C0]  }
0x9a: {  	v8 =	vld [tilespmem:s12+$0x1D0];
	v2 =	vmul.f32 v5, v2  }
0x9b: {  	v9 =	vld [tilespmem:s12+$0x1E0];
	v3 =	vmul.f32 v3, v5  }
0x9c: {  	v34 =	vld [tilespmem:s12+$0x1F0];
	[tilespmem:s12+$0x180] =	vst v2;
	v2 =	vmul.f32 v4, v5  }
0x9d: {  	v35 =	vld [tilespmem:s12+$0x200];
	[tilespmem:s12+$0x190] =	vst v3;
	v3 =	vmul.f32 v6, v5  }
0x9e: {  	v36 =	vld [tilespmem:s12+$0x210];
	[tilespmem:s12+$0x1A0] =	vst v2;
	v2 =	vmul.f32 v7, v5  }
0x9f: {  	v37 =	vld [tilespmem:s12+$0x220];
	[tilespmem:s12+$0x1B0] =	vst v3;
	v3 =	vmul.f32 v8, v5  }
0xa0: {  	v10 =	vld [tilespmem:s12+$0x230];
	v38 =	vbroadcast v1, $0x1;
	[tilespmem:s12+$0x1C0] =	vst v2;
	v2 =	vmul.f32 v9, v5  }
0xa1: {  	v39 =	vld [tilespmem:s12+$0x240];
	[tilespmem:s12+$0x1D0] =	vst v3;
	v3 =	vmul.f32 v34, v5  }
0xa2: {  	v40 =	vld [tilespmem:s12+$0x250];
	[tilespmem:s12+$0x1E0] =	vst v2;
	v2 =	vmul.f32 v35, v38  }
0xa3: {  	v41 =	vld [tilespmem:s12+$0x260];
	[tilespmem:s12+$0x1F0] =	vst v3;
	v3 =	vmul.f32 v36, v38  }
0xa4: {  	v42 =	vld [tilespmem:s12+$0x270];
	[tilespmem:s12+$0x200] =	vst v2;
	v2 =	vmul.f32 v37, v38  }
0xa5: {  	v43 =	vld [tilespmem:s12+$0x280];
	[tilespmem:s12+$0x210] =	vst v3;
	v3 =	vmul.f32 v10, v38  }
0xa6: {  	v44 =	vld [tilespmem:s12+$0x290];
	[tilespmem:s12+$0x220] =	vst v2;
	v2 =	vmul.f32 v39, v38  }
0xa7: {  	v45 =	vld [tilespmem:s12+$0x2A0];
	[tilespmem:s12+$0x230] =	vst v3;
	v3 =	vmul.f32 v40, v38  }
0xa8: {  	v47 =	vld [tilespmem:s12+$0x2B0];
	v46 =	vbroadcast v1, $0x2;
	[tilespmem:s12+$0x240] =	vst v2;
	v2 =	vmul.f32 v41, v38  }
0xa9: {  	v48 =	vld [tilespmem:s12+$0x2C0];
	[tilespmem:s12+$0x250] =	vst v3;
	v3 =	vmul.f32 v42, v38  }
0xaa: {  	v49 =	vld [tilespmem:s12+$0x2D0];
	[tilespmem:s12+$0x260] =	vst v2;
	v2 =	vmul.f32 v43, v46  }
0xab: {  	v50 =	vld [tilespmem:s12+$0x2E0];
	[tilespmem:s12+$0x270] =	vst v3;
	v3 =	vmul.f32 v44, v46  }
0xac: {  	v51 =	vld [tilespmem:s12+$0x2F0];
	[tilespmem:s12+$0x280] =	vst v2;
	v2 =	vmul.f32 v45, v46  }
0xad: {  	v52 =	vld [tilespmem:s12+$0x300];
	[tilespmem:s12+$0x290] =	vst v3;
	v3 =	vmul.f32 v47, v46  }
0xae: {  	v53 =	vld [tilespmem:s12+$0x310];
	[tilespmem:s12+$0x2A0] =	vst v2;
	v2 =	vmul.f32 v48, v46  }
0xaf: {  	v54 =	vld [tilespmem:s12+$0x320];
	[tilespmem:s12+$0x2B0] =	vst v3;
	v3 =	vmul.f32 v49, v46  }
0xb0: {  	v56 =	vld [tilespmem:s12+$0x330];
	v55 =	vbroadcast v1, $0x3;
	[tilespmem:s12+$0x2C0] =	vst v2;
	v2 =	vmul.f32 v50, v46  }
0xb1: {  	v57 =	vld [tilespmem:s12+$0x340];
	[tilespmem:s12+$0x2D0] =	vst v3;
	v3 =	vmul.f32 v51, v46  }
0xb2: {  	v58 =	vld [tilespmem:s12+$0x350];
	[tilespmem:s12+$0x2E0] =	vst v2;
	v2 =	vmul.f32 v52, v55  }
0xb3: {  	v59 =	vld [tilespmem:s12+$0x360];
	[tilespmem:s12+$0x2F0] =	vst v3;
	v3 =	vmul.f32 v53, v55  }
0xb4: {  	v60 =	vld [tilespmem:s12+$0x370];
	[tilespmem:s12+$0x300] =	vst v2;
	v2 =	vmul.f32 v54, v55  }
0xb5: {  	v61 =	vld [tilespmem:s12+$0x380];
	[tilespmem:s12+$0x310] =	vst v3;
	v3 =	vmul.f32 v56, v55  }
0xb6: {  	v62 =	vld [tilespmem:s12+$0x390];
	[tilespmem:s12+$0x320] =	vst v2;
	v2 =	vmul.f32 v57, v55  }
0xb7: {  	v63 =	vld [tilespmem:s12+$0x3A0];
	[tilespmem:s12+$0x330] =	vst v3;
	v3 =	vmul.f32 v58, v55  }
0xb8: {  	v13 =	vld [tilespmem:s12+$0x3B0];
	v12 =	vbroadcast v1, $0x4;
	[tilespmem:s12+$0x340] =	vst v2;
	v2 =	vmul.f32 v59, v55  }
0xb9: {  	v14 =	vld [tilespmem:s12+$0x3C0];
	[tilespmem:s12+$0x350] =	vst v3;
	v3 =	vmul.f32 v60, v55  }
0xba: {  	v15 =	vld [tilespmem:s12+$0x3D0];
	[tilespmem:s12+$0x360] =	vst v2;
	v2 =	vmul.f32 v61, v12  }
0xbb: {  	v16 =	vld [tilespmem:s12+$0x3E0];
	[tilespmem:s12+$0x370] =	vst v3;
	v3 =	vmul.f32 v62, v12  }
0xbc: {  	v17 =	vld [tilespmem:s12+$0x3F0];
	[tilespmem:s12+$0x380] =	vst v2;
	v2 =	vmul.f32 v63, v12  }
0xbd: {  	v18 =	vld [tilespmem:s12+$0x400];
	[tilespmem:s12+$0x390] =	vst v3;
	v3 =	vmul.f32 v13, v12  }
0xbe: {  	v19 =	vld [tilespmem:s12+$0x410];
	[tilespmem:s12+$0x3A0] =	vst v2;
	v2 =	vmul.f32 v14, v12  }
0xbf: {  	v20 =	vld [tilespmem:s12+$0x420];
	[tilespmem:s12+$0x3B0] =	vst v3;
	v3 =	vmul.f32 v15, v12  }
0xc0: {  	v22 =	vld [tilespmem:s12+$0x430];
	v21 =	vbroadcast v1, $0x5;
	[tilespmem:s12+$0x3C0] =	vst v2;
	v2 =	vmul.f32 v16, v12  }
0xc1: {  	v23 =	vld [tilespmem:s12+$0x440];
	[tilespmem:s12+$0x3D0] =	vst v3;
	v3 =	vmul.f32 v17, v12  }
0xc2: {  	v24 =	vld [tilespmem:s12+$0x450];
	[tilespmem:s12+$0x3E0] =	vst v2;
	v2 =	vmul.f32 v18, v21  }
0xc3: {  	v25 =	vld [tilespmem:s12+$0x460];
	[tilespmem:s12+$0x3F0] =	vst v3;
	v3 =	vmul.f32 v19, v21  }
0xc4: {  	v26 =	vld [tilespmem:s12+$0x470];
	[tilespmem:s12+$0x400] =	vst v2;
	v2 =	vmul.f32 v20, v21  }
0xc5: {  	v27 =	vld [tilespmem:s12+$0x480];
	[tilespmem:s12+$0x410] =	vst v3;
	v3 =	vmul.f32 v22, v21  }
0xc6: {  	v28 =	vld [tilespmem:s12+$0x490];
	[tilespmem:s12+$0x420] =	vst v2;
	v2 =	vmul.f32 v23, v21  }
0xc7: {  	v29 =	vld [tilespmem:s12+$0x4A0];
	[tilespmem:s12+$0x430] =	vst v3;
	v3 =	vmul.f32 v24, v21  }
0xc8: {  	v31 =	vld [tilespmem:s12+$0x4B0];
	v30 =	vbroadcast v1, $0x6;
	[tilespmem:s12+$0x440] =	vst v2;
	v2 =	vmul.f32 v25, v21  }
0xc9: {  	v32 =	vld [tilespmem:s12+$0x4C0];
	[tilespmem:s12+$0x450] =	vst v3;
	v3 =	vmul.f32 v26, v21  }
0xca: {  	v33 =	vld [tilespmem:s12+$0x4D0];
	[tilespmem:s12+$0x460] =	vst v2;
	v2 =	vmul.f32 v27, v30  }
0xcb: {  	v34 =	vld [tilespmem:s12+$0x4E0];
	[tilespmem:s12+$0x470] =	vst v3;
	v3 =	vmul.f32 v28, v30  }
0xcc: {  	v35 =	vld [tilespmem:s12+$0x4F0];
	[tilespmem:s12+$0x480] =	vst v2;
	v2 =	vmul.f32 v29, v30  }
0xcd: {  	v36 =	vld [tilespmem:s12+$0x500];
	[tilespmem:s12+$0x490] =	vst v3;
	v3 =	vmul.f32 v31, v30  }
0xce: {  	v37 =	vld [tilespmem:s12+$0x510];
	[tilespmem:s12+$0x4A0] =	vst v2;
	v2 =	vmul.f32 v32, v30  }
0xcf: {  	v38 =	vld [tilespmem:s12+$0x520];
	[tilespmem:s12+$0x4B0] =	vst v3;
	v3 =	vmul.f32 v33, v30  }
0xd0: {  	v39 =	vbroadcast v1, $0x7;
	v40 =	vld [tilespmem:s12+$0x530];
	[tilespmem:s12+$0x4C0] =	vst v2;
	v2 =	vmul.f32 v34, v30  }
0xd1: {  	v41 =	vld [tilespmem:s12+$0x540];
	[tilespmem:s12+$0x4D0] =	vst v3;
	v3 =	vmul.f32 v35, v30  }
0xd2: {  	v42 =	vld [tilespmem:s12+$0x550];
	[tilespmem:s12+$0x4E0] =	vst v2;
	v2 =	vmul.f32 v36, v39  }
0xd3: {  	v43 =	vld [tilespmem:s12+$0x560];
	[tilespmem:s12+$0x4F0] =	vst v3;
	v3 =	vmul.f32 v37, v39  }
0xd4: {  	v44 =	vld [tilespmem:s12+$0x570];
	[tilespmem:s12+$0x500] =	vst v2;
	v2 =	vmul.f32 v38, v39  }
0xd5: {  	v45 =	vld [tilespmem:s12+$0x580];
	[tilespmem:s12+$0x510] =	vst v3;
	v3 =	vmul.f32 v40, v39  }
0xd6: {  	v46 =	vld [tilespmem:s12+$0x590];
	[tilespmem:s12+$0x520] =	vst v2;
	v2 =	vmul.f32 v41, v39  }
0xd7: {  	v47 =	vld [tilespmem:s12+$0x5A0];
	[tilespmem:s12+$0x530] =	vst v3;
	v3 =	vmul.f32 v42, v39  }
0xd8: {  	v48 =	vbroadcast v1, $0x8;
	v49 =	vld [tilespmem:s12+$0x5B0];
	[tilespmem:s12+$0x540] =	vst v2;
	v2 =	vmul.f32 v43, v39  }
0xd9: {  	v50 =	vld [tilespmem:s12+$0x5C0];
	[tilespmem:s12+$0x550] =	vst v3;
	v3 =	vmul.f32 v44, v39  }
0xda: {  	v51 =	vld [tilespmem:s12+$0x5D0];
	[tilespmem:s12+$0x560] =	vst v2;
	v2 =	vmul.f32 v45, v48  }
0xdb: {  	v52 =	vld [tilespmem:s12+$0x5E0];
	[tilespmem:s12+$0x570] =	vst v3;
	v3 =	vmul.f32 v46, v48  }
0xdc: {  	v53 =	vld [tilespmem:s12+$0x5F0];
	[tilespmem:s12+$0x580] =	vst v2;
	v2 =	vmul.f32 v47, v48  }
0xdd: {  	v54 =	vld [tilespmem:s12+$0x600];
	[tilespmem:s12+$0x590] =	vst v3;
	v3 =	vmul.f32 v49, v48  }
0xde: {  	v55 =	vld [tilespmem:s12+$0x610];
	[tilespmem:s12+$0x5A0] =	vst v2;
	v2 =	vmul.f32 v50, v48  }
0xdf: {  	v56 =	vld [tilespmem:s12+$0x620];
	[tilespmem:s12+$0x5B0] =	vst v3;
	v3 =	vmul.f32 v51, v48  }
0xe0: {  	v57 =	vbroadcast v1, $0x9;
	v58 =	vld [tilespmem:s12+$0x630];
	[tilespmem:s12+$0x5C0] =	vst v2;
	v2 =	vmul.f32 v52, v48  }
0xe1: {  	v59 =	vld [tilespmem:s12+$0x640];
	[tilespmem:s12+$0x5D0] =	vst v3;
	v3 =	vmul.f32 v53, v48  }
0xe2: {  	v60 =	vld [tilespmem:s12+$0x650];
	[tilespmem:s12+$0x5E0] =	vst v2;
	v2 =	vmul.f32 v54, v57  }
0xe3: {  	v61 =	vld [tilespmem:s12+$0x660];
	[tilespmem:s12+$0x5F0] =	vst v3;
	v3 =	vmul.f32 v55, v57  }
0xe4: {  	v62 =	vld [tilespmem:s12+$0x670];
	[tilespmem:s12+$0x600] =	vst v2;
	v2 =	vmul.f32 v56, v57  }
0xe5: {  	v63 =	vld [tilespmem:s12+$0x680];
	[tilespmem:s12+$0x610] =	vst v3;
	v3 =	vmul.f32 v58, v57  }
0xe6: {  	v12 =	vld [tilespmem:s12+$0x690];
	[tilespmem:s12+$0x620] =	vst v2;
	v2 =	vmul.f32 v59, v57  }
0xe7: {  	v13 =	vld [tilespmem:s12+$0x6A0];
	[tilespmem:s12+$0x630] =	vst v3;
	v3 =	vmul.f32 v60, v57  }
0xe8: {  	v14 =	vbroadcast v1, $0xA;
	v15 =	vld [tilespmem:s12+$0x6B0];
	[tilespmem:s12+$0x640] =	vst v2;
	v2 =	vmul.f32 v61, v57  }
0xe9: {  	v16 =	vld [tilespmem:s12+$0x6C0];
	[tilespmem:s12+$0x650] =	vst v3;
	v3 =	vmul.f32 v62, v57  }
0xea: {  	v17 =	vld [tilespmem:s12+$0x6D0];
	[tilespmem:s12+$0x660] =	vst v2;
	v2 =	vmul.f32 v63, v14  }
0xeb: {  	v18 =	vld [tilespmem:s12+$0x6E0];
	[tilespmem:s12+$0x670] =	vst v3;
	v3 =	vmul.f32 v12, v14  }
0xec: {  	v19 =	vld [tilespmem:s12+$0x6F0];
	[tilespmem:s12+$0x680] =	vst v2;
	v2 =	vmul.f32 v13, v14  }
0xed: {  	v20 =	vld [tilespmem:s12+$0x700];
	[tilespmem:s12+$0x690] =	vst v3;
	v3 =	vmul.f32 v15, v14  }
0xee: {  	v21 =	vld [tilespmem:s12+$0x710];
	[tilespmem:s12+$0x6A0] =	vst v2;
	v2 =	vmul.f32 v16, v14  }
0xef: {  	v22 =	vld [tilespmem:s12+$0x720];
	[tilespmem:s12+$0x6B0] =	vst v3;
	v3 =	vmul.f32 v17, v14  }
0xf0: {  	v23 =	vbroadcast v1, $0xB;
	v24 =	vld [tilespmem:s12+$0x730];
	[tilespmem:s12+$0x6C0] =	vst v2;
	v2 =	vmul.f32 v18, v14  }
0xf1: {  	v25 =	vld [tilespmem:s12+$0x740];
	[tilespmem:s12+$0x6D0] =	vst v3;
	v3 =	vmul.f32 v19, v14  }
0xf2: {  	v26 =	vld [tilespmem:s12+$0x750];
	[tilespmem:s12+$0x6E0] =	vst v2;
	v2 =	vmul.f32 v20, v23  }
0xf3: {  	v27 =	vld [tilespmem:s12+$0x760];
	[tilespmem:s12+$0x6F0] =	vst v3;
	v3 =	vmul.f32 v21, v23  }
0xf4: {  	v28 =	vld [tilespmem:s12+$0x770];
	[tilespmem:s12+$0x700] =	vst v2;
	v2 =	vmul.f32 v22, v23  }
0xf5: {  	v29 =	vld [tilespmem:s12+$0x780];
	[tilespmem:s12+$0x710] =	vst v3;
	v3 =	vmul.f32 v24, v23  }
0xf6: {  	v30 =	vld [tilespmem:s12+$0x790];
	[tilespmem:s12+$0x720] =	vst v2;
	v2 =	vmul.f32 v25, v23  }
0xf7: {  	v31 =	vld [tilespmem:s12+$0x7A0];
	[tilespmem:s12+$0x730] =	vst v3;
	v3 =	vmul.f32 v26, v23  }
0xf8: {  	v32 =	vbroadcast v1, $0xC;
	v33 =	vld [tilespmem:s12+$0x7B0];
	[tilespmem:s12+$0x740] =	vst v2;
	v2 =	vmul.f32 v27, v23  }
0xf9: {  	v34 =	vld [tilespmem:s12+$0x7C0];
	[tilespmem:s12+$0x750] =	vst v3;
	v3 =	vmul.f32 v28, v23  }
0xfa: {  	v35 =	vld [tilespmem:s12+$0x7D0];
	[tilespmem:s12+$0x760] =	vst v2;
	v2 =	vmul.f32 v29, v32  }
0xfb: {  	v36 =	vld [tilespmem:s12+$0x7E0];
	[tilespmem:s12+$0x770] =	vst v3;
	v3 =	vmul.f32 v30, v32  }
0xfc: {  	v37 =	vld [tilespmem:s12+$0x7F0];
	[tilespmem:s12+$0x780] =	vst v2;
	v2 =	vmul.f32 v31, v32  }
0xfd: {  	v38 =	vld [tilespmem:s12+$0x800];
	[tilespmem:s12+$0x790] =	vst v3;
	v3 =	vmul.f32 v33, v32  }
0xfe: {  	v39 =	vld [tilespmem:s12+$0x810];
	[tilespmem:s12+$0x7A0] =	vst v2;
	v2 =	vmul.f32 v34, v32  }
0xff: {  	v40 =	vld [tilespmem:s12+$0x820];
	[tilespmem:s12+$0x7B0] =	vst v3;
	v3 =	vmul.f32 v35, v32  }
0x100: {  	v41 =	vbroadcast v1, $0xD;
	v42 =	vld [tilespmem:s12+$0x830];
	[tilespmem:s12+$0x7C0] =	vst v2;
	v2 =	vmul.f32 v36, v32  }
0x101: {  	v43 =	vld [tilespmem:s12+$0x840];
	[tilespmem:s12+$0x7D0] =	vst v3;
	v3 =	vmul.f32 v37, v32  }
0x102: {  	v44 =	vld [tilespmem:s12+$0x850];
	[tilespmem:s12+$0x7E0] =	vst v2;
	v2 =	vmul.f32 v38, v41  }
0x103: {  	v45 =	vld [tilespmem:s12+$0x860];
	[tilespmem:s12+$0x7F0] =	vst v3;
	v3 =	vmul.f32 v39, v41  }
0x104: {  	v46 =	vld [tilespmem:s12+$0x870];
	[tilespmem:s12+$0x800] =	vst v2;
	v2 =	vmul.f32 v40, v41  }
0x105: {  	v47 =	vld [tilespmem:s12+$0x880];
	[tilespmem:s12+$0x810] =	vst v3;
	v3 =	vmul.f32 v42, v41  }
0x106: {  	v48 =	vld [tilespmem:s12+$0x890];
	[tilespmem:s12+$0x820] =	vst v2;
	v2 =	vmul.f32 v43, v41  }
0x107: {  	v49 =	vld [tilespmem:s12+$0x8A0];
	[tilespmem:s12+$0x830] =	vst v3;
	v3 =	vmul.f32 v44, v41  }
0x108: {  	v50 =	vbroadcast v1, $0xE;
	v51 =	vld [tilespmem:s12+$0x8B0];
	[tilespmem:s12+$0x840] =	vst v2;
	v2 =	vmul.f32 v45, v41  }
0x109: {  	v52 =	vld [tilespmem:s12+$0x8C0];
	[tilespmem:s12+$0x850] =	vst v3;
	v3 =	vmul.f32 v46, v41  }
0x10a: {  	v53 =	vld [tilespmem:s12+$0x8D0];
	[tilespmem:s12+$0x860] =	vst v2;
	v2 =	vmul.f32 v47, v50  }
0x10b: {  	v54 =	vld [tilespmem:s12+$0x8E0];
	[tilespmem:s12+$0x870] =	vst v3;
	v3 =	vmul.f32 v48, v50  }
0x10c: {  	v55 =	vld [tilespmem:s12+$0x8F0];
	[tilespmem:s12+$0x880] =	vst v2;
	v2 =	vmul.f32 v49, v50  }
0x10d: {  	v56 =	vld [tilespmem:s12+$0x900];
	[tilespmem:s12+$0x890] =	vst v3;
	v3 =	vmul.f32 v51, v50  }
0x10e: {  	v57 =	vld [tilespmem:s12+$0x910];
	[tilespmem:s12+$0x8A0] =	vst v2;
	v2 =	vmul.f32 v52, v50  }
0x10f: {  	v58 =	vld [tilespmem:s12+$0x920];
	[tilespmem:s12+$0x8B0] =	vst v3;
	v3 =	vmul.f32 v53, v50  }
0x110: {  	v1 =	vbroadcast v1, $0xF;
	v59 =	vld [tilespmem:s12+$0x930];
	[tilespmem:s12+$0x8C0] =	vst v2;
	v2 =	vmul.f32 v54, v50  }
0x111: {  	v60 =	vld [tilespmem:s12+$0x940];
	[tilespmem:s12+$0x8D0] =	vst v3;
	v3 =	vmul.f32 v55, v50  }
0x112: {  	v61 =	vld [tilespmem:s12+$0x950];
	[tilespmem:s12+$0x8E0] =	vst v2;
	v2 =	vmul.f32 v56, v1  }
0x113: {  	v62 =	vld [tilespmem:s12+$0x960];
	[tilespmem:s12+$0x8F0] =	vst v3;
	v3 =	vmul.f32 v57, v1  }
0x114: {  	v63 =	vld [tilespmem:s12+$0x970];
	[tilespmem:s12+$0x900] =	vst v2;
	v2 =	vmul.f32 v58, v1  }
0x115: {  	[tilespmem:s12+$0x910] =	vst v3;
	v3 =	vmul.f32 v59, v1  }
0x116: {  	p0 =	sne.s32 s10, $0x4;
	[tilespmem:s12+$0x920] =	vst v2;
	v2 =	vmul.f32 v60, v1  }
.Ltmp1:
0x117: {  	[tilespmem:s12+$0x930] =	vst v3;
	v3 =	vmul.f32 v61, v1;
	(pc) =	sbr.rel @p0 .LBB2_5-.Ltmp1, $4  }
0x118: {  	[tilespmem:s12+$0x940] =	vst v2;
	v2 =	vmul.f32 v62, v1  }
0x119: {  	[tilespmem:s12+$0x950] =	vst v3;
	v1 =	vmul.f32 v63, v1  }
0x11a: {  	[tilespmem:s12+$0x960] =	vst v2  }
0x11b: {  	s10 =	sadd.s32 $0x1, s10;
	[tilespmem:s12+$0x970] =	vst v1  }
0x11c: {  	[spmem:s3] =	stream.indirect.scatter.add.f32 [tilespmem:s7], [sflag:$0x1], $0x80, s11, s6, $0xb8;
	[tilespmem:$0x19680] =	vst v63  }
0x11d: {  	s9 =	sadd.s32 $0x1, s9;
	_ =	swait.ge [sflag:s31], $0x2800  }
0x11e: {  	p0 =	sne.s32 s9, $0x7D;
	[sflag:s31] =	ssyncset.done $0x0  }
.Ltmp2:
0x11f: {  	[sflag:s31] =	ssyncadd.s32 $0xFFFFD800;
	(pc) =	sbr.rel @p0 .LBB2_4-.Ltmp2, $4  }
0x120: {  	[spmem:s14] =	stream.indirect.scatter.add.f32 [tilespmem:s2], [sflag:$0x1], $0x1, s11, s6, $0xb8;
	[tilespmem:$0x19680] =	vst v63  }
0x121: {  	_ =	swait.ge [sflag:s31], $0x50  }
0x122: {  	[sflag:s31] =	ssyncset.done $0x0  }
0x123: {  	[sflag:s31] =	ssyncadd.s32 $0xFFFFFFB0  }
0x124: {  	s8 =	stileid.u32  }
0x125: {  	[bflag:$0x0] =	sbarrier.arrive $0xFFFF;
	s8 =	sshll.u32 s8, $0x6  }
0x126: {  	s9 =	sshrl.u32 s18, $0x3;
	s10 =	rddreg [dreg:$0x6];
	s8 =	sor.u32 $0x1C01, s8  }
0x127: {  	[hbm:s10], [sflag:s8] =	dma.local [spmem:s9], $0x500  }
0x128: {  	_ =	swait.ge [sflag:s31], $0x500  }
0x129: {  	[sflag:s31] =	ssyncset.done $0x0  }
0x12a: {  	s10 =	sshrl.u32 s19, $0x3;
	s12 =	rddreg [dreg:$0x7];
	[sflag:s31] =	ssyncadd.s32 $0xFFFFFB00  }
0x12b: {  	[hbm:s12], [sflag:s8] =	dma.local [spmem:s10], $0x500  }
0x12c: {  	_ =	swait.ge [sflag:s31], $0x500  }
0x12d: {  	[sflag:s31] =	ssyncset.done $0x0  }
0x12e: {  	s10 =	sshrl.u32 s20, $0x3;
	s12 =	rddreg [dreg:$0x8];
	[sflag:s31] =	ssyncadd.s32 $0xFFFFFB00  }
0x12f: {  	[hbm:s12], [sflag:s8] =	dma.local [spmem:s10], $0x500  }
0x130: {  	_ =	swait.ge [sflag:s31], $0x500  }
0x131: {  	[sflag:s31] =	ssyncset.done $0x0  }
0x132: {  	s10 =	sshrl.u32 s21, $0x3;
	s12 =	rddreg [dreg:$0x9];
	[sflag:s31] =	ssyncadd.s32 $0xFFFFFB00  }
0x133: {  	[hbm:s12], [sflag:s8] =	dma.local [spmem:s10], $0x500  }
0x134: {  	_ =	swait.ge [sflag:s31], $0x500  }
0x135: {  	[sflag:s31] =	ssyncset.done $0x0  }
0x136: {  	s10 =	sshrl.u32 s22, $0x3;
	s12 =	rddreg [dreg:$0xa];
	[sflag:s31] =	ssyncadd.s32 $0xFFFFFB00  }
0x137: {  	[hbm:s12], [sflag:s8] =	dma.local [spmem:s10], $0x500  }
0x138: {  	_ =	swait.ge [sflag:s31], $0x500  }
0x139: {  	[sflag:s31] =	ssyncset.done $0x0  }
0x13a: {  	s10 =	sshrl.u32 s23, $0x3;
	s12 =	rddreg [dreg:$0xb];
	[sflag:s31] =	ssyncadd.s32 $0xFFFFFB00  }
0x13b: {  	[hbm:s12], [sflag:s8] =	dma.local [spmem:s10], $0x500  }
0x13c: {  	_ =	swait.ge [sflag:s31], $0x500  }
0x13d: {  	[sflag:s31] =	ssyncset.done $0x0  }
0x13e: {  	s10 =	sshrl.u32 s24, $0x3;
	[sflag:s31] =	ssyncadd.s32 $0xFFFFFB00  }
0x13f: {  	[hbm:s13], [sflag:s8] =	dma.local [spmem:s10], $0x500  }
0x140: {  	_ =	swait.ge [sflag:s31], $0x500  }
0x141: {  	[sflag:s31] =	ssyncset.done $0x0  }
0x142: {  	s4 =	sadd.s32 $0x1, s4;
	s12 =	sshrl.u32 s25, $0x3;
	[sflag:s31] =	ssyncadd.s32 $0xFFFFFB00  }
0x143: {  	[hbm:s15], [sflag:s8] =	dma.local [spmem:s12], $0x500  }
0x144: {  	p0 =	sne.s32 s4, s29;
	_ =	swait.ge [sflag:s31], $0x500  }
0x145: {  	s9 =	sshrl.u32 s26, $0x3;
	s10 =	simm.s32 $0x20;
	[sflag:s31] =	ssyncset.done $0x0  }
.Ltmp3:
0x146: {  	s12 =	simm.s32 $0x10;
	[sflag:s31] =	ssyncadd.s32 $0xFFFFFB00;
	(pc) =	sbr.rel @p0 .LBB2_1-.Ltmp3, $4  }
0x147: {  	[hbm:s28@s10], [sflag:s8] =	dma.strided [spmem:s9@s12], $0x50, s31, $0x10   }
0x148: {  	_ =	swait.ge [sflag:s31], $0x50  }
0x149: {  	[sflag:s31] =	ssyncset.done $0x0  }
0x14a: {  	[sflag:s31] =	ssyncadd.s32 $0xFFFFFFB0  }
0x14b: {  	_ =	sfence.sel $0x180000  }
0x14c: {  	[bflag:$0x0] =	sbarrier.arrive $0xFFFF  }
0x14d: {  	_ =	strace $0x90000047  }
0x14e: {  	s0 =	stileid.u32;
	[bflag:$0x2] =	sbarrier.arrive $0xFFFF  }
0x14f: {  	p0 =	sne.s32 s0, $0x0;
	s0 =	rddreg [dreg:$0x5]  }
0x150: {  	s0 =	sadd.s32 @!p0 $0x100000, s0  }
0x151: {  	[sflag:s0] =	ssyncadd.tile.s32 @!p0 $0x1;
	_ =	shalt  }
.Lfunc_end2:
_tile_overlayer_lowered:
.L_overlay_start_2:
0x152: {  	(tag) =	ssettag $0x2  }
0x153: {  	s0 =	rddreg [dreg:$0x0];
	s2 =	stileid.u32  }
0x154: {  	s1 =	rddreg [dreg:$0x1];
	p0 =	sne.s32 s2, $0x0  }
0x155: {  	s3 =	rddreg [dreg:$0x2];
	[bflag:$0x3] =	sbarrier.arrive $0xFFFF;
	s2 =	simm.s32 @!p0 $0x1C01  }
0x156: {  	[timem:s3], [sflag:s2] =	dma.local @!p0 [hbm:s0], s1  }
0x157: {  	s0 =	simm.s32 @!p0 $0x1  }
0x158: {  	_ =	swait.ge @!p0 [sflag:s0], s1  }
0x159: {  	s1 =	ssub.s32 @!p0 $0x0, s1;
	[sflag:s0] =	ssyncset.done @!p0 $0x0  }
0x15a: {  	[sflag:s0] =	ssyncadd.s32 @!p0 s1  }
0x15b: {  	[bflag:$0x3] =	sbarrier.arrive $0xFFFF  }
0x15c: {  	_ =	shalt  }

</sc_bundles>
